<compile_context>
chip_gen: v7x
topology: tpu7x:2x2x1
jax: 0.10.2.dev20260603
libtpu: 0.0.44.dev20260713+nightly
codegen_flags: <defaults>
</compile_context>

<pallas_src>
import functools

import jax
import jax.numpy as jnp
from jax import lax
from jax.experimental import pallas as pl
from jax.experimental.pallas import tpu as pltpu
from jax.experimental.pallas import tpu_sc as plsc

_K = 16
_NEG = 0.2
_ALPHA = 2.0
_NP = 10240
_BR = 512
_CT = 2048
_BIG = 2 ** 30


def _proj_body(x_ref, wl_ref, wr_ref, hl_ref, hr_ref):
    x = x_ref[...]
    hl_ref[...] = jnp.dot(x, wl_ref[...], preferred_element_type=jnp.float32)
    hr_ref[...] = jnp.dot(x, wr_ref[...], preferred_element_type=jnp.float32)


def _proj(x, wl, wr):
    n, d = x.shape
    o = wl.shape[1]
    br = 512
    return pl.pallas_call(
        _proj_body,
        grid=(pl.cdiv(n, br),),
        in_specs=[pl.BlockSpec((br, d), lambda i: (i, 0)),
                  pl.BlockSpec((d, o), lambda i: (0, 0)),
                  pl.BlockSpec((d, o), lambda i: (0, 0))],
        out_specs=[pl.BlockSpec((br, o), lambda i: (i, 0)),
                   pl.BlockSpec((br, o), lambda i: (i, 0))],
        out_shape=[jax.ShapeDtypeStruct((n, o), jnp.float32),
                   jax.ShapeDtypeStruct((n, o), jnp.float32)],
    )(x, wl, wr)


def _knn_body(n_real, xb_ref, sqr_ref, xall_ref, sqc_ref, idx_ref, strip_ref):
    ib = pl.program_id(0)
    br = xb_ref.shape[0]
    np_ = xall_ref.shape[0]
    nct = np_ // _CT
    xb = xb_ref[...]
    sqr = sqr_ref[...]
    inf = jnp.float32(jnp.inf)

    def build(c, carry):
        m, mi = carry
        xc = xall_ref[pl.ds(c * _CT, _CT), :]
        dot = lax.dot_general(xb, xc, (((1,), (1,)), ((), ())),
                              preferred_element_type=jnp.float32)
        sqc = sqc_ref[:, pl.ds(c * _CT, _CT)]
        d2 = (sqr + sqc) - 2.0 * dot
        col = lax.broadcasted_iota(jnp.int32, (br, _CT), 1) + c * _CT
        rowg = lax.broadcasted_iota(jnp.int32, (br, _CT), 0) + ib * br
        d2 = jnp.where(col == rowg, inf, d2)
        d2 = jnp.where(col >= n_real, inf, d2)
        strip_ref[:, pl.ds(c * _CT, _CT)] = d2
        tm = jnp.min(d2, axis=1, keepdims=True)
        ti = jnp.min(jnp.where(d2 == tm, col, _BIG), axis=1, keepdims=True)
        better = (tm < m) | ((tm == m) & (ti < mi))
        return (jnp.where(better, tm, m), jnp.where(better, ti, mi))

    bm0 = jnp.full((br, 1), inf, jnp.float32)
    bi0 = jnp.full((br, 1), _BIG, jnp.int32)
    _, mi0 = lax.fori_loop(0, nct, build, (bm0, bi0))

    def select_k(k, carry):
        idx_acc, prev_mi = carry

        def scan(c, sc):
            m, mi = sc
            t = strip_ref[:, pl.ds(c * _CT, _CT)]
            col = lax.broadcasted_iota(jnp.int32, (br, _CT), 1) + c * _CT
            t = jnp.where(col == prev_mi, inf, t)
            strip_ref[:, pl.ds(c * _CT, _CT)] = t
            tm = jnp.min(t, axis=1, keepdims=True)
            ti = jnp.min(jnp.where(t == tm, col, _BIG), axis=1, keepdims=True)
            better = (tm < m) | ((tm == m) & (ti < mi))
            return (jnp.where(better, tm, m), jnp.where(better, ti, mi))

        m0 = jnp.full((br, 1), inf, jnp.float32)
        i0 = jnp.full((br, 1), _BIG, jnp.int32)
        _, mi = lax.fori_loop(0, nct, scan, (m0, i0))
        lane = lax.broadcasted_iota(jnp.int32, (br, _K), 1)
        return (idx_acc + jnp.where(lane == k, mi, 0), mi)

    lane0 = lax.broadcasted_iota(jnp.int32, (br, _K), 1)
    idx0 = jnp.where(lane0 == 0, mi0, 0)
    idx_ref[...] = lax.fori_loop(1, _K, select_k, (idx0, mi0))[0]


def _knn(x_pad, sq_pad, n_real):
    np_, d = x_pad.shape
    body = functools.partial(_knn_body, n_real)
    return pl.pallas_call(
        body,
        grid=(np_ // _BR,),
        in_specs=[pl.BlockSpec((_BR, d), lambda i: (i, 0)),
                  pl.BlockSpec((_BR, 1), lambda i: (i, 0)),
                  pl.BlockSpec((np_, d), lambda i: (0, 0)),
                  pl.BlockSpec((1, np_), lambda i: (0, 0))],
        out_specs=pl.BlockSpec((_BR, _K), lambda i: (i, 0)),
        out_shape=jax.ShapeDtypeStruct((np_, _K), jnp.int32),
        scratch_shapes=[pltpu.VMEM((_BR, np_), jnp.float32)],
    )(x_pad, sq_pad.reshape(np_, 1), x_pad, sq_pad.reshape(1, np_))


def _sc_gather(table, idx_flat):
    info = plsc.get_sparse_core_info()
    nw = info.num_cores * info.num_subcores
    b, d = idx_flat.shape[0], table.shape[1]
    ch = 128
    bpw = b // nw
    nch = bpw // ch
    mesh = plsc.VectorSubcoreMesh(core_axis_name="c", subcore_axis_name="s")
    nc = info.num_cores

    @functools.partial(
        pl.kernel, mesh=mesh,
        out_type=jax.ShapeDtypeStruct((b, d), jnp.float32),
        scratch_types=[pltpu.VMEM((ch,), jnp.int32),
                       pltpu.VMEM((ch, d), jnp.float32),
                       pltpu.SemaphoreType.DMA],
    )
    def gat(table_hbm, idx_hbm, out_hbm, idx_c, rows_v, sem):
        wid = lax.axis_index("s") * nc + lax.axis_index("c")
        base = wid * bpw

        def body(c, _):
            off = base + c * ch
            pltpu.sync_copy(idx_hbm.at[pl.ds(off, ch)], idx_c)
            pltpu.async_copy(table_hbm.at[idx_c], rows_v, sem).wait()
            pltpu.sync_copy(rows_v, out_hbm.at[pl.ds(off, ch)])
            return 0

        lax.fori_loop(0, nch, body, 0)

    return gat(table, idx_flat)


def _att_body(hl_ref, hrj_ref, att_ref, b_ref, out_ref):
    br = hl_ref.shape[0]
    def rbf(v):
        return v.astype(jnp.bfloat16).astype(jnp.float32)

    hl = hl_ref[...]
    att_b = rbf(att_ref[...])
    lane = lax.broadcasted_iota(jnp.int32, (br, _K), 1)
    logits = jnp.zeros((br, _K), jnp.float32)
    for k in range(_K):
        e = hl + hrj_ref[:, k, :]
        e = jnp.where(e > 0, e, _NEG * e)
        s = jnp.sum(rbf(e) * att_b, axis=1, keepdims=True)
        logits = logits + jnp.where(lane == k, s, 0.0)
    mx = jnp.max(logits, axis=1, keepdims=True)
    ex = jnp.exp(logits - mx)
    a = rbf(ex / jnp.sum(ex, axis=1, keepdims=True))
    acc = jnp.zeros_like(hl)
    for k in range(_K):
        acc = acc + a[:, k:k + 1] * rbf(hrj_ref[:, k, :])
    out_ref[...] = acc + b_ref[...]


def _att(hl, hrj3, att, b):
    n, o = hl.shape
    br = 256
    return pl.pallas_call(
        _att_body,
        grid=(pl.cdiv(n, br),),
        in_specs=[pl.BlockSpec((br, o), lambda i: (i, 0)),
                  pl.BlockSpec((br, _K, o), lambda i: (i, 0, 0)),
                  pl.BlockSpec((1, o), lambda i: (0, 0)),
                  pl.BlockSpec((1, o), lambda i: (0, 0))],
        out_specs=pl.BlockSpec((br, o), lambda i: (i, 0)),
        out_shape=jax.ShapeDtypeStruct((n, o), jnp.float32),
    )(hl, hrj3, att, b)


def _mlp_body(cat_ref, wm1_ref, bm1_ref, wm2_ref, bm2_ref, wg_ref, bg_ref,
              geod_ref, y_ref):
    m = jnp.dot(cat_ref[...], wm1_ref[...],
                preferred_element_type=jnp.float32) + bm1_ref[...]
    m = jnp.maximum(m, 0.0)
    m = jnp.dot(m, wm2_ref[...],
                preferred_element_type=jnp.float32) + bm2_ref[...]
    m = jnp.maximum(m, 0.0)
    y = jnp.dot(m, wg_ref[...],
                preferred_element_type=jnp.float32) + bg_ref[...]
    y_ref[...] = y * (1.0 - jnp.exp(-_ALPHA * geod_ref[...]))


def _mlp(cat, wm1, bm1, wm2, bm2, wg, bg, geod):
    n, dc = cat.shape
    br = 512
    return pl.pallas_call(
        _mlp_body,
        grid=(pl.cdiv(n, br),),
        in_specs=[pl.BlockSpec((br, dc), lambda i: (i, 0)),
                  pl.BlockSpec((dc, 256), lambda i: (0, 0)),
                  pl.BlockSpec((1, 256), lambda i: (0, 0)),
                  pl.BlockSpec((256, 64), lambda i: (0, 0)),
                  pl.BlockSpec((1, 64), lambda i: (0, 0)),
                  pl.BlockSpec((64, 3), lambda i: (0, 0)),
                  pl.BlockSpec((1, 3), lambda i: (0, 0)),
                  pl.BlockSpec((br, 1), lambda i: (i, 0))],
        out_specs=pl.BlockSpec((br, 3), lambda i: (i, 0)),
        out_shape=jax.ShapeDtypeStruct((n, 3), jnp.float32),
    )(cat, wm1, bm1.reshape(1, -1), wm2, bm2.reshape(1, -1), wg,
      bg.reshape(1, -1), geod)


def _layer(h, wl, wr, att, b):
    n = h.shape[0]
    o = wl.shape[1]
    hl, hr = _proj(h, wl, wr)
    sq = jnp.sum(h * h, axis=1)
    x_pad = jnp.pad(h, ((0, _NP - n), (0, 0)))
    sq_pad = jnp.pad(sq, (0, _NP - n))
    idx = _knn(x_pad, sq_pad, n)[:n]
    bflat = n * _K
    bpad = ((bflat + 4095) // 4096) * 4096
    idx_flat = jnp.pad(idx.reshape(-1), (0, bpad - bflat))
    hrj = _sc_gather(hr, idx_flat)[:bflat]
    hrj3 = hrj.reshape(n, _K, o)
    return _att(hl, hrj3, att.reshape(1, -1), b.reshape(1, -1))


def kernel(x, Wl1, Wr1, a1, b1, Wl2, Wr2, a2, b2, Wl3, Wr3, a3, b3,
           Wl4, Wr4, a4, b4, Wm1, bm1, Wm2, bm2, Wg, bg, geod):
    h1 = _layer(x, Wl1, Wr1, a1, b1)
    h2 = _layer(h1, Wl2, Wr2, a2, b2)
    h3 = _layer(h2, Wl3, Wr3, a3, b3)
    h4 = _layer(h3, Wl4, Wr4, a4, b4)
    cat = jnp.concatenate([x, h1, h2, h3, h4], axis=1)
    return _mlp(cat, Wm1, bm1, Wm2, bm2, Wg, bg, geod)

# --- scband reference (transcript-rebuilt; emitter-appended) ---
"""Pipeline reference for scband-displacer-net-5987184411088 (READ-ONLY COPY).

The authoritative reference and input builder live on the scoring server;
editing this copy changes nothing except your own understanding.
"""

import jax, jax.numpy as jnp
import numpy as np

K = 16
NEG_SLOPE = 0.2
ALPHA = 2.0  # -log(1 - 0.9*boundary_incidence_scale_factor)/max_edge_length placeholder


def _knn_idx(x, k):
    # dynamic kNN graph on current features (DGCNN/GAT-on-kNN style)
    sq = jnp.sum(x * x, axis=1)
    d2 = sq[:, None] + sq[None, :] - 2.0 * (x @ x.T)
    n = x.shape[0]
    d2 = d2.at[jnp.arange(n), jnp.arange(n)].set(jnp.inf)
    _, idx = jax.lax.top_k(-d2, k)
    return idx  # [N, k]


def _gatv2(x, Wl, Wr, att, b):
    idx = _knn_idx(jax.lax.stop_gradient(x), K)
    hl = x @ Wl                      # [N, out] (target / i)
    hr = x @ Wr                      # [N, out] (source / j)
    hr_j = hr[idx]                   # gather: [N, K, out]
    e = hl[:, None, :] + hr_j
    e = jnp.where(e > 0, e, NEG_SLOPE * e)   # LeakyReLU (GATv2 order)
    logits = jnp.einsum('nko,o->nk', e, att)
    a = jax.nn.softmax(logits, axis=1)
    out = jnp.einsum('nk,nko->no', a, hr_j) + b
    return out


def _forward(x, Wl1, Wr1, a1, b1, Wl2, Wr2, a2, b2, Wl3, Wr3, a3, b3, Wl4, Wr4, a4, b4,
             Wm1, bm1, Wm2, bm2, Wg, bg, geod):
    h1 = _gatv2(x, Wl1, Wr1, a1, b1)
    h2 = _gatv2(h1, Wl2, Wr2, a2, b2)
    h3 = _gatv2(h2, Wl3, Wr3, a3, b3)
    h4 = _gatv2(h3, Wl4, Wr4, a4, b4)
    cat = jnp.concatenate([x, h1, h2, h3, h4], axis=1)  # [N, 128+4*256]
    m = jax.nn.relu(cat @ Wm1 + bm1)
    m = jax.nn.relu(m @ Wm2 + bm2)
    # GeodLinear: linear to 3 displacement channels, scaled by
    # (1 - exp(-alpha * geodesic_distance)) so boundary nodes stay fixed
    y = (m @ Wg + bg) * (1.0 - jnp.exp(-ALPHA * geod))
    return y


def setup_inputs(seed: int = 0) -> dict:
    key = jax.random.key(seed)
    N, D = 10000, 128
    ks = iter(jax.random.split(key, 64))
    inp = {}
    inp['x'] = jax.random.normal(next(ks), (N, D), dtype=jnp.float32)
    dims = [(128, 256), (256, 256), (256, 256), (256, 256)]
    for i, (din, dout) in enumerate(dims):
        s = 1.0 / np.sqrt(din)
        inp[f'Wl{i+1}'] = jax.random.normal(next(ks), (din, dout), dtype=jnp.float32) * s
        inp[f'Wr{i+1}'] = jax.random.normal(next(ks), (din, dout), dtype=jnp.float32) * s
        inp[f'a{i+1}'] = jax.random.normal(next(ks), (dout,), dtype=jnp.float32) * (1.0 / np.sqrt(dout))
        inp[f'b{i+1}'] = jnp.zeros((dout,), dtype=jnp.float32)
    dcat = 128 + 4 * 256
    inp['Wm1'] = jax.random.normal(next(ks), (dcat, 256), dtype=jnp.float32) * (1.0 / np.sqrt(dcat))
    inp['bm1'] = jnp.zeros((256,), dtype=jnp.float32)
    inp['Wm2'] = jax.random.normal(next(ks), (256, 64), dtype=jnp.float32) * (1.0 / 16.0)
    inp['bm2'] = jnp.zeros((64,), dtype=jnp.float32)
    inp['Wg'] = jax.random.uniform(next(ks), (64, 3), dtype=jnp.float32, minval=-1e-4, maxval=1e-4)
    inp['bg'] = jnp.zeros((3,), dtype=jnp.float32)
    inp['geod'] = jax.random.uniform(next(ks), (N, 1), dtype=jnp.float32, minval=0.0, maxval=1.0)
    return inp


def reference(x, Wl1, Wr1, a1, b1, Wl2, Wr2, a2, b2, Wl3, Wr3, a3, b3, Wl4, Wr4, a4, b4,
              Wm1, bm1, Wm2, bm2, Wg, bg, geod):
    return _forward(x, Wl1, Wr1, a1, b1, Wl2, Wr2, a2, b2, Wl3, Wr3, a3, b3, Wl4, Wr4, a4, b4,
                    Wm1, bm1, Wm2, bm2, Wg, bg, geod)

if __name__ == "__main__":
    import jax
    _d = setup_inputs()
    print(jax.jit(kernel)(*tuple(_d.values())))

</pallas_src>

<mosaic_0001>
#map = affine_map<(d0, d1) -> (0, 0)>
#map1 = affine_map<(d0, d1) -> (0)>
module attributes {stable_mosaic.version = 14 : i64} {
  func.func @gat(%arg0: i32, %arg1: i32, %arg2: memref<10000x256xf32, #tpu.memory_space<hbm>>, %arg3: memref<163840xi32, #tpu.memory_space<hbm>>, %arg4: memref<163840x256xf32, #tpu.memory_space<hbm>>, %arg5: memref<128xi32, #tpu.memory_space<vmem>>, %arg6: memref<128x256xf32, #tpu.memory_space<vmem>>, %arg7: memref<!tpu.dma_semaphore, #tpu.memory_space<semaphore_mem>>) attributes {dimension_semantics = [#tpu.dimension_semantics<core_parallel>, #tpu.dimension_semantics<subcore_parallel>], iteration_bounds = array<i64: 2, 16>, scalar_prefetch = 0 : i64, scratch_operands = 3 : i64, tpu.core_type = #tpu.core_type<sc_vector_subcore>, window_params = [{transform_indices = #map}, {transform_indices = #map1}, {transform_indices = #map}]} {
    %mul3A = arith.constant 2 : i32
    %mul3A_0 = arith.muli %arg1, %mul3A : i32
    %add3A = arith.addi %mul3A_0, %arg0 : i32
    %mul3A_1 = arith.constant 5120 : i32
    %mul3A_2 = arith.muli %add3A, %mul3A_1 : i32
    %scan3A = arith.constant 0 : i32
    %scan3A_3 = arith.constant 0 : i32
    %scan3A_4 = arith.constant 40 : i32
    %scan3A_5 = arith.addi %scan3A_3, %scan3A_4 : i32
    %scan3A_6 = arith.constant 1 : i32
    %scan3A_7 = scf.for %scan3A_9 = %scan3A_3 to %scan3A_5 step %scan3A_6 iter_args(%scan3A_10 = %scan3A) -> (i32)  : i32 {
      %mul3A_11 = arith.constant 128 : i32
      %mul3A_12 = arith.muli %scan3A_9, %mul3A_11 : i32
      %add3A_13 = arith.addi %mul3A_2, %mul3A_12 : i32
      "tpu.region"() ({
        %run_scoped3A = tpu.sem_alloc : memref<!tpu.dma_semaphore, #tpu.memory_space<semaphore_mem>>
        %dma_start3A_19 = tpu.memref_slice %arg3[%add3A_13] : memref<163840xi32, #tpu.memory_space<hbm>> -> memref<128xi32, #tpu.memory_space<hbm>>
        %dma_start3A_20 = tpu.memref_slice %arg3[%add3A_13] : memref<163840xi32, #tpu.memory_space<hbm>> -> memref<128xi32, #tpu.memory_space<hbm>>
        tpu.enqueue_dma source(%dma_start3A_20 : memref<128xi32, #tpu.memory_space<hbm>>) target(%arg5 : memref<128xi32, #tpu.memory_space<vmem>>) target_semaphore(%run_scoped3A : memref<!tpu.dma_semaphore, #tpu.memory_space<semaphore_mem>>)
        %dma_wait3A_21 = tpu.memref_slice %arg3[%add3A_13] : memref<163840xi32, #tpu.memory_space<hbm>> -> memref<128xi32, #tpu.memory_space<hbm>>
        %dma_wait3A_22 = tpu.memref_slice %arg3[%add3A_13] : memref<163840xi32, #tpu.memory_space<hbm>> -> memref<128xi32, #tpu.memory_space<hbm>>
        tpu.wait_dma2 semaphore(%run_scoped3A : memref<!tpu.dma_semaphore, #tpu.memory_space<semaphore_mem>>) src(%dma_wait3A_22 : memref<128xi32, #tpu.memory_space<hbm>>) dst(%arg5 : memref<128xi32, #tpu.memory_space<vmem>>)
        tpu.yield
      }) : () -> ()
      %dma_start3A = arith.constant 0 : i32
      %dma_start3A_14 = arith.constant 0 : i32
      %dma_start3A_15 = tpu.memref_slice %arg2[%dma_start3A, %dma_start3A_14] : memref<10000x256xf32, #tpu.memory_space<hbm>> -> memref<10000x256xf32, #tpu.memory_space<hbm>>
      tpu.enqueue_indirect_dma source(%dma_start3A_15 : memref<10000x256xf32, #tpu.memory_space<hbm>>) target(%arg6 : memref<128x256xf32, #tpu.memory_space<vmem>>) offsets(%arg5 : memref<128xi32, #tpu.memory_space<vmem>>) semaphore(%arg7 : memref<!tpu.dma_semaphore, #tpu.memory_space<semaphore_mem>>)
      %dma_wait3A = arith.constant 0 : i32
      %dma_wait3A_16 = arith.constant 0 : i32
      %dma_wait3A_17 = tpu.memref_slice %arg2[%dma_wait3A, %dma_wait3A_16] : memref<10000x256xf32, #tpu.memory_space<hbm>> -> memref<10000x256xf32, #tpu.memory_space<hbm>>
      tpu.wait_indirect_dma semaphore(%arg7 : memref<!tpu.dma_semaphore, #tpu.memory_space<semaphore_mem>>) src(%dma_wait3A_17 : memref<10000x256xf32, #tpu.memory_space<hbm>>) dst(%arg6 : memref<128x256xf32, #tpu.memory_space<vmem>>)
      "tpu.region"() ({
        %run_scoped3A = tpu.sem_alloc : memref<!tpu.dma_semaphore, #tpu.memory_space<semaphore_mem>>
        %dma_start3A_19 = arith.constant 0 : i32
        %dma_start3A_20 = tpu.memref_slice %arg4[%add3A_13, %dma_start3A_19] : memref<163840x256xf32, #tpu.memory_space<hbm>> -> memref<128x256xf32, #tpu.memory_space<hbm>>
        %dma_start3A_21 = arith.constant 0 : i32
        %dma_start3A_22 = tpu.memref_slice %arg4[%add3A_13, %dma_start3A_21] : memref<163840x256xf32, #tpu.memory_space<hbm>> -> memref<128x256xf32, #tpu.memory_space<hbm>>
        tpu.enqueue_dma source(%arg6 : memref<128x256xf32, #tpu.memory_space<vmem>>) target(%dma_start3A_22 : memref<128x256xf32, #tpu.memory_space<hbm>>) target_semaphore(%run_scoped3A : memref<!tpu.dma_semaphore, #tpu.memory_space<semaphore_mem>>)
        %dma_wait3A_23 = arith.constant 0 : i32
        %dma_wait3A_24 = tpu.memref_slice %arg4[%add3A_13, %dma_wait3A_23] : memref<163840x256xf32, #tpu.memory_space<hbm>> -> memref<128x256xf32, #tpu.memory_space<hbm>>
        %dma_wait3A_25 = arith.constant 0 : i32
        %dma_wait3A_26 = tpu.memref_slice %arg4[%add3A_13, %dma_wait3A_25] : memref<163840x256xf32, #tpu.memory_space<hbm>> -> memref<128x256xf32, #tpu.memory_space<hbm>>
        tpu.wait_dma2 semaphore(%run_scoped3A : memref<!tpu.dma_semaphore, #tpu.memory_space<semaphore_mem>>) src(%arg6 : memref<128x256xf32, #tpu.memory_space<vmem>>) dst(%dma_wait3A_26 : memref<128x256xf32, #tpu.memory_space<hbm>>)
        tpu.yield
      }) : () -> ()
      %scan3A_18 = arith.constant 0 : i32
      scf.yield %scan3A_18 : i32
    }
    %scan3A_8 = arith.constant 40 : i32
    return
  }
}

#map = affine_map<(d0, d1) -> (0, 0)>
#map1 = affine_map<(d0, d1) -> (0)>
module attributes {stable_mosaic.version = 14 : i64} {
  func.func @gat(%arg0: i32, %arg1: i32, %arg2: memref<10000x256xf32, #tpu.memory_space<hbm>>, %arg3: memref<163840xi32, #tpu.memory_space<hbm>>, %arg4: memref<163840x256xf32, #tpu.memory_space<hbm>>, %arg5: memref<128xi32, #tpu.memory_space<vmem>>, %arg6: memref<128x256xf32, #tpu.memory_space<vmem>>, %arg7: memref<!tpu.dma_semaphore, #tpu.memory_space<semaphore_mem>>) attributes {dimension_semantics = [#tpu.dimension_semantics<core_parallel>, #tpu.dimension_semantics<subcore_parallel>], iteration_bounds = array<i64: 2, 16>, scalar_prefetch = 0 : i64, scratch_operands = 3 : i64, tpu.core_type = #tpu.core_type<sc_vector_subcore>, window_params = [{transform_indices = #map}, {transform_indices = #map1}, {transform_indices = #map}]} {
    %mul3A = arith.constant 2 : i32
    %mul3A_0 = arith.muli %arg1, %mul3A : i32
    %add3A = arith.addi %mul3A_0, %arg0 : i32
    %mul3A_1 = arith.constant 5120 : i32
    %mul3A_2 = arith.muli %add3A, %mul3A_1 : i32
    %scan3A = arith.constant 0 : i32
    %scan3A_3 = arith.constant 0 : i32
    %scan3A_4 = arith.constant 40 : i32
    %scan3A_5 = arith.addi %scan3A_3, %scan3A_4 : i32
    %scan3A_6 = arith.constant 1 : i32
    %scan3A_7 = scf.for %scan3A_9 = %scan3A_3 to %scan3A_5 step %scan3A_6 iter_args(%scan3A_10 = %scan3A) -> (i32)  : i32 {
      %mul3A_11 = arith.constant 128 : i32
      %mul3A_12 = arith.muli %scan3A_9, %mul3A_11 : i32
      %add3A_13 = arith.addi %mul3A_2, %mul3A_12 : i32
      "tpu.region"() ({
        %run_scoped3A = tpu.sem_alloc : memref<!tpu.dma_semaphore, #tpu.memory_space<semaphore_mem>>
        %dma_start3A_19 = tpu.memref_slice %arg3[%add3A_13] : memref<163840xi32, #tpu.memory_space<hbm>> -> memref<128xi32, #tpu.memory_space<hbm>>
        %dma_start3A_20 = tpu.memref_slice %arg3[%add3A_13] : memref<163840xi32, #tpu.memory_space<hbm>> -> memref<128xi32, #tpu.memory_space<hbm>>
        tpu.enqueue_dma source(%dma_start3A_20 : memref<128xi32, #tpu.memory_space<hbm>>) target(%arg5 : memref<128xi32, #tpu.memory_space<vmem>>) target_semaphore(%run_scoped3A : memref<!tpu.dma_semaphore, #tpu.memory_space<semaphore_mem>>)
        %dma_wait3A_21 = tpu.memref_slice %arg3[%add3A_13] : memref<163840xi32, #tpu.memory_space<hbm>> -> memref<128xi32, #tpu.memory_space<hbm>>
        %dma_wait3A_22 = tpu.memref_slice %arg3[%add3A_13] : memref<163840xi32, #tpu.memory_space<hbm>> -> memref<128xi32, #tpu.memory_space<hbm>>
        tpu.wait_dma2 semaphore(%run_scoped3A : memref<!tpu.dma_semaphore, #tpu.memory_space<semaphore_mem>>) src(%dma_wait3A_22 : memref<128xi32, #tpu.memory_space<hbm>>) dst(%arg5 : memref<128xi32, #tpu.memory_space<vmem>>)
        tpu.yield
      }) : () -> ()
      %dma_start3A = arith.constant 0 : i32
      %dma_start3A_14 = arith.constant 0 : i32
      %dma_start3A_15 = tpu.memref_slice %arg2[%dma_start3A, %dma_start3A_14] : memref<10000x256xf32, #tpu.memory_space<hbm>> -> memref<10000x256xf32, #tpu.memory_space<hbm>>
      tpu.enqueue_indirect_dma source(%dma_start3A_15 : memref<10000x256xf32, #tpu.memory_space<hbm>>) target(%arg6 : memref<128x256xf32, #tpu.memory_space<vmem>>) offsets(%arg5 : memref<128xi32, #tpu.memory_space<vmem>>) semaphore(%arg7 : memref<!tpu.dma_semaphore, #tpu.memory_space<semaphore_mem>>)
      %dma_wait3A = arith.constant 0 : i32
      %dma_wait3A_16 = arith.constant 0 : i32
      %dma_wait3A_17 = tpu.memref_slice %arg2[%dma_wait3A, %dma_wait3A_16] : memref<10000x256xf32, #tpu.memory_space<hbm>> -> memref<10000x256xf32, #tpu.memory_space<hbm>>
      tpu.wait_indirect_dma semaphore(%arg7 : memref<!tpu.dma_semaphore, #tpu.memory_space<semaphore_mem>>) src(%dma_wait3A_17 : memref<10000x256xf32, #tpu.memory_space<hbm>>) dst(%arg6 : memref<128x256xf32, #tpu.memory_space<vmem>>)
      "tpu.region"() ({
        %run_scoped3A = tpu.sem_alloc : memref<!tpu.dma_semaphore, #tpu.memory_space<semaphore_mem>>
        %dma_start3A_19 = arith.constant 0 : i32
        %dma_start3A_20 = tpu.memref_slice %arg4[%add3A_13, %dma_start3A_19] : memref<163840x256xf32, #tpu.memory_space<hbm>> -> memref<128x256xf32, #tpu.memory_space<hbm>>
        %dma_start3A_21 = arith.constant 0 : i32
        %dma_start3A_22 = tpu.memref_slice %arg4[%add3A_13, %dma_start3A_21] : memref<163840x256xf32, #tpu.memory_space<hbm>> -> memref<128x256xf32, #tpu.memory_space<hbm>>
        tpu.enqueue_dma source(%arg6 : memref<128x256xf32, #tpu.memory_space<vmem>>) target(%dma_start3A_22 : memref<128x256xf32, #tpu.memory_space<hbm>>) target_semaphore(%run_scoped3A : memref<!tpu.dma_semaphore, #tpu.memory_space<semaphore_mem>>)
        %dma_wait3A_23 = arith.constant 0 : i32
        %dma_wait3A_24 = tpu.memref_slice %arg4[%add3A_13, %dma_wait3A_23] : memref<163840x256xf32, #tpu.memory_space<hbm>> -> memref<128x256xf32, #tpu.memory_space<hbm>>
        %dma_wait3A_25 = arith.constant 0 : i32
        %dma_wait3A_26 = tpu.memref_slice %arg4[%add3A_13, %dma_wait3A_25] : memref<163840x256xf32, #tpu.memory_space<hbm>> -> memref<128x256xf32, #tpu.memory_space<hbm>>
        tpu.wait_dma2 semaphore(%run_scoped3A : memref<!tpu.dma_semaphore, #tpu.memory_space<semaphore_mem>>) src(%arg6 : memref<128x256xf32, #tpu.memory_space<vmem>>) dst(%dma_wait3A_26 : memref<128x256xf32, #tpu.memory_space<hbm>>)
        tpu.yield
      }) : () -> ()
      %scan3A_18 = arith.constant 0 : i32
      scf.yield %scan3A_18 : i32
    }
    %scan3A_8 = arith.constant 40 : i32
    return
  }
}

#map = affine_map<(d0, d1) -> (0, 0)>
#map1 = affine_map<(d0, d1) -> (0)>
module attributes {stable_mosaic.version = 14 : i64} {
  func.func @gat(%arg0: i32, %arg1: i32, %arg2: memref<10000x256xf32, #tpu.memory_space<hbm>>, %arg3: memref<163840xi32, #tpu.memory_space<hbm>>, %arg4: memref<163840x256xf32, #tpu.memory_space<hbm>>, %arg5: memref<128xi32, #tpu.memory_space<vmem>>, %arg6: memref<128x256xf32, #tpu.memory_space<vmem>>, %arg7: memref<!tpu.dma_semaphore, #tpu.memory_space<semaphore_mem>>) attributes {dimension_semantics = [#tpu.dimension_semantics<core_parallel>, #tpu.dimension_semantics<subcore_parallel>], iteration_bounds = array<i64: 2, 16>, scalar_prefetch = 0 : i64, scratch_operands = 3 : i64, tpu.core_type = #tpu.core_type<sc_vector_subcore>, window_params = [{transform_indices = #map}, {transform_indices = #map1}, {transform_indices = #map}]} {
    %mul3A = arith.constant 2 : i32
    %mul3A_0 = arith.muli %arg1, %mul3A : i32
    %add3A = arith.addi %mul3A_0, %arg0 : i32
    %mul3A_1 = arith.constant 5120 : i32
    %mul3A_2 = arith.muli %add3A, %mul3A_1 : i32
    %scan3A = arith.constant 0 : i32
    %scan3A_3 = arith.constant 0 : i32
    %scan3A_4 = arith.constant 40 : i32
    %scan3A_5 = arith.addi %scan3A_3, %scan3A_4 : i32
    %scan3A_6 = arith.constant 1 : i32
    %scan3A_7 = scf.for %scan3A_9 = %scan3A_3 to %scan3A_5 step %scan3A_6 iter_args(%scan3A_10 = %scan3A) -> (i32)  : i32 {
      %mul3A_11 = arith.constant 128 : i32
      %mul3A_12 = arith.muli %scan3A_9, %mul3A_11 : i32
      %add3A_13 = arith.addi %mul3A_2, %mul3A_12 : i32
      "tpu.region"() ({
        %run_scoped3A = tpu.sem_alloc : memref<!tpu.dma_semaphore, #tpu.memory_space<semaphore_mem>>
        %dma_start3A_19 = tpu.memref_slice %arg3[%add3A_13] : memref<163840xi32, #tpu.memory_space<hbm>> -> memref<128xi32, #tpu.memory_space<hbm>>
        %dma_start3A_20 = tpu.memref_slice %arg3[%add3A_13] : memref<163840xi32, #tpu.memory_space<hbm>> -> memref<128xi32, #tpu.memory_space<hbm>>
        tpu.enqueue_dma source(%dma_start3A_20 : memref<128xi32, #tpu.memory_space<hbm>>) target(%arg5 : memref<128xi32, #tpu.memory_space<vmem>>) target_semaphore(%run_scoped3A : memref<!tpu.dma_semaphore, #tpu.memory_space<semaphore_mem>>)
        %dma_wait3A_21 = tpu.memref_slice %arg3[%add3A_13] : memref<163840xi32, #tpu.memory_space<hbm>> -> memref<128xi32, #tpu.memory_space<hbm>>
        %dma_wait3A_22 = tpu.memref_slice %arg3[%add3A_13] : memref<163840xi32, #tpu.memory_space<hbm>> -> memref<128xi32, #tpu.memory_space<hbm>>
        tpu.wait_dma2 semaphore(%run_scoped3A : memref<!tpu.dma_semaphore, #tpu.memory_space<semaphore_mem>>) src(%dma_wait3A_22 : memref<128xi32, #tpu.memory_space<hbm>>) dst(%arg5 : memref<128xi32, #tpu.memory_space<vmem>>)
        tpu.yield
      }) : () -> ()
      %dma_start3A = arith.constant 0 : i32
      %dma_start3A_14 = arith.constant 0 : i32
      %dma_start3A_15 = tpu.memref_slice %arg2[%dma_start3A, %dma_start3A_14] : memref<10000x256xf32, #tpu.memory_space<hbm>> -> memref<10000x256xf32, #tpu.memory_space<hbm>>
      tpu.enqueue_indirect_dma source(%dma_start3A_15 : memref<10000x256xf32, #tpu.memory_space<hbm>>) target(%arg6 : memref<128x256xf32, #tpu.memory_space<vmem>>) offsets(%arg5 : memref<128xi32, #tpu.memory_space<vmem>>) semaphore(%arg7 : memref<!tpu.dma_semaphore, #tpu.memory_space<semaphore_mem>>)
      %dma_wait3A = arith.constant 0 : i32
      %dma_wait3A_16 = arith.constant 0 : i32
      %dma_wait3A_17 = tpu.memref_slice %arg2[%dma_wait3A, %dma_wait3A_16] : memref<10000x256xf32, #tpu.memory_space<hbm>> -> memref<10000x256xf32, #tpu.memory_space<hbm>>
      tpu.wait_indirect_dma semaphore(%arg7 : memref<!tpu.dma_semaphore, #tpu.memory_space<semaphore_mem>>) src(%dma_wait3A_17 : memref<10000x256xf32, #tpu.memory_space<hbm>>) dst(%arg6 : memref<128x256xf32, #tpu.memory_space<vmem>>)
      "tpu.region"() ({
        %run_scoped3A = tpu.sem_alloc : memref<!tpu.dma_semaphore, #tpu.memory_space<semaphore_mem>>
        %dma_start3A_19 = arith.constant 0 : i32
        %dma_start3A_20 = tpu.memref_slice %arg4[%add3A_13, %dma_start3A_19] : memref<163840x256xf32, #tpu.memory_space<hbm>> -> memref<128x256xf32, #tpu.memory_space<hbm>>
        %dma_start3A_21 = arith.constant 0 : i32
        %dma_start3A_22 = tpu.memref_slice %arg4[%add3A_13, %dma_start3A_21] : memref<163840x256xf32, #tpu.memory_space<hbm>> -> memref<128x256xf32, #tpu.memory_space<hbm>>
        tpu.enqueue_dma source(%arg6 : memref<128x256xf32, #tpu.memory_space<vmem>>) target(%dma_start3A_22 : memref<128x256xf32, #tpu.memory_space<hbm>>) target_semaphore(%run_scoped3A : memref<!tpu.dma_semaphore, #tpu.memory_space<semaphore_mem>>)
        %dma_wait3A_23 = arith.constant 0 : i32
        %dma_wait3A_24 = tpu.memref_slice %arg4[%add3A_13, %dma_wait3A_23] : memref<163840x256xf32, #tpu.memory_space<hbm>> -> memref<128x256xf32, #tpu.memory_space<hbm>>
        %dma_wait3A_25 = arith.constant 0 : i32
        %dma_wait3A_26 = tpu.memref_slice %arg4[%add3A_13, %dma_wait3A_25] : memref<163840x256xf32, #tpu.memory_space<hbm>> -> memref<128x256xf32, #tpu.memory_space<hbm>>
        tpu.wait_dma2 semaphore(%run_scoped3A : memref<!tpu.dma_semaphore, #tpu.memory_space<semaphore_mem>>) src(%arg6 : memref<128x256xf32, #tpu.memory_space<vmem>>) dst(%dma_wait3A_26 : memref<128x256xf32, #tpu.memory_space<hbm>>)
        tpu.yield
      }) : () -> ()
      %scan3A_18 = arith.constant 0 : i32
      scf.yield %scan3A_18 : i32
    }
    %scan3A_8 = arith.constant 40 : i32
    return
  }
}

#map = affine_map<(d0, d1) -> (0, 0)>
#map1 = affine_map<(d0, d1) -> (0)>
module attributes {stable_mosaic.version = 14 : i64} {
  func.func @gat(%arg0: i32, %arg1: i32, %arg2: memref<10000x256xf32, #tpu.memory_space<hbm>>, %arg3: memref<163840xi32, #tpu.memory_space<hbm>>, %arg4: memref<163840x256xf32, #tpu.memory_space<hbm>>, %arg5: memref<128xi32, #tpu.memory_space<vmem>>, %arg6: memref<128x256xf32, #tpu.memory_space<vmem>>, %arg7: memref<!tpu.dma_semaphore, #tpu.memory_space<semaphore_mem>>) attributes {dimension_semantics = [#tpu.dimension_semantics<core_parallel>, #tpu.dimension_semantics<subcore_parallel>], iteration_bounds = array<i64: 2, 16>, scalar_prefetch = 0 : i64, scratch_operands = 3 : i64, tpu.core_type = #tpu.core_type<sc_vector_subcore>, window_params = [{transform_indices = #map}, {transform_indices = #map1}, {transform_indices = #map}]} {
    %mul3A = arith.constant 2 : i32
    %mul3A_0 = arith.muli %arg1, %mul3A : i32
    %add3A = arith.addi %mul3A_0, %arg0 : i32
    %mul3A_1 = arith.constant 5120 : i32
    %mul3A_2 = arith.muli %add3A, %mul3A_1 : i32
    %scan3A = arith.constant 0 : i32
    %scan3A_3 = arith.constant 0 : i32
    %scan3A_4 = arith.constant 40 : i32
    %scan3A_5 = arith.addi %scan3A_3, %scan3A_4 : i32
    %scan3A_6 = arith.constant 1 : i32
    %scan3A_7 = scf.for %scan3A_9 = %scan3A_3 to %scan3A_5 step %scan3A_6 iter_args(%scan3A_10 = %scan3A) -> (i32)  : i32 {
      %mul3A_11 = arith.constant 128 : i32
      %mul3A_12 = arith.muli %scan3A_9, %mul3A_11 : i32
      %add3A_13 = arith.addi %mul3A_2, %mul3A_12 : i32
      "tpu.region"() ({
        %run_scoped3A = tpu.sem_alloc : memref<!tpu.dma_semaphore, #tpu.memory_space<semaphore_mem>>
        %dma_start3A_19 = tpu.memref_slice %arg3[%add3A_13] : memref<163840xi32, #tpu.memory_space<hbm>> -> memref<128xi32, #tpu.memory_space<hbm>>
        %dma_start3A_20 = tpu.memref_slice %arg3[%add3A_13] : memref<163840xi32, #tpu.memory_space<hbm>> -> memref<128xi32, #tpu.memory_space<hbm>>
        tpu.enqueue_dma source(%dma_start3A_20 : memref<128xi32, #tpu.memory_space<hbm>>) target(%arg5 : memref<128xi32, #tpu.memory_space<vmem>>) target_semaphore(%run_scoped3A : memref<!tpu.dma_semaphore, #tpu.memory_space<semaphore_mem>>)
        %dma_wait3A_21 = tpu.memref_slice %arg3[%add3A_13] : memref<163840xi32, #tpu.memory_space<hbm>> -> memref<128xi32, #tpu.memory_space<hbm>>
        %dma_wait3A_22 = tpu.memref_slice %arg3[%add3A_13] : memref<163840xi32, #tpu.memory_space<hbm>> -> memref<128xi32, #tpu.memory_space<hbm>>
        tpu.wait_dma2 semaphore(%run_scoped3A : memref<!tpu.dma_semaphore, #tpu.memory_space<semaphore_mem>>) src(%dma_wait3A_22 : memref<128xi32, #tpu.memory_space<hbm>>) dst(%arg5 : memref<128xi32, #tpu.memory_space<vmem>>)
        tpu.yield
      }) : () -> ()
      %dma_start3A = arith.constant 0 : i32
      %dma_start3A_14 = arith.constant 0 : i32
      %dma_start3A_15 = tpu.memref_slice %arg2[%dma_start3A, %dma_start3A_14] : memref<10000x256xf32, #tpu.memory_space<hbm>> -> memref<10000x256xf32, #tpu.memory_space<hbm>>
      tpu.enqueue_indirect_dma source(%dma_start3A_15 : memref<10000x256xf32, #tpu.memory_space<hbm>>) target(%arg6 : memref<128x256xf32, #tpu.memory_space<vmem>>) offsets(%arg5 : memref<128xi32, #tpu.memory_space<vmem>>) semaphore(%arg7 : memref<!tpu.dma_semaphore, #tpu.memory_space<semaphore_mem>>)
      %dma_wait3A = arith.constant 0 : i32
      %dma_wait3A_16 = arith.constant 0 : i32
      %dma_wait3A_17 = tpu.memref_slice %arg2[%dma_wait3A, %dma_wait3A_16] : memref<10000x256xf32, #tpu.memory_space<hbm>> -> memref<10000x256xf32, #tpu.memory_space<hbm>>
      tpu.wait_indirect_dma semaphore(%arg7 : memref<!tpu.dma_semaphore, #tpu.memory_space<semaphore_mem>>) src(%dma_wait3A_17 : memref<10000x256xf32, #tpu.memory_space<hbm>>) dst(%arg6 : memref<128x256xf32, #tpu.memory_space<vmem>>)
      "tpu.region"() ({
        %run_scoped3A = tpu.sem_alloc : memref<!tpu.dma_semaphore, #tpu.memory_space<semaphore_mem>>
        %dma_start3A_19 = arith.constant 0 : i32
        %dma_start3A_20 = tpu.memref_slice %arg4[%add3A_13, %dma_start3A_19] : memref<163840x256xf32, #tpu.memory_space<hbm>> -> memref<128x256xf32, #tpu.memory_space<hbm>>
        %dma_start3A_21 = arith.constant 0 : i32
        %dma_start3A_22 = tpu.memref_slice %arg4[%add3A_13, %dma_start3A_21] : memref<163840x256xf32, #tpu.memory_space<hbm>> -> memref<128x256xf32, #tpu.memory_space<hbm>>
        tpu.enqueue_dma source(%arg6 : memref<128x256xf32, #tpu.memory_space<vmem>>) target(%dma_start3A_22 : memref<128x256xf32, #tpu.memory_space<hbm>>) target_semaphore(%run_scoped3A : memref<!tpu.dma_semaphore, #tpu.memory_space<semaphore_mem>>)
        %dma_wait3A_23 = arith.constant 0 : i32
        %dma_wait3A_24 = tpu.memref_slice %arg4[%add3A_13, %dma_wait3A_23] : memref<163840x256xf32, #tpu.memory_space<hbm>> -> memref<128x256xf32, #tpu.memory_space<hbm>>
        %dma_wait3A_25 = arith.constant 0 : i32
        %dma_wait3A_26 = tpu.memref_slice %arg4[%add3A_13, %dma_wait3A_25] : memref<163840x256xf32, #tpu.memory_space<hbm>> -> memref<128x256xf32, #tpu.memory_space<hbm>>
        tpu.wait_dma2 semaphore(%run_scoped3A : memref<!tpu.dma_semaphore, #tpu.memory_space<semaphore_mem>>) src(%arg6 : memref<128x256xf32, #tpu.memory_space<vmem>>) dst(%dma_wait3A_26 : memref<128x256xf32, #tpu.memory_space<hbm>>)
        tpu.yield
      }) : () -> ()
      %scan3A_18 = arith.constant 0 : i32
      scf.yield %scan3A_18 : i32
    }
    %scan3A_8 = arith.constant 40 : i32
    return
  }
}

module attributes {stable_mosaic.version = 14 : i64} {
  func.func @_knn_body(%arg0: i32, %arg1: memref<512x128xf32, #tpu.memory_space<vmem>>, %arg2: memref<512x1xf32, #tpu.memory_space<vmem>>, %arg3: memref<10240x128xf32, #tpu.memory_space<vmem>>, %arg4: memref<1x10240xf32, #tpu.memory_space<vmem>>, %arg5: memref<512x16xi32, #tpu.memory_space<vmem>>, %arg6: memref<512x10240xf32, #tpu.memory_space<vmem>>) attributes {dimension_semantics = [#tpu.dimension_semantics<arbitrary>], iteration_bounds = array<i64: 20>, scalar_prefetch = 0 : i64, scratch_operands = 1 : i64, tpu.core_type = #tpu.core_type<tc>, window_params = [{transform_indices = @transform_0, window_bounds = array<i64: 512, 128>}, {transform_indices = @transform_1, window_bounds = array<i64: 512, 1>}, {pipeline_mode = #tpu.pipeline_mode<synchronous>, transform_indices = @transform_2, window_bounds = array<i64: 10240, 128>}, {pipeline_mode = #tpu.pipeline_mode<synchronous>, transform_indices = @transform_3, window_bounds = array<i64: 1, 10240>}, {transform_indices = @transform_4, window_bounds = array<i64: 512, 16>}]} {
    %get3A = arith.constant 0 : index
    %get3A_0 = arith.constant 0 : index
    %get3A_1 = vector.load %arg1[%get3A, %get3A_0] : memref<512x128xf32, #tpu.memory_space<vmem>>, vector<512x128xf32>
    %get3A_2 = arith.constant 0 : index
    %get3A_3 = arith.constant 0 : index
    %get3A_4 = vector.load %arg2[%get3A_2, %get3A_3] : memref<512x1xf32, #tpu.memory_space<vmem>>, vector<512x1xf32>
    %broadcast_in_dim3A = arith.constant 0x7F800000 : f32
    %broadcast_in_dim3A_5 = vector.broadcast %broadcast_in_dim3A : f32 to vector<512x1xf32>
    %broadcast_in_dim3A_6 = arith.constant 1073741824 : i32
    %broadcast_in_dim3A_7 = vector.broadcast %broadcast_in_dim3A_6 : i32 to vector<512x1xi32>
    %scan3A = arith.constant 0x7F800000 : f32
    %scan3A_8 = arith.constant 0 : i32
    %scan3A_9 = arith.constant 5 : i32
    %scan3A_10 = arith.addi %scan3A_8, %scan3A_9 : i32
    %scan3A_11 = arith.constant 1 : i32
    %scan3A_12:2 = scf.for %scan3A_28 = %scan3A_8 to %scan3A_10 step %scan3A_11 iter_args(%scan3A_29 = %broadcast_in_dim3A_5, %scan3A_30 = %broadcast_in_dim3A_7) -> (vector<512x1xf32>, vector<512x1xi32>)  : i32 {
      %mul3A = arith.constant 2048 : i32
      %mul3A_31 = arith.muli %scan3A_28, %mul3A : i32
      %get3A_32 = arith.index_cast %mul3A_31 : i32 to index
      %get3A_33 = arith.constant 0 : index
      %get3A_34 = vector.load %arg3[%get3A_32, %get3A_33] : memref<10240x128xf32, #tpu.memory_space<vmem>>, vector<2048x128xf32>
      %dot_general3A = arith.constant dense<0.000000e+00> : vector<512x2048xf32>
      %dot_general3A_35 = tpu.matmul %get3A_1, %get3A_34, %dot_general3A {dimension_numbers = #tpu.dot_dimension_numbers<[1], [1], [0], [0], [0, 0, 1, 0], [], []>, transpose_lhs_hint = false} : vector<512x128xf32>, vector<2048x128xf32>, vector<512x2048xf32> -> vector<512x2048xf32>
      %mul3A_36 = arith.constant 2048 : i32
      %mul3A_37 = arith.muli %scan3A_28, %mul3A_36 : i32
      %get3A_38 = arith.constant 0 : index
      %get3A_39 = arith.index_cast %mul3A_37 : i32 to index
      %get3A_40 = vector.load %arg4[%get3A_38, %get3A_39] : memref<1x10240xf32, #tpu.memory_space<vmem>>, vector<1x2048xf32>
      %add3A = vector.broadcast %get3A_4 : vector<512x1xf32> to vector<512x2048xf32>
      %add3A_41 = vector.broadcast %get3A_40 : vector<1x2048xf32> to vector<512x2048xf32>
      %add3A_42 = arith.addf %add3A, %add3A_41 : vector<512x2048xf32>
      %mul3A_43 = arith.constant 2.000000e+00 : f32
      %mul3A_44 = vector.broadcast %mul3A_43 : f32 to vector<512x2048xf32>
      %mul3A_45 = arith.mulf %mul3A_44, %dot_general3A_35 : vector<512x2048xf32>
      %sub3A = arith.subf %add3A_42, %mul3A_45 : vector<512x2048xf32>
      %iota3A_46 = tpu.iota {dimensions = array<i32: 1>} : vector<512x2048xi32>
      %mul3A_47 = arith.constant 2048 : i32
      %mul3A_48 = arith.muli %scan3A_28, %mul3A_47 : i32
      %add3A_49 = vector.broadcast %mul3A_48 : i32 to vector<512x2048xi32>
      %add3A_50 = arith.addi %iota3A_46, %add3A_49 : vector<512x2048xi32>
      %iota3A_51 = tpu.iota {dimensions = array<i32: 0>} : vector<512x2048xi32>
      %mul3A_52 = arith.constant 512 : i32
      %mul3A_53 = arith.muli %arg0, %mul3A_52 : i32
      %add3A_54 = vector.broadcast %mul3A_53 : i32 to vector<512x2048xi32>
      %add3A_55 = arith.addi %iota3A_51, %add3A_54 : vector<512x2048xi32>
      %eq3A_56 = arith.cmpi eq, %add3A_50, %add3A_55 : vector<512x2048xi32>
      %broadcast_in_dim3A_57 = vector.broadcast %scan3A : f32 to vector<512x2048xf32>
      %select_n3A_58 = arith.select %eq3A_56, %broadcast_in_dim3A_57, %sub3A : vector<512x2048xi1>, vector<512x2048xf32>
      %ge3A = arith.constant 10000 : i32
      %ge3A_59 = vector.broadcast %ge3A : i32 to vector<512x2048xi32>
      %ge3A_60 = arith.cmpi sge, %add3A_50, %ge3A_59 : vector<512x2048xi32>
      %broadcast_in_dim3A_61 = vector.broadcast %scan3A : f32 to vector<512x2048xf32>
      %select_n3A_62 = arith.select %ge3A_60, %broadcast_in_dim3A_61, %select_n3A_58 : vector<512x2048xi1>, vector<512x2048xf32>
      %mul3A_63 = arith.constant 2048 : i32
      %mul3A_64 = arith.muli %scan3A_28, %mul3A_63 : i32
      %swap3A_65 = arith.constant 0 : index
      %swap3A_66 = arith.index_cast %mul3A_64 : i32 to index
      %swap3A_67 = vector.load %arg6[%swap3A_65, %swap3A_66] : memref<512x10240xf32, #tpu.memory_space<vmem>>, vector<512x2048xf32>
      tpu.vector_store %arg6[%swap3A_65, %swap3A_66], %select_n3A_62 {strides = array<i32>} : memref<512x10240xf32, #tpu.memory_space<vmem>>, vector<512x2048xf32>,
      %reduce_min3A = arith.constant dense<0x7F800000> : vector<512xf32>
      %reduce_min3A_68 = vector.multi_reduction <minimumf>, %select_n3A_62, %reduce_min3A [1] : vector<512x2048xf32> to vector<512xf32>
      %broadcast_in_dim3A_69 = vector.shape_cast %reduce_min3A_68 : vector<512xf32> to vector<512x1xf32>
      %eq3A_70 = vector.broadcast %broadcast_in_dim3A_69 : vector<512x1xf32> to vector<512x2048xf32>
      %eq3A_71 = arith.cmpf oeq, %select_n3A_62, %eq3A_70 : vector<512x2048xf32>
      %jit3A_72 = arith.constant 1073741824 : i32
      %broadcast_in_dim3A_73 = vector.broadcast %jit3A_72 : i32 to vector<512x2048xi32>
      %select_n3A_74 = arith.select %eq3A_71, %add3A_50, %broadcast_in_dim3A_73 : vector<512x2048xi1>, vector<512x2048xi32>
      %reduce_min3A_75 = arith.constant dense<2147483647> : vector<512xi32>
      %reduce_min3A_76 = vector.multi_reduction <minsi>, %select_n3A_74, %reduce_min3A_75 [1] : vector<512x2048xi32> to vector<512xi32>
      %broadcast_in_dim3A_77 = vector.shape_cast %reduce_min3A_76 : vector<512xi32> to vector<512x1xi32>
      %lt3A = arith.cmpf olt, %broadcast_in_dim3A_69, %scan3A_29 : vector<512x1xf32>
      %eq3A_78 = arith.cmpf oeq, %broadcast_in_dim3A_69, %scan3A_29 : vector<512x1xf32>
      %lt3A_79 = arith.cmpi slt, %broadcast_in_dim3A_77, %scan3A_30 : vector<512x1xi32>
      %and3A = arith.andi %eq3A_78, %lt3A_79 : vector<512x1xi1>
      %or3A = arith.ori %lt3A, %and3A : vector<512x1xi1>
      %select_n3A_80 = arith.select %or3A, %broadcast_in_dim3A_69, %scan3A_29 : vector<512x1xi1>, vector<512x1xf32>
      %select_n3A_81 = arith.select %or3A, %broadcast_in_dim3A_77, %scan3A_30 : vector<512x1xi1>, vector<512x1xi32>
      scf.yield %select_n3A_80, %select_n3A_81 : vector<512x1xf32>, vector<512x1xi32>
    }
    %scan3A_13 = arith.constant 5 : i32
    %iota3A = tpu.iota {dimensions = array<i32: 1>} : vector<512x16xi32>
    %eq3A = arith.constant 0 : i32
    %eq3A_14 = vector.broadcast %eq3A : i32 to vector<512x16xi32>
    %eq3A_15 = arith.cmpi eq, %iota3A, %eq3A_14 : vector<512x16xi32>
    %jit3A = arith.constant 0 : i32
    %broadcast_in_dim3A_16 = vector.shape_cast %scan3A_12#1 : vector<512x1xi32> to vector<512x1xi32>
    %broadcast_in_dim3A_17 = vector.broadcast %broadcast_in_dim3A_16 : vector<512x1xi32> to vector<512x16xi32>
    %broadcast_in_dim3A_18 = vector.broadcast %jit3A : i32 to vector<512x16xi32>
    %select_n3A = arith.select %eq3A_15, %broadcast_in_dim3A_17, %broadcast_in_dim3A_18 : vector<512x16xi1>, vector<512x16xi32>
    %scan3A_19 = arith.constant 0x7F800000 : f32
    %scan3A_20 = arith.constant 1 : i32
    %scan3A_21 = arith.constant 15 : i32
    %scan3A_22 = arith.addi %scan3A_20, %scan3A_21 : i32
    %scan3A_23 = arith.constant 1 : i32
    %scan3A_24:2 = scf.for %scan3A_28 = %scan3A_20 to %scan3A_22 step %scan3A_23 iter_args(%scan3A_29 = %select_n3A, %scan3A_30 = %scan3A_12#1) -> (vector<512x16xi32>, vector<512x1xi32>)  : i32 {
      %broadcast_in_dim3A_31 = vector.broadcast %scan3A_19 : f32 to vector<512x1xf32>
      %broadcast_in_dim3A_32 = arith.constant 1073741824 : i32
      %broadcast_in_dim3A_33 = vector.broadcast %broadcast_in_dim3A_32 : i32 to vector<512x1xi32>
      %scan3A_34 = arith.constant 0 : i32
      %scan3A_35 = arith.constant 5 : i32
      %scan3A_36 = arith.addi %scan3A_34, %scan3A_35 : i32
      %scan3A_37 = arith.constant 1 : i32
      %scan3A_38:2 = scf.for %scan3A_48 = %scan3A_34 to %scan3A_36 step %scan3A_37 iter_args(%scan3A_49 = %broadcast_in_dim3A_31, %scan3A_50 = %broadcast_in_dim3A_33) -> (vector<512x1xf32>, vector<512x1xi32>)  : i32 {
        %mul3A = arith.constant 2048 : i32
        %mul3A_51 = arith.muli %scan3A_48, %mul3A : i32
        %get3A_52 = arith.constant 0 : index
        %get3A_53 = arith.index_cast %mul3A_51 : i32 to index
        %get3A_54 = vector.load %arg6[%get3A_52, %get3A_53] : memref<512x10240xf32, #tpu.memory_space<vmem>>, vector<512x2048xf32>
        %iota3A_55 = tpu.iota {dimensions = array<i32: 1>} : vector<512x2048xi32>
        %mul3A_56 = arith.constant 2048 : i32
        %mul3A_57 = arith.muli %scan3A_48, %mul3A_56 : i32
        %add3A_58 = vector.broadcast %mul3A_57 : i32 to vector<512x2048xi32>
        %add3A_59 = arith.addi %iota3A_55, %add3A_58 : vector<512x2048xi32>
        %eq3A_60 = vector.broadcast %scan3A_30 : vector<512x1xi32> to vector<512x2048xi32>
        %eq3A_61 = arith.cmpi eq, %add3A_59, %eq3A_60 : vector<512x2048xi32>
        %broadcast_in_dim3A_62 = vector.broadcast %scan3A_19 : f32 to vector<512x2048xf32>
        %select_n3A_63 = arith.select %eq3A_61, %broadcast_in_dim3A_62, %get3A_54 : vector<512x2048xi1>, vector<512x2048xf32>
        %mul3A_64 = arith.constant 2048 : i32
        %mul3A_65 = arith.muli %scan3A_48, %mul3A_64 : i32
        %swap3A_66 = arith.constant 0 : index
        %swap3A_67 = arith.index_cast %mul3A_65 : i32 to index
        %swap3A_68 = vector.load %arg6[%swap3A_66, %swap3A_67] : memref<512x10240xf32, #tpu.memory_space<vmem>>, vector<512x2048xf32>
        tpu.vector_store %arg6[%swap3A_66, %swap3A_67], %select_n3A_63 {strides = array<i32>} : memref<512x10240xf32, #tpu.memory_space<vmem>>, vector<512x2048xf32>,
        %reduce_min3A = arith.constant dense<0x7F800000> : vector<512xf32>
        %reduce_min3A_69 = vector.multi_reduction <minimumf>, %select_n3A_63, %reduce_min3A [1] : vector<512x2048xf32> to vector<512xf32>
        %broadcast_in_dim3A_70 = vector.shape_cast %reduce_min3A_69 : vector<512xf32> to vector<512x1xf32>
        %eq3A_71 = vector.broadcast %broadcast_in_dim3A_70 : vector<512x1xf32> to vector<512x2048xf32>
        %eq3A_72 = arith.cmpf oeq, %select_n3A_63, %eq3A_71 : vector<512x2048xf32>
        %jit3A_73 = arith.constant 1073741824 : i32
        %broadcast_in_dim3A_74 = vector.broadcast %jit3A_73 : i32 to vector<512x2048xi32>
        %select_n3A_75 = arith.select %eq3A_72, %add3A_59, %broadcast_in_dim3A_74 : vector<512x2048xi1>, vector<512x2048xi32>
        %reduce_min3A_76 = arith.constant dense<2147483647> : vector<512xi32>
        %reduce_min3A_77 = vector.multi_reduction <minsi>, %select_n3A_75, %reduce_min3A_76 [1] : vector<512x2048xi32> to vector<512xi32>
        %broadcast_in_dim3A_78 = vector.shape_cast %reduce_min3A_77 : vector<512xi32> to vector<512x1xi32>
        %lt3A = arith.cmpf olt, %broadcast_in_dim3A_70, %scan3A_49 : vector<512x1xf32>
        %eq3A_79 = arith.cmpf oeq, %broadcast_in_dim3A_70, %scan3A_49 : vector<512x1xf32>
        %lt3A_80 = arith.cmpi slt, %broadcast_in_dim3A_78, %scan3A_50 : vector<512x1xi32>
        %and3A = arith.andi %eq3A_79, %lt3A_80 : vector<512x1xi1>
        %or3A = arith.ori %lt3A, %and3A : vector<512x1xi1>
        %select_n3A_81 = arith.select %or3A, %broadcast_in_dim3A_70, %scan3A_49 : vector<512x1xi1>, vector<512x1xf32>
        %select_n3A_82 = arith.select %or3A, %broadcast_in_dim3A_78, %scan3A_50 : vector<512x1xi1>, vector<512x1xi32>
        scf.yield %select_n3A_81, %select_n3A_82 : vector<512x1xf32>, vector<512x1xi32>
      }
      %scan3A_39 = arith.constant 5 : i32
      %iota3A_40 = tpu.iota {dimensions = array<i32: 1>} : vector<512x16xi32>
      %eq3A_41 = vector.broadcast %scan3A_28 : i32 to vector<512x16xi32>
      %eq3A_42 = arith.cmpi eq, %iota3A_40, %eq3A_41 : vector<512x16xi32>
      %jit3A_43 = arith.constant 0 : i32
      %broadcast_in_dim3A_44 = vector.shape_cast %scan3A_38#1 : vector<512x1xi32> to vector<512x1xi32>
      %broadcast_in_dim3A_45 = vector.broadcast %broadcast_in_dim3A_44 : vector<512x1xi32> to vector<512x16xi32>
      %broadcast_in_dim3A_46 = vector.broadcast %jit3A_43 : i32 to vector<512x16xi32>
      %select_n3A_47 = arith.select %eq3A_42, %broadcast_in_dim3A_45, %broadcast_in_dim3A_46 : vector<512x16xi1>, vector<512x16xi32>
      %add3A = arith.addi %scan3A_29, %select_n3A_47 : vector<512x16xi32>
      scf.yield %add3A, %scan3A_38#1 : vector<512x16xi32>, vector<512x1xi32>
    }
    %scan3A_25 = arith.constant 15 : i32
    %swap3A = arith.constant 0 : index
    %swap3A_26 = arith.constant 0 : index
    %swap3A_27 = vector.load %arg5[%swap3A, %swap3A_26] : memref<512x16xi32, #tpu.memory_space<vmem>>, vector<512x16xi32>
    tpu.vector_store %arg5[%swap3A, %swap3A_26], %scan3A_24#0 {strides = array<i32>} : memref<512x16xi32, #tpu.memory_space<vmem>>, vector<512x16xi32>,
    return
  }
  func.func @transform_0(%arg0: i32) -> (i32, i32) {
    %c0_i32 = arith.constant 0 : i32
    %c0_i32_0 = arith.constant 0 : i32
    return %arg0, %c0_i32 : i32, i32
  }
  func.func @transform_1(%arg0: i32) -> (i32, i32) {
    %c0_i32 = arith.constant 0 : i32
    %c0_i32_0 = arith.constant 0 : i32
    return %arg0, %c0_i32 : i32, i32
  }
  func.func @transform_2(%arg0: i32) -> (i32, i32) {
    %c0_i32 = arith.constant 0 : i32
    %c0_i32_0 = arith.constant 0 : i32
    %c0_i32_1 = arith.constant 0 : i32
    return %c0_i32, %c0_i32_0 : i32, i32
  }
  func.func @transform_3(%arg0: i32) -> (i32, i32) {
    %c0_i32 = arith.constant 0 : i32
    %c0_i32_0 = arith.constant 0 : i32
    %c0_i32_1 = arith.constant 0 : i32
    return %c0_i32, %c0_i32_0 : i32, i32
  }
  func.func @transform_4(%arg0: i32) -> (i32, i32) {
    %c0_i32 = arith.constant 0 : i32
    %c0_i32_0 = arith.constant 0 : i32
    return %arg0, %c0_i32 : i32, i32
  }
}

module attributes {stable_mosaic.version = 14 : i64} {
  func.func @_proj_body(%arg0: i32, %arg1: memref<512x128xf32, #tpu.memory_space<vmem>>, %arg2: memref<128x256xf32, #tpu.memory_space<vmem>>, %arg3: memref<128x256xf32, #tpu.memory_space<vmem>>, %arg4: memref<512x256xf32, #tpu.memory_space<vmem>>, %arg5: memref<512x256xf32, #tpu.memory_space<vmem>>) attributes {dimension_semantics = [#tpu.dimension_semantics<arbitrary>], iteration_bounds = array<i64: 20>, scalar_prefetch = 0 : i64, scratch_operands = 0 : i64, tpu.core_type = #tpu.core_type<tc>, window_params = [{transform_indices = @transform_0, window_bounds = array<i64: 512, 128>}, {pipeline_mode = #tpu.pipeline_mode<synchronous>, transform_indices = @transform_1, window_bounds = array<i64: 128, 256>}, {pipeline_mode = #tpu.pipeline_mode<synchronous>, transform_indices = @transform_2, window_bounds = array<i64: 128, 256>}, {transform_indices = @transform_3, window_bounds = array<i64: 512, 256>}, {transform_indices = @transform_4, window_bounds = array<i64: 512, 256>}]} {
    %get3A = arith.constant 0 : index
    %get3A_0 = arith.constant 0 : index
    %get3A_1 = vector.load %arg1[%get3A, %get3A_0] : memref<512x128xf32, #tpu.memory_space<vmem>>, vector<512x128xf32>
    %get3A_2 = arith.constant 0 : index
    %get3A_3 = arith.constant 0 : index
    %get3A_4 = vector.load %arg2[%get3A_2, %get3A_3] : memref<128x256xf32, #tpu.memory_space<vmem>>, vector<128x256xf32>
    %dot_general3A = arith.constant dense<0.000000e+00> : vector<512x256xf32>
    %dot_general3A_5 = tpu.matmul %get3A_1, %get3A_4, %dot_general3A {dimension_numbers = #tpu.dot_dimension_numbers<[1], [0], [0], [1], [0, 0, 1, 1], [], []>, transpose_lhs_hint = false} : vector<512x128xf32>, vector<128x256xf32>, vector<512x256xf32> -> vector<512x256xf32>
    %swap3A = arith.constant 0 : index
    %swap3A_6 = arith.constant 0 : index
    %swap3A_7 = vector.load %arg4[%swap3A, %swap3A_6] : memref<512x256xf32, #tpu.memory_space<vmem>>, vector<512x256xf32>
    tpu.vector_store %arg4[%swap3A, %swap3A_6], %dot_general3A_5 {strides = array<i32>} : memref<512x256xf32, #tpu.memory_space<vmem>>, vector<512x256xf32>,
    %get3A_8 = arith.constant 0 : index
    %get3A_9 = arith.constant 0 : index
    %get3A_10 = vector.load %arg3[%get3A_8, %get3A_9] : memref<128x256xf32, #tpu.memory_space<vmem>>, vector<128x256xf32>
    %dot_general3A_11 = arith.constant dense<0.000000e+00> : vector<512x256xf32>
    %dot_general3A_12 = tpu.matmul %get3A_1, %get3A_10, %dot_general3A_11 {dimension_numbers = #tpu.dot_dimension_numbers<[1], [0], [0], [1], [0, 0, 1, 1], [], []>, transpose_lhs_hint = false} : vector<512x128xf32>, vector<128x256xf32>, vector<512x256xf32> -> vector<512x256xf32>
    %swap3A_13 = arith.constant 0 : index
    %swap3A_14 = arith.constant 0 : index
    %swap3A_15 = vector.load %arg5[%swap3A_13, %swap3A_14] : memref<512x256xf32, #tpu.memory_space<vmem>>, vector<512x256xf32>
    tpu.vector_store %arg5[%swap3A_13, %swap3A_14], %dot_general3A_12 {strides = array<i32>} : memref<512x256xf32, #tpu.memory_space<vmem>>, vector<512x256xf32>,
    return
  }
  func.func @transform_0(%arg0: i32) -> (i32, i32) {
    %c0_i32 = arith.constant 0 : i32
    %c0_i32_0 = arith.constant 0 : i32
    return %arg0, %c0_i32 : i32, i32
  }
  func.func @transform_1(%arg0: i32) -> (i32, i32) {
    %c0_i32 = arith.constant 0 : i32
    %c0_i32_0 = arith.constant 0 : i32
    %c0_i32_1 = arith.constant 0 : i32
    return %c0_i32, %c0_i32_0 : i32, i32
  }
  func.func @transform_2(%arg0: i32) -> (i32, i32) {
    %c0_i32 = arith.constant 0 : i32
    %c0_i32_0 = arith.constant 0 : i32
    %c0_i32_1 = arith.constant 0 : i32
    return %c0_i32, %c0_i32_0 : i32, i32
  }
  func.func @transform_3(%arg0: i32) -> (i32, i32) {
    %c0_i32 = arith.constant 0 : i32
    %c0_i32_0 = arith.constant 0 : i32
    return %arg0, %c0_i32 : i32, i32
  }
  func.func @transform_4(%arg0: i32) -> (i32, i32) {
    %c0_i32 = arith.constant 0 : i32
    %c0_i32_0 = arith.constant 0 : i32
    return %arg0, %c0_i32 : i32, i32
  }
}

module attributes {stable_mosaic.version = 14 : i64} {
  func.func @_att_body(%arg0: i32, %arg1: memref<256x256xf32, #tpu.memory_space<vmem>>, %arg2: memref<256x16x256xf32, #tpu.memory_space<vmem>>, %arg3: memref<1x256xf32, #tpu.memory_space<vmem>>, %arg4: memref<1x256xf32, #tpu.memory_space<vmem>>, %arg5: memref<256x256xf32, #tpu.memory_space<vmem>>) attributes {dimension_semantics = [#tpu.dimension_semantics<arbitrary>], iteration_bounds = array<i64: 40>, scalar_prefetch = 0 : i64, scratch_operands = 0 : i64, tpu.core_type = #tpu.core_type<tc>, window_params = [{transform_indices = @transform_0, window_bounds = array<i64: 256, 256>}, {transform_indices = @transform_1, window_bounds = array<i64: 256, 16, 256>}, {pipeline_mode = #tpu.pipeline_mode<synchronous>, transform_indices = @transform_2, window_bounds = array<i64: 1, 256>}, {pipeline_mode = #tpu.pipeline_mode<synchronous>, transform_indices = @transform_3, window_bounds = array<i64: 1, 256>}, {transform_indices = @transform_4, window_bounds = array<i64: 256, 256>}]} {
    %get3A = arith.constant 0 : index
    %get3A_0 = arith.constant 0 : index
    %get3A_1 = vector.load %arg1[%get3A, %get3A_0] : memref<256x256xf32, #tpu.memory_space<vmem>>, vector<256x256xf32>
    %get3A_2 = arith.constant 0 : index
    %get3A_3 = arith.constant 0 : index
    %get3A_4 = vector.load %arg3[%get3A_2, %get3A_3] : memref<1x256xf32, #tpu.memory_space<vmem>>, vector<1x256xf32>
    %convert_element_type3A = arith.truncf %get3A_4 : vector<1x256xf32> to vector<1x256xbf16>
    %convert_element_type3A_5 = arith.extf %convert_element_type3A : vector<1x256xbf16> to vector<1x256xf32>
    %iota3A = tpu.iota {dimensions = array<i32: 1>} : vector<256x16xi32>
    %broadcast_in_dim3A = arith.constant 0.000000e+00 : f32
    %broadcast_in_dim3A_6 = vector.broadcast %broadcast_in_dim3A : f32 to vector<256x16xf32>
    %get3A_7 = arith.constant 0 : index
    %get3A_8 = arith.constant 0 : index
    %get3A_9 = arith.constant 0 : index
    %get3A_10 = vector.load %arg2[%get3A_7, %get3A_8, %get3A_9] : memref<256x16x256xf32, #tpu.memory_space<vmem>>, vector<256x1x256xf32>
    %get3A_11 = vector.shape_cast %get3A_10 : vector<256x1x256xf32> to vector<256x256xf32>
    %add3A = arith.addf %get3A_1, %get3A_11 : vector<256x256xf32>
    %gt3A = arith.constant 0.000000e+00 : f32
    %gt3A_12 = vector.broadcast %gt3A : f32 to vector<256x256xf32>
    %gt3A_13 = arith.cmpf ogt, %add3A, %gt3A_12 : vector<256x256xf32>
    %mul3A = arith.constant 2.000000e-01 : f32
    %mul3A_14 = vector.broadcast %mul3A : f32 to vector<256x256xf32>
    %mul3A_15 = arith.mulf %mul3A_14, %add3A : vector<256x256xf32>
    %select_n3A = arith.select %gt3A_13, %add3A, %mul3A_15 : vector<256x256xi1>, vector<256x256xf32>
    %convert_element_type3A_16 = arith.truncf %select_n3A : vector<256x256xf32> to vector<256x256xbf16>
    %convert_element_type3A_17 = arith.extf %convert_element_type3A_16 : vector<256x256xbf16> to vector<256x256xf32>
    %mul3A_18 = vector.broadcast %convert_element_type3A_5 : vector<1x256xf32> to vector<256x256xf32>
    %mul3A_19 = arith.mulf %convert_element_type3A_17, %mul3A_18 : vector<256x256xf32>
    %reduce_sum3A = arith.constant dense<0.000000e+00> : vector<256xf32>
    %reduce_sum3A_20 = vector.multi_reduction <add>, %mul3A_19, %reduce_sum3A [1] : vector<256x256xf32> to vector<256xf32>
    %broadcast_in_dim3A_21 = vector.shape_cast %reduce_sum3A_20 : vector<256xf32> to vector<256x1xf32>
    %eq3A = arith.constant 0 : i32
    %eq3A_22 = vector.broadcast %eq3A : i32 to vector<256x16xi32>
    %eq3A_23 = arith.cmpi eq, %iota3A, %eq3A_22 : vector<256x16xi32>
    %jit3A = arith.constant 0.000000e+00 : f32
    %broadcast_in_dim3A_24 = vector.shape_cast %broadcast_in_dim3A_21 : vector<256x1xf32> to vector<256x1xf32>
    %broadcast_in_dim3A_25 = vector.broadcast %broadcast_in_dim3A_24 : vector<256x1xf32> to vector<256x16xf32>
    %broadcast_in_dim3A_26 = vector.broadcast %jit3A : f32 to vector<256x16xf32>
    %select_n3A_27 = arith.select %eq3A_23, %broadcast_in_dim3A_25, %broadcast_in_dim3A_26 : vector<256x16xi1>, vector<256x16xf32>
    %add3A_28 = arith.addf %broadcast_in_dim3A_6, %select_n3A_27 : vector<256x16xf32>
    %get3A_29 = arith.constant 0 : index
    %get3A_30 = arith.constant 1 : index
    %get3A_31 = arith.constant 0 : index
    %get3A_32 = vector.load %arg2[%get3A_29, %get3A_30, %get3A_31] : memref<256x16x256xf32, #tpu.memory_space<vmem>>, vector<256x1x256xf32>
    %get3A_33 = vector.shape_cast %get3A_32 : vector<256x1x256xf32> to vector<256x256xf32>
    %add3A_34 = arith.addf %get3A_1, %get3A_33 : vector<256x256xf32>
    %gt3A_35 = arith.constant 0.000000e+00 : f32
    %gt3A_36 = vector.broadcast %gt3A_35 : f32 to vector<256x256xf32>
    %gt3A_37 = arith.cmpf ogt, %add3A_34, %gt3A_36 : vector<256x256xf32>
    %mul3A_38 = arith.constant 2.000000e-01 : f32
    %mul3A_39 = vector.broadcast %mul3A_38 : f32 to vector<256x256xf32>
    %mul3A_40 = arith.mulf %mul3A_39, %add3A_34 : vector<256x256xf32>
    %select_n3A_41 = arith.select %gt3A_37, %add3A_34, %mul3A_40 : vector<256x256xi1>, vector<256x256xf32>
    %convert_element_type3A_42 = arith.truncf %select_n3A_41 : vector<256x256xf32> to vector<256x256xbf16>
    %convert_element_type3A_43 = arith.extf %convert_element_type3A_42 : vector<256x256xbf16> to vector<256x256xf32>
    %mul3A_44 = vector.broadcast %convert_element_type3A_5 : vector<1x256xf32> to vector<256x256xf32>
    %mul3A_45 = arith.mulf %convert_element_type3A_43, %mul3A_44 : vector<256x256xf32>
    %reduce_sum3A_46 = arith.constant dense<0.000000e+00> : vector<256xf32>
    %reduce_sum3A_47 = vector.multi_reduction <add>, %mul3A_45, %reduce_sum3A_46 [1] : vector<256x256xf32> to vector<256xf32>
    %broadcast_in_dim3A_48 = vector.shape_cast %reduce_sum3A_47 : vector<256xf32> to vector<256x1xf32>
    %eq3A_49 = arith.constant 1 : i32
    %eq3A_50 = vector.broadcast %eq3A_49 : i32 to vector<256x16xi32>
    %eq3A_51 = arith.cmpi eq, %iota3A, %eq3A_50 : vector<256x16xi32>
    %jit3A_52 = arith.constant 0.000000e+00 : f32
    %broadcast_in_dim3A_53 = vector.shape_cast %broadcast_in_dim3A_48 : vector<256x1xf32> to vector<256x1xf32>
    %broadcast_in_dim3A_54 = vector.broadcast %broadcast_in_dim3A_53 : vector<256x1xf32> to vector<256x16xf32>
    %broadcast_in_dim3A_55 = vector.broadcast %jit3A_52 : f32 to vector<256x16xf32>
    %select_n3A_56 = arith.select %eq3A_51, %broadcast_in_dim3A_54, %broadcast_in_dim3A_55 : vector<256x16xi1>, vector<256x16xf32>
    %add3A_57 = arith.addf %add3A_28, %select_n3A_56 : vector<256x16xf32>
    %get3A_58 = arith.constant 0 : index
    %get3A_59 = arith.constant 2 : index
    %get3A_60 = arith.constant 0 : index
    %get3A_61 = vector.load %arg2[%get3A_58, %get3A_59, %get3A_60] : memref<256x16x256xf32, #tpu.memory_space<vmem>>, vector<256x1x256xf32>
    %get3A_62 = vector.shape_cast %get3A_61 : vector<256x1x256xf32> to vector<256x256xf32>
    %add3A_63 = arith.addf %get3A_1, %get3A_62 : vector<256x256xf32>
    %gt3A_64 = arith.constant 0.000000e+00 : f32
    %gt3A_65 = vector.broadcast %gt3A_64 : f32 to vector<256x256xf32>
    %gt3A_66 = arith.cmpf ogt, %add3A_63, %gt3A_65 : vector<256x256xf32>
    %mul3A_67 = arith.constant 2.000000e-01 : f32
    %mul3A_68 = vector.broadcast %mul3A_67 : f32 to vector<256x256xf32>
    %mul3A_69 = arith.mulf %mul3A_68, %add3A_63 : vector<256x256xf32>
    %select_n3A_70 = arith.select %gt3A_66, %add3A_63, %mul3A_69 : vector<256x256xi1>, vector<256x256xf32>
    %convert_element_type3A_71 = arith.truncf %select_n3A_70 : vector<256x256xf32> to vector<256x256xbf16>
    %convert_element_type3A_72 = arith.extf %convert_element_type3A_71 : vector<256x256xbf16> to vector<256x256xf32>
    %mul3A_73 = vector.broadcast %convert_element_type3A_5 : vector<1x256xf32> to vector<256x256xf32>
    %mul3A_74 = arith.mulf %convert_element_type3A_72, %mul3A_73 : vector<256x256xf32>
    %reduce_sum3A_75 = arith.constant dense<0.000000e+00> : vector<256xf32>
    %reduce_sum3A_76 = vector.multi_reduction <add>, %mul3A_74, %reduce_sum3A_75 [1] : vector<256x256xf32> to vector<256xf32>
    %broadcast_in_dim3A_77 = vector.shape_cast %reduce_sum3A_76 : vector<256xf32> to vector<256x1xf32>
    %eq3A_78 = arith.constant 2 : i32
    %eq3A_79 = vector.broadcast %eq3A_78 : i32 to vector<256x16xi32>
    %eq3A_80 = arith.cmpi eq, %iota3A, %eq3A_79 : vector<256x16xi32>
    %jit3A_81 = arith.constant 0.000000e+00 : f32
    %broadcast_in_dim3A_82 = vector.shape_cast %broadcast_in_dim3A_77 : vector<256x1xf32> to vector<256x1xf32>
    %broadcast_in_dim3A_83 = vector.broadcast %broadcast_in_dim3A_82 : vector<256x1xf32> to vector<256x16xf32>
    %broadcast_in_dim3A_84 = vector.broadcast %jit3A_81 : f32 to vector<256x16xf32>
    %select_n3A_85 = arith.select %eq3A_80, %broadcast_in_dim3A_83, %broadcast_in_dim3A_84 : vector<256x16xi1>, vector<256x16xf32>
    %add3A_86 = arith.addf %add3A_57, %select_n3A_85 : vector<256x16xf32>
    %get3A_87 = arith.constant 0 : index
    %get3A_88 = arith.constant 3 : index
    %get3A_89 = arith.constant 0 : index
    %get3A_90 = vector.load %arg2[%get3A_87, %get3A_88, %get3A_89] : memref<256x16x256xf32, #tpu.memory_space<vmem>>, vector<256x1x256xf32>
    %get3A_91 = vector.shape_cast %get3A_90 : vector<256x1x256xf32> to vector<256x256xf32>
    %add3A_92 = arith.addf %get3A_1, %get3A_91 : vector<256x256xf32>
    %gt3A_93 = arith.constant 0.000000e+00 : f32
    %gt3A_94 = vector.broadcast %gt3A_93 : f32 to vector<256x256xf32>
    %gt3A_95 = arith.cmpf ogt, %add3A_92, %gt3A_94 : vector<256x256xf32>
    %mul3A_96 = arith.constant 2.000000e-01 : f32
    %mul3A_97 = vector.broadcast %mul3A_96 : f32 to vector<256x256xf32>
    %mul3A_98 = arith.mulf %mul3A_97, %add3A_92 : vector<256x256xf32>
    %select_n3A_99 = arith.select %gt3A_95, %add3A_92, %mul3A_98 : vector<256x256xi1>, vector<256x256xf32>
    %convert_element_type3A_100 = arith.truncf %select_n3A_99 : vector<256x256xf32> to vector<256x256xbf16>
    %convert_element_type3A_101 = arith.extf %convert_element_type3A_100 : vector<256x256xbf16> to vector<256x256xf32>
    %mul3A_102 = vector.broadcast %convert_element_type3A_5 : vector<1x256xf32> to vector<256x256xf32>
    %mul3A_103 = arith.mulf %convert_element_type3A_101, %mul3A_102 : vector<256x256xf32>
    %reduce_sum3A_104 = arith.constant dense<0.000000e+00> : vector<256xf32>
    %reduce_sum3A_105 = vector.multi_reduction <add>, %mul3A_103, %reduce_sum3A_104 [1] : vector<256x256xf32> to vector<256xf32>
    %broadcast_in_dim3A_106 = vector.shape_cast %reduce_sum3A_105 : vector<256xf32> to vector<256x1xf32>
    %eq3A_107 = arith.constant 3 : i32
    %eq3A_108 = vector.broadcast %eq3A_107 : i32 to vector<256x16xi32>
    %eq3A_109 = arith.cmpi eq, %iota3A, %eq3A_108 : vector<256x16xi32>
    %jit3A_110 = arith.constant 0.000000e+00 : f32
    %broadcast_in_dim3A_111 = vector.shape_cast %broadcast_in_dim3A_106 : vector<256x1xf32> to vector<256x1xf32>
    %broadcast_in_dim3A_112 = vector.broadcast %broadcast_in_dim3A_111 : vector<256x1xf32> to vector<256x16xf32>
    %broadcast_in_dim3A_113 = vector.broadcast %jit3A_110 : f32 to vector<256x16xf32>
    %select_n3A_114 = arith.select %eq3A_109, %broadcast_in_dim3A_112, %broadcast_in_dim3A_113 : vector<256x16xi1>, vector<256x16xf32>
    %add3A_115 = arith.addf %add3A_86, %select_n3A_114 : vector<256x16xf32>
    %get3A_116 = arith.constant 0 : index
    %get3A_117 = arith.constant 4 : index
    %get3A_118 = arith.constant 0 : index
    %get3A_119 = vector.load %arg2[%get3A_116, %get3A_117, %get3A_118] : memref<256x16x256xf32, #tpu.memory_space<vmem>>, vector<256x1x256xf32>
    %get3A_120 = vector.shape_cast %get3A_119 : vector<256x1x256xf32> to vector<256x256xf32>
    %add3A_121 = arith.addf %get3A_1, %get3A_120 : vector<256x256xf32>
    %gt3A_122 = arith.constant 0.000000e+00 : f32
    %gt3A_123 = vector.broadcast %gt3A_122 : f32 to vector<256x256xf32>
    %gt3A_124 = arith.cmpf ogt, %add3A_121, %gt3A_123 : vector<256x256xf32>
    %mul3A_125 = arith.constant 2.000000e-01 : f32
    %mul3A_126 = vector.broadcast %mul3A_125 : f32 to vector<256x256xf32>
    %mul3A_127 = arith.mulf %mul3A_126, %add3A_121 : vector<256x256xf32>
    %select_n3A_128 = arith.select %gt3A_124, %add3A_121, %mul3A_127 : vector<256x256xi1>, vector<256x256xf32>
    %convert_element_type3A_129 = arith.truncf %select_n3A_128 : vector<256x256xf32> to vector<256x256xbf16>
    %convert_element_type3A_130 = arith.extf %convert_element_type3A_129 : vector<256x256xbf16> to vector<256x256xf32>
    %mul3A_131 = vector.broadcast %convert_element_type3A_5 : vector<1x256xf32> to vector<256x256xf32>
    %mul3A_132 = arith.mulf %convert_element_type3A_130, %mul3A_131 : vector<256x256xf32>
    %reduce_sum3A_133 = arith.constant dense<0.000000e+00> : vector<256xf32>
    %reduce_sum3A_134 = vector.multi_reduction <add>, %mul3A_132, %reduce_sum3A_133 [1] : vector<256x256xf32> to vector<256xf32>
    %broadcast_in_dim3A_135 = vector.shape_cast %reduce_sum3A_134 : vector<256xf32> to vector<256x1xf32>
    %eq3A_136 = arith.constant 4 : i32
    %eq3A_137 = vector.broadcast %eq3A_136 : i32 to vector<256x16xi32>
    %eq3A_138 = arith.cmpi eq, %iota3A, %eq3A_137 : vector<256x16xi32>
    %jit3A_139 = arith.constant 0.000000e+00 : f32
    %broadcast_in_dim3A_140 = vector.shape_cast %broadcast_in_dim3A_135 : vector<256x1xf32> to vector<256x1xf32>
    %broadcast_in_dim3A_141 = vector.broadcast %broadcast_in_dim3A_140 : vector<256x1xf32> to vector<256x16xf32>
    %broadcast_in_dim3A_142 = vector.broadcast %jit3A_139 : f32 to vector<256x16xf32>
    %select_n3A_143 = arith.select %eq3A_138, %broadcast_in_dim3A_141, %broadcast_in_dim3A_142 : vector<256x16xi1>, vector<256x16xf32>
    %add3A_144 = arith.addf %add3A_115, %select_n3A_143 : vector<256x16xf32>
    %get3A_145 = arith.constant 0 : index
    %get3A_146 = arith.constant 5 : index
    %get3A_147 = arith.constant 0 : index
    %get3A_148 = vector.load %arg2[%get3A_145, %get3A_146, %get3A_147] : memref<256x16x256xf32, #tpu.memory_space<vmem>>, vector<256x1x256xf32>
    %get3A_149 = vector.shape_cast %get3A_148 : vector<256x1x256xf32> to vector<256x256xf32>
    %add3A_150 = arith.addf %get3A_1, %get3A_149 : vector<256x256xf32>
    %gt3A_151 = arith.constant 0.000000e+00 : f32
    %gt3A_152 = vector.broadcast %gt3A_151 : f32 to vector<256x256xf32>
    %gt3A_153 = arith.cmpf ogt, %add3A_150, %gt3A_152 : vector<256x256xf32>
    %mul3A_154 = arith.constant 2.000000e-01 : f32
    %mul3A_155 = vector.broadcast %mul3A_154 : f32 to vector<256x256xf32>
    %mul3A_156 = arith.mulf %mul3A_155, %add3A_150 : vector<256x256xf32>
    %select_n3A_157 = arith.select %gt3A_153, %add3A_150, %mul3A_156 : vector<256x256xi1>, vector<256x256xf32>
    %convert_element_type3A_158 = arith.truncf %select_n3A_157 : vector<256x256xf32> to vector<256x256xbf16>
    %convert_element_type3A_159 = arith.extf %convert_element_type3A_158 : vector<256x256xbf16> to vector<256x256xf32>
    %mul3A_160 = vector.broadcast %convert_element_type3A_5 : vector<1x256xf32> to vector<256x256xf32>
    %mul3A_161 = arith.mulf %convert_element_type3A_159, %mul3A_160 : vector<256x256xf32>
    %reduce_sum3A_162 = arith.constant dense<0.000000e+00> : vector<256xf32>
    %reduce_sum3A_163 = vector.multi_reduction <add>, %mul3A_161, %reduce_sum3A_162 [1] : vector<256x256xf32> to vector<256xf32>
    %broadcast_in_dim3A_164 = vector.shape_cast %reduce_sum3A_163 : vector<256xf32> to vector<256x1xf32>
    %eq3A_165 = arith.constant 5 : i32
    %eq3A_166 = vector.broadcast %eq3A_165 : i32 to vector<256x16xi32>
    %eq3A_167 = arith.cmpi eq, %iota3A, %eq3A_166 : vector<256x16xi32>
    %jit3A_168 = arith.constant 0.000000e+00 : f32
    %broadcast_in_dim3A_169 = vector.shape_cast %broadcast_in_dim3A_164 : vector<256x1xf32> to vector<256x1xf32>
    %broadcast_in_dim3A_170 = vector.broadcast %broadcast_in_dim3A_169 : vector<256x1xf32> to vector<256x16xf32>
    %broadcast_in_dim3A_171 = vector.broadcast %jit3A_168 : f32 to vector<256x16xf32>
    %select_n3A_172 = arith.select %eq3A_167, %broadcast_in_dim3A_170, %broadcast_in_dim3A_171 : vector<256x16xi1>, vector<256x16xf32>
    %add3A_173 = arith.addf %add3A_144, %select_n3A_172 : vector<256x16xf32>
    %get3A_174 = arith.constant 0 : index
    %get3A_175 = arith.constant 6 : index
    %get3A_176 = arith.constant 0 : index
    %get3A_177 = vector.load %arg2[%get3A_174, %get3A_175, %get3A_176] : memref<256x16x256xf32, #tpu.memory_space<vmem>>, vector<256x1x256xf32>
    %get3A_178 = vector.shape_cast %get3A_177 : vector<256x1x256xf32> to vector<256x256xf32>
    %add3A_179 = arith.addf %get3A_1, %get3A_178 : vector<256x256xf32>
    %gt3A_180 = arith.constant 0.000000e+00 : f32
    %gt3A_181 = vector.broadcast %gt3A_180 : f32 to vector<256x256xf32>
    %gt3A_182 = arith.cmpf ogt, %add3A_179, %gt3A_181 : vector<256x256xf32>
    %mul3A_183 = arith.constant 2.000000e-01 : f32
    %mul3A_184 = vector.broadcast %mul3A_183 : f32 to vector<256x256xf32>
    %mul3A_185 = arith.mulf %mul3A_184, %add3A_179 : vector<256x256xf32>
    %select_n3A_186 = arith.select %gt3A_182, %add3A_179, %mul3A_185 : vector<256x256xi1>, vector<256x256xf32>
    %convert_element_type3A_187 = arith.truncf %select_n3A_186 : vector<256x256xf32> to vector<256x256xbf16>
    %convert_element_type3A_188 = arith.extf %convert_element_type3A_187 : vector<256x256xbf16> to vector<256x256xf32>
    %mul3A_189 = vector.broadcast %convert_element_type3A_5 : vector<1x256xf32> to vector<256x256xf32>
    %mul3A_190 = arith.mulf %convert_element_type3A_188, %mul3A_189 : vector<256x256xf32>
    %reduce_sum3A_191 = arith.constant dense<0.000000e+00> : vector<256xf32>
    %reduce_sum3A_192 = vector.multi_reduction <add>, %mul3A_190, %reduce_sum3A_191 [1] : vector<256x256xf32> to vector<256xf32>
    %broadcast_in_dim3A_193 = vector.shape_cast %reduce_sum3A_192 : vector<256xf32> to vector<256x1xf32>
    %eq3A_194 = arith.constant 6 : i32
    %eq3A_195 = vector.broadcast %eq3A_194 : i32 to vector<256x16xi32>
    %eq3A_196 = arith.cmpi eq, %iota3A, %eq3A_195 : vector<256x16xi32>
    %jit3A_197 = arith.constant 0.000000e+00 : f32
    %broadcast_in_dim3A_198 = vector.shape_cast %broadcast_in_dim3A_193 : vector<256x1xf32> to vector<256x1xf32>
    %broadcast_in_dim3A_199 = vector.broadcast %broadcast_in_dim3A_198 : vector<256x1xf32> to vector<256x16xf32>
    %broadcast_in_dim3A_200 = vector.broadcast %jit3A_197 : f32 to vector<256x16xf32>
    %select_n3A_201 = arith.select %eq3A_196, %broadcast_in_dim3A_199, %broadcast_in_dim3A_200 : vector<256x16xi1>, vector<256x16xf32>
    %add3A_202 = arith.addf %add3A_173, %select_n3A_201 : vector<256x16xf32>
    %get3A_203 = arith.constant 0 : index
    %get3A_204 = arith.constant 7 : index
    %get3A_205 = arith.constant 0 : index
    %get3A_206 = vector.load %arg2[%get3A_203, %get3A_204, %get3A_205] : memref<256x16x256xf32, #tpu.memory_space<vmem>>, vector<256x1x256xf32>
    %get3A_207 = vector.shape_cast %get3A_206 : vector<256x1x256xf32> to vector<256x256xf32>
    %add3A_208 = arith.addf %get3A_1, %get3A_207 : vector<256x256xf32>
    %gt3A_209 = arith.constant 0.000000e+00 : f32
    %gt3A_210 = vector.broadcast %gt3A_209 : f32 to vector<256x256xf32>
    %gt3A_211 = arith.cmpf ogt, %add3A_208, %gt3A_210 : vector<256x256xf32>
    %mul3A_212 = arith.constant 2.000000e-01 : f32
    %mul3A_213 = vector.broadcast %mul3A_212 : f32 to vector<256x256xf32>
    %mul3A_214 = arith.mulf %mul3A_213, %add3A_208 : vector<256x256xf32>
    %select_n3A_215 = arith.select %gt3A_211, %add3A_208, %mul3A_214 : vector<256x256xi1>, vector<256x256xf32>
    %convert_element_type3A_216 = arith.truncf %select_n3A_215 : vector<256x256xf32> to vector<256x256xbf16>
    %convert_element_type3A_217 = arith.extf %convert_element_type3A_216 : vector<256x256xbf16> to vector<256x256xf32>
    %mul3A_218 = vector.broadcast %convert_element_type3A_5 : vector<1x256xf32> to vector<256x256xf32>
    %mul3A_219 = arith.mulf %convert_element_type3A_217, %mul3A_218 : vector<256x256xf32>
    %reduce_sum3A_220 = arith.constant dense<0.000000e+00> : vector<256xf32>
    %reduce_sum3A_221 = vector.multi_reduction <add>, %mul3A_219, %reduce_sum3A_220 [1] : vector<256x256xf32> to vector<256xf32>
    %broadcast_in_dim3A_222 = vector.shape_cast %reduce_sum3A_221 : vector<256xf32> to vector<256x1xf32>
    %eq3A_223 = arith.constant 7 : i32
    %eq3A_224 = vector.broadcast %eq3A_223 : i32 to vector<256x16xi32>
    %eq3A_225 = arith.cmpi eq, %iota3A, %eq3A_224 : vector<256x16xi32>
    %jit3A_226 = arith.constant 0.000000e+00 : f32
    %broadcast_in_dim3A_227 = vector.shape_cast %broadcast_in_dim3A_222 : vector<256x1xf32> to vector<256x1xf32>
    %broadcast_in_dim3A_228 = vector.broadcast %broadcast_in_dim3A_227 : vector<256x1xf32> to vector<256x16xf32>
    %broadcast_in_dim3A_229 = vector.broadcast %jit3A_226 : f32 to vector<256x16xf32>
    %select_n3A_230 = arith.select %eq3A_225, %broadcast_in_dim3A_228, %broadcast_in_dim3A_229 : vector<256x16xi1>, vector<256x16xf32>
    %add3A_231 = arith.addf %add3A_202, %select_n3A_230 : vector<256x16xf32>
    %get3A_232 = arith.constant 0 : index
    %get3A_233 = arith.constant 8 : index
    %get3A_234 = arith.constant 0 : index
    %get3A_235 = vector.load %arg2[%get3A_232, %get3A_233, %get3A_234] : memref<256x16x256xf32, #tpu.memory_space<vmem>>, vector<256x1x256xf32>
    %get3A_236 = vector.shape_cast %get3A_235 : vector<256x1x256xf32> to vector<256x256xf32>
    %add3A_237 = arith.addf %get3A_1, %get3A_236 : vector<256x256xf32>
    %gt3A_238 = arith.constant 0.000000e+00 : f32
    %gt3A_239 = vector.broadcast %gt3A_238 : f32 to vector<256x256xf32>
    %gt3A_240 = arith.cmpf ogt, %add3A_237, %gt3A_239 : vector<256x256xf32>
    %mul3A_241 = arith.constant 2.000000e-01 : f32
    %mul3A_242 = vector.broadcast %mul3A_241 : f32 to vector<256x256xf32>
    %mul3A_243 = arith.mulf %mul3A_242, %add3A_237 : vector<256x256xf32>
    %select_n3A_244 = arith.select %gt3A_240, %add3A_237, %mul3A_243 : vector<256x256xi1>, vector<256x256xf32>
    %convert_element_type3A_245 = arith.truncf %select_n3A_244 : vector<256x256xf32> to vector<256x256xbf16>
    %convert_element_type3A_246 = arith.extf %convert_element_type3A_245 : vector<256x256xbf16> to vector<256x256xf32>
    %mul3A_247 = vector.broadcast %convert_element_type3A_5 : vector<1x256xf32> to vector<256x256xf32>
    %mul3A_248 = arith.mulf %convert_element_type3A_246, %mul3A_247 : vector<256x256xf32>
    %reduce_sum3A_249 = arith.constant dense<0.000000e+00> : vector<256xf32>
    %reduce_sum3A_250 = vector.multi_reduction <add>, %mul3A_248, %reduce_sum3A_249 [1] : vector<256x256xf32> to vector<256xf32>
    %broadcast_in_dim3A_251 = vector.shape_cast %reduce_sum3A_250 : vector<256xf32> to vector<256x1xf32>
    %eq3A_252 = arith.constant 8 : i32
    %eq3A_253 = vector.broadcast %eq3A_252 : i32 to vector<256x16xi32>
    %eq3A_254 = arith.cmpi eq, %iota3A, %eq3A_253 : vector<256x16xi32>
    %jit3A_255 = arith.constant 0.000000e+00 : f32
    %broadcast_in_dim3A_256 = vector.shape_cast %broadcast_in_dim3A_251 : vector<256x1xf32> to vector<256x1xf32>
    %broadcast_in_dim3A_257 = vector.broadcast %broadcast_in_dim3A_256 : vector<256x1xf32> to vector<256x16xf32>
    %broadcast_in_dim3A_258 = vector.broadcast %jit3A_255 : f32 to vector<256x16xf32>
    %select_n3A_259 = arith.select %eq3A_254, %broadcast_in_dim3A_257, %broadcast_in_dim3A_258 : vector<256x16xi1>, vector<256x16xf32>
    %add3A_260 = arith.addf %add3A_231, %select_n3A_259 : vector<256x16xf32>
    %get3A_261 = arith.constant 0 : index
    %get3A_262 = arith.constant 9 : index
    %get3A_263 = arith.constant 0 : index
    %get3A_264 = vector.load %arg2[%get3A_261, %get3A_262, %get3A_263] : memref<256x16x256xf32, #tpu.memory_space<vmem>>, vector<256x1x256xf32>
    %get3A_265 = vector.shape_cast %get3A_264 : vector<256x1x256xf32> to vector<256x256xf32>
    %add3A_266 = arith.addf %get3A_1, %get3A_265 : vector<256x256xf32>
    %gt3A_267 = arith.constant 0.000000e+00 : f32
    %gt3A_268 = vector.broadcast %gt3A_267 : f32 to vector<256x256xf32>
    %gt3A_269 = arith.cmpf ogt, %add3A_266, %gt3A_268 : vector<256x256xf32>
    %mul3A_270 = arith.constant 2.000000e-01 : f32
    %mul3A_271 = vector.broadcast %mul3A_270 : f32 to vector<256x256xf32>
    %mul3A_272 = arith.mulf %mul3A_271, %add3A_266 : vector<256x256xf32>
    %select_n3A_273 = arith.select %gt3A_269, %add3A_266, %mul3A_272 : vector<256x256xi1>, vector<256x256xf32>
    %convert_element_type3A_274 = arith.truncf %select_n3A_273 : vector<256x256xf32> to vector<256x256xbf16>
    %convert_element_type3A_275 = arith.extf %convert_element_type3A_274 : vector<256x256xbf16> to vector<256x256xf32>
    %mul3A_276 = vector.broadcast %convert_element_type3A_5 : vector<1x256xf32> to vector<256x256xf32>
    %mul3A_277 = arith.mulf %convert_element_type3A_275, %mul3A_276 : vector<256x256xf32>
    %reduce_sum3A_278 = arith.constant dense<0.000000e+00> : vector<256xf32>
    %reduce_sum3A_279 = vector.multi_reduction <add>, %mul3A_277, %reduce_sum3A_278 [1] : vector<256x256xf32> to vector<256xf32>
    %broadcast_in_dim3A_280 = vector.shape_cast %reduce_sum3A_279 : vector<256xf32> to vector<256x1xf32>
    %eq3A_281 = arith.constant 9 : i32
    %eq3A_282 = vector.broadcast %eq3A_281 : i32 to vector<256x16xi32>
    %eq3A_283 = arith.cmpi eq, %iota3A, %eq3A_282 : vector<256x16xi32>
    %jit3A_284 = arith.constant 0.000000e+00 : f32
    %broadcast_in_dim3A_285 = vector.shape_cast %broadcast_in_dim3A_280 : vector<256x1xf32> to vector<256x1xf32>
    %broadcast_in_dim3A_286 = vector.broadcast %broadcast_in_dim3A_285 : vector<256x1xf32> to vector<256x16xf32>
    %broadcast_in_dim3A_287 = vector.broadcast %jit3A_284 : f32 to vector<256x16xf32>
    %select_n3A_288 = arith.select %eq3A_283, %broadcast_in_dim3A_286, %broadcast_in_dim3A_287 : vector<256x16xi1>, vector<256x16xf32>
    %add3A_289 = arith.addf %add3A_260, %select_n3A_288 : vector<256x16xf32>
    %get3A_290 = arith.constant 0 : index
    %get3A_291 = arith.constant 10 : index
    %get3A_292 = arith.constant 0 : index
    %get3A_293 = vector.load %arg2[%get3A_290, %get3A_291, %get3A_292] : memref<256x16x256xf32, #tpu.memory_space<vmem>>, vector<256x1x256xf32>
    %get3A_294 = vector.shape_cast %get3A_293 : vector<256x1x256xf32> to vector<256x256xf32>
    %add3A_295 = arith.addf %get3A_1, %get3A_294 : vector<256x256xf32>
    %gt3A_296 = arith.constant 0.000000e+00 : f32
    %gt3A_297 = vector.broadcast %gt3A_296 : f32 to vector<256x256xf32>
    %gt3A_298 = arith.cmpf ogt, %add3A_295, %gt3A_297 : vector<256x256xf32>
    %mul3A_299 = arith.constant 2.000000e-01 : f32
    %mul3A_300 = vector.broadcast %mul3A_299 : f32 to vector<256x256xf32>
    %mul3A_301 = arith.mulf %mul3A_300, %add3A_295 : vector<256x256xf32>
    %select_n3A_302 = arith.select %gt3A_298, %add3A_295, %mul3A_301 : vector<256x256xi1>, vector<256x256xf32>
    %convert_element_type3A_303 = arith.truncf %select_n3A_302 : vector<256x256xf32> to vector<256x256xbf16>
    %convert_element_type3A_304 = arith.extf %convert_element_type3A_303 : vector<256x256xbf16> to vector<256x256xf32>
    %mul3A_305 = vector.broadcast %convert_element_type3A_5 : vector<1x256xf32> to vector<256x256xf32>
    %mul3A_306 = arith.mulf %convert_element_type3A_304, %mul3A_305 : vector<256x256xf32>
    %reduce_sum3A_307 = arith.constant dense<0.000000e+00> : vector<256xf32>
    %reduce_sum3A_308 = vector.multi_reduction <add>, %mul3A_306, %reduce_sum3A_307 [1] : vector<256x256xf32> to vector<256xf32>
    %broadcast_in_dim3A_309 = vector.shape_cast %reduce_sum3A_308 : vector<256xf32> to vector<256x1xf32>
    %eq3A_310 = arith.constant 10 : i32
    %eq3A_311 = vector.broadcast %eq3A_310 : i32 to vector<256x16xi32>
    %eq3A_312 = arith.cmpi eq, %iota3A, %eq3A_311 : vector<256x16xi32>
    %jit3A_313 = arith.constant 0.000000e+00 : f32
    %broadcast_in_dim3A_314 = vector.shape_cast %broadcast_in_dim3A_309 : vector<256x1xf32> to vector<256x1xf32>
    %broadcast_in_dim3A_315 = vector.broadcast %broadcast_in_dim3A_314 : vector<256x1xf32> to vector<256x16xf32>
    %broadcast_in_dim3A_316 = vector.broadcast %jit3A_313 : f32 to vector<256x16xf32>
    %select_n3A_317 = arith.select %eq3A_312, %broadcast_in_dim3A_315, %broadcast_in_dim3A_316 : vector<256x16xi1>, vector<256x16xf32>
    %add3A_318 = arith.addf %add3A_289, %select_n3A_317 : vector<256x16xf32>
    %get3A_319 = arith.constant 0 : index
    %get3A_320 = arith.constant 11 : index
    %get3A_321 = arith.constant 0 : index
    %get3A_322 = vector.load %arg2[%get3A_319, %get3A_320, %get3A_321] : memref<256x16x256xf32, #tpu.memory_space<vmem>>, vector<256x1x256xf32>
    %get3A_323 = vector.shape_cast %get3A_322 : vector<256x1x256xf32> to vector<256x256xf32>
    %add3A_324 = arith.addf %get3A_1, %get3A_323 : vector<256x256xf32>
    %gt3A_325 = arith.constant 0.000000e+00 : f32
    %gt3A_326 = vector.broadcast %gt3A_325 : f32 to vector<256x256xf32>
    %gt3A_327 = arith.cmpf ogt, %add3A_324, %gt3A_326 : vector<256x256xf32>
    %mul3A_328 = arith.constant 2.000000e-01 : f32
    %mul3A_329 = vector.broadcast %mul3A_328 : f32 to vector<256x256xf32>
    %mul3A_330 = arith.mulf %mul3A_329, %add3A_324 : vector<256x256xf32>
    %select_n3A_331 = arith.select %gt3A_327, %add3A_324, %mul3A_330 : vector<256x256xi1>, vector<256x256xf32>
    %convert_element_type3A_332 = arith.truncf %select_n3A_331 : vector<256x256xf32> to vector<256x256xbf16>
    %convert_element_type3A_333 = arith.extf %convert_element_type3A_332 : vector<256x256xbf16> to vector<256x256xf32>
    %mul3A_334 = vector.broadcast %convert_element_type3A_5 : vector<1x256xf32> to vector<256x256xf32>
    %mul3A_335 = arith.mulf %convert_element_type3A_333, %mul3A_334 : vector<256x256xf32>
    %reduce_sum3A_336 = arith.constant dense<0.000000e+00> : vector<256xf32>
    %reduce_sum3A_337 = vector.multi_reduction <add>, %mul3A_335, %reduce_sum3A_336 [1] : vector<256x256xf32> to vector<256xf32>
    %broadcast_in_dim3A_338 = vector.shape_cast %reduce_sum3A_337 : vector<256xf32> to vector<256x1xf32>
    %eq3A_339 = arith.constant 11 : i32
    %eq3A_340 = vector.broadcast %eq3A_339 : i32 to vector<256x16xi32>
    %eq3A_341 = arith.cmpi eq, %iota3A, %eq3A_340 : vector<256x16xi32>
    %jit3A_342 = arith.constant 0.000000e+00 : f32
    %broadcast_in_dim3A_343 = vector.shape_cast %broadcast_in_dim3A_338 : vector<256x1xf32> to vector<256x1xf32>
    %broadcast_in_dim3A_344 = vector.broadcast %broadcast_in_dim3A_343 : vector<256x1xf32> to vector<256x16xf32>
    %broadcast_in_dim3A_345 = vector.broadcast %jit3A_342 : f32 to vector<256x16xf32>
    %select_n3A_346 = arith.select %eq3A_341, %broadcast_in_dim3A_344, %broadcast_in_dim3A_345 : vector<256x16xi1>, vector<256x16xf32>
    %add3A_347 = arith.addf %add3A_318, %select_n3A_346 : vector<256x16xf32>
    %get3A_348 = arith.constant 0 : index
    %get3A_349 = arith.constant 12 : index
    %get3A_350 = arith.constant 0 : index
    %get3A_351 = vector.load %arg2[%get3A_348, %get3A_349, %get3A_350] : memref<256x16x256xf32, #tpu.memory_space<vmem>>, vector<256x1x256xf32>
    %get3A_352 = vector.shape_cast %get3A_351 : vector<256x1x256xf32> to vector<256x256xf32>
    %add3A_353 = arith.addf %get3A_1, %get3A_352 : vector<256x256xf32>
    %gt3A_354 = arith.constant 0.000000e+00 : f32
    %gt3A_355 = vector.broadcast %gt3A_354 : f32 to vector<256x256xf32>
    %gt3A_356 = arith.cmpf ogt, %add3A_353, %gt3A_355 : vector<256x256xf32>
    %mul3A_357 = arith.constant 2.000000e-01 : f32
    %mul3A_358 = vector.broadcast %mul3A_357 : f32 to vector<256x256xf32>
    %mul3A_359 = arith.mulf %mul3A_358, %add3A_353 : vector<256x256xf32>
    %select_n3A_360 = arith.select %gt3A_356, %add3A_353, %mul3A_359 : vector<256x256xi1>, vector<256x256xf32>
    %convert_element_type3A_361 = arith.truncf %select_n3A_360 : vector<256x256xf32> to vector<256x256xbf16>
    %convert_element_type3A_362 = arith.extf %convert_element_type3A_361 : vector<256x256xbf16> to vector<256x256xf32>
    %mul3A_363 = vector.broadcast %convert_element_type3A_5 : vector<1x256xf32> to vector<256x256xf32>
    %mul3A_364 = arith.mulf %convert_element_type3A_362, %mul3A_363 : vector<256x256xf32>
    %reduce_sum3A_365 = arith.constant dense<0.000000e+00> : vector<256xf32>
    %reduce_sum3A_366 = vector.multi_reduction <add>, %mul3A_364, %reduce_sum3A_365 [1] : vector<256x256xf32> to vector<256xf32>
    %broadcast_in_dim3A_367 = vector.shape_cast %reduce_sum3A_366 : vector<256xf32> to vector<256x1xf32>
    %eq3A_368 = arith.constant 12 : i32
    %eq3A_369 = vector.broadcast %eq3A_368 : i32 to vector<256x16xi32>
    %eq3A_370 = arith.cmpi eq, %iota3A, %eq3A_369 : vector<256x16xi32>
    %jit3A_371 = arith.constant 0.000000e+00 : f32
    %broadcast_in_dim3A_372 = vector.shape_cast %broadcast_in_dim3A_367 : vector<256x1xf32> to vector<256x1xf32>
    %broadcast_in_dim3A_373 = vector.broadcast %broadcast_in_dim3A_372 : vector<256x1xf32> to vector<256x16xf32>
    %broadcast_in_dim3A_374 = vector.broadcast %jit3A_371 : f32 to vector<256x16xf32>
    %select_n3A_375 = arith.select %eq3A_370, %broadcast_in_dim3A_373, %broadcast_in_dim3A_374 : vector<256x16xi1>, vector<256x16xf32>
    %add3A_376 = arith.addf %add3A_347, %select_n3A_375 : vector<256x16xf32>
    %get3A_377 = arith.constant 0 : index
    %get3A_378 = arith.constant 13 : index
    %get3A_379 = arith.constant 0 : index
    %get3A_380 = vector.load %arg2[%get3A_377, %get3A_378, %get3A_379] : memref<256x16x256xf32, #tpu.memory_space<vmem>>, vector<256x1x256xf32>
    %get3A_381 = vector.shape_cast %get3A_380 : vector<256x1x256xf32> to vector<256x256xf32>
    %add3A_382 = arith.addf %get3A_1, %get3A_381 : vector<256x256xf32>
    %gt3A_383 = arith.constant 0.000000e+00 : f32
    %gt3A_384 = vector.broadcast %gt3A_383 : f32 to vector<256x256xf32>
    %gt3A_385 = arith.cmpf ogt, %add3A_382, %gt3A_384 : vector<256x256xf32>
    %mul3A_386 = arith.constant 2.000000e-01 : f32
    %mul3A_387 = vector.broadcast %mul3A_386 : f32 to vector<256x256xf32>
    %mul3A_388 = arith.mulf %mul3A_387, %add3A_382 : vector<256x256xf32>
    %select_n3A_389 = arith.select %gt3A_385, %add3A_382, %mul3A_388 : vector<256x256xi1>, vector<256x256xf32>
    %convert_element_type3A_390 = arith.truncf %select_n3A_389 : vector<256x256xf32> to vector<256x256xbf16>
    %convert_element_type3A_391 = arith.extf %convert_element_type3A_390 : vector<256x256xbf16> to vector<256x256xf32>
    %mul3A_392 = vector.broadcast %convert_element_type3A_5 : vector<1x256xf32> to vector<256x256xf32>
    %mul3A_393 = arith.mulf %convert_element_type3A_391, %mul3A_392 : vector<256x256xf32>
    %reduce_sum3A_394 = arith.constant dense<0.000000e+00> : vector<256xf32>
    %reduce_sum3A_395 = vector.multi_reduction <add>, %mul3A_393, %reduce_sum3A_394 [1] : vector<256x256xf32> to vector<256xf32>
    %broadcast_in_dim3A_396 = vector.shape_cast %reduce_sum3A_395 : vector<256xf32> to vector<256x1xf32>
    %eq3A_397 = arith.constant 13 : i32
    %eq3A_398 = vector.broadcast %eq3A_397 : i32 to vector<256x16xi32>
    %eq3A_399 = arith.cmpi eq, %iota3A, %eq3A_398 : vector<256x16xi32>
    %jit3A_400 = arith.constant 0.000000e+00 : f32
    %broadcast_in_dim3A_401 = vector.shape_cast %broadcast_in_dim3A_396 : vector<256x1xf32> to vector<256x1xf32>
    %broadcast_in_dim3A_402 = vector.broadcast %broadcast_in_dim3A_401 : vector<256x1xf32> to vector<256x16xf32>
    %broadcast_in_dim3A_403 = vector.broadcast %jit3A_400 : f32 to vector<256x16xf32>
    %select_n3A_404 = arith.select %eq3A_399, %broadcast_in_dim3A_402, %broadcast_in_dim3A_403 : vector<256x16xi1>, vector<256x16xf32>
    %add3A_405 = arith.addf %add3A_376, %select_n3A_404 : vector<256x16xf32>
    %get3A_406 = arith.constant 0 : index
    %get3A_407 = arith.constant 14 : index
    %get3A_408 = arith.constant 0 : index
    %get3A_409 = vector.load %arg2[%get3A_406, %get3A_407, %get3A_408] : memref<256x16x256xf32, #tpu.memory_space<vmem>>, vector<256x1x256xf32>
    %get3A_410 = vector.shape_cast %get3A_409 : vector<256x1x256xf32> to vector<256x256xf32>
    %add3A_411 = arith.addf %get3A_1, %get3A_410 : vector<256x256xf32>
    %gt3A_412 = arith.constant 0.000000e+00 : f32
    %gt3A_413 = vector.broadcast %gt3A_412 : f32 to vector<256x256xf32>
    %gt3A_414 = arith.cmpf ogt, %add3A_411, %gt3A_413 : vector<256x256xf32>
    %mul3A_415 = arith.constant 2.000000e-01 : f32
    %mul3A_416 = vector.broadcast %mul3A_415 : f32 to vector<256x256xf32>
    %mul3A_417 = arith.mulf %mul3A_416, %add3A_411 : vector<256x256xf32>
    %select_n3A_418 = arith.select %gt3A_414, %add3A_411, %mul3A_417 : vector<256x256xi1>, vector<256x256xf32>
    %convert_element_type3A_419 = arith.truncf %select_n3A_418 : vector<256x256xf32> to vector<256x256xbf16>
    %convert_element_type3A_420 = arith.extf %convert_element_type3A_419 : vector<256x256xbf16> to vector<256x256xf32>
    %mul3A_421 = vector.broadcast %convert_element_type3A_5 : vector<1x256xf32> to vector<256x256xf32>
    %mul3A_422 = arith.mulf %convert_element_type3A_420, %mul3A_421 : vector<256x256xf32>
    %reduce_sum3A_423 = arith.constant dense<0.000000e+00> : vector<256xf32>
    %reduce_sum3A_424 = vector.multi_reduction <add>, %mul3A_422, %reduce_sum3A_423 [1] : vector<256x256xf32> to vector<256xf32>
    %broadcast_in_dim3A_425 = vector.shape_cast %reduce_sum3A_424 : vector<256xf32> to vector<256x1xf32>
    %eq3A_426 = arith.constant 14 : i32
    %eq3A_427 = vector.broadcast %eq3A_426 : i32 to vector<256x16xi32>
    %eq3A_428 = arith.cmpi eq, %iota3A, %eq3A_427 : vector<256x16xi32>
    %jit3A_429 = arith.constant 0.000000e+00 : f32
    %broadcast_in_dim3A_430 = vector.shape_cast %broadcast_in_dim3A_425 : vector<256x1xf32> to vector<256x1xf32>
    %broadcast_in_dim3A_431 = vector.broadcast %broadcast_in_dim3A_430 : vector<256x1xf32> to vector<256x16xf32>
    %broadcast_in_dim3A_432 = vector.broadcast %jit3A_429 : f32 to vector<256x16xf32>
    %select_n3A_433 = arith.select %eq3A_428, %broadcast_in_dim3A_431, %broadcast_in_dim3A_432 : vector<256x16xi1>, vector<256x16xf32>
    %add3A_434 = arith.addf %add3A_405, %select_n3A_433 : vector<256x16xf32>
    %get3A_435 = arith.constant 0 : index
    %get3A_436 = arith.constant 15 : index
    %get3A_437 = arith.constant 0 : index
    %get3A_438 = vector.load %arg2[%get3A_435, %get3A_436, %get3A_437] : memref<256x16x256xf32, #tpu.memory_space<vmem>>, vector<256x1x256xf32>
    %get3A_439 = vector.shape_cast %get3A_438 : vector<256x1x256xf32> to vector<256x256xf32>
    %add3A_440 = arith.addf %get3A_1, %get3A_439 : vector<256x256xf32>
    %gt3A_441 = arith.constant 0.000000e+00 : f32
    %gt3A_442 = vector.broadcast %gt3A_441 : f32 to vector<256x256xf32>
    %gt3A_443 = arith.cmpf ogt, %add3A_440, %gt3A_442 : vector<256x256xf32>
    %mul3A_444 = arith.constant 2.000000e-01 : f32
    %mul3A_445 = vector.broadcast %mul3A_444 : f32 to vector<256x256xf32>
    %mul3A_446 = arith.mulf %mul3A_445, %add3A_440 : vector<256x256xf32>
    %select_n3A_447 = arith.select %gt3A_443, %add3A_440, %mul3A_446 : vector<256x256xi1>, vector<256x256xf32>
    %convert_element_type3A_448 = arith.truncf %select_n3A_447 : vector<256x256xf32> to vector<256x256xbf16>
    %convert_element_type3A_449 = arith.extf %convert_element_type3A_448 : vector<256x256xbf16> to vector<256x256xf32>
    %mul3A_450 = vector.broadcast %convert_element_type3A_5 : vector<1x256xf32> to vector<256x256xf32>
    %mul3A_451 = arith.mulf %convert_element_type3A_449, %mul3A_450 : vector<256x256xf32>
    %reduce_sum3A_452 = arith.constant dense<0.000000e+00> : vector<256xf32>
    %reduce_sum3A_453 = vector.multi_reduction <add>, %mul3A_451, %reduce_sum3A_452 [1] : vector<256x256xf32> to vector<256xf32>
    %broadcast_in_dim3A_454 = vector.shape_cast %reduce_sum3A_453 : vector<256xf32> to vector<256x1xf32>
    %eq3A_455 = arith.constant 15 : i32
    %eq3A_456 = vector.broadcast %eq3A_455 : i32 to vector<256x16xi32>
    %eq3A_457 = arith.cmpi eq, %iota3A, %eq3A_456 : vector<256x16xi32>
    %jit3A_458 = arith.constant 0.000000e+00 : f32
    %broadcast_in_dim3A_459 = vector.shape_cast %broadcast_in_dim3A_454 : vector<256x1xf32> to vector<256x1xf32>
    %broadcast_in_dim3A_460 = vector.broadcast %broadcast_in_dim3A_459 : vector<256x1xf32> to vector<256x16xf32>
    %broadcast_in_dim3A_461 = vector.broadcast %jit3A_458 : f32 to vector<256x16xf32>
    %select_n3A_462 = arith.select %eq3A_457, %broadcast_in_dim3A_460, %broadcast_in_dim3A_461 : vector<256x16xi1>, vector<256x16xf32>
    %add3A_463 = arith.addf %add3A_434, %select_n3A_462 : vector<256x16xf32>
    %reduce_max3A = arith.constant dense<0xFF800000> : vector<256xf32>
    %reduce_max3A_464 = vector.multi_reduction <maximumf>, %add3A_463, %reduce_max3A [1] : vector<256x16xf32> to vector<256xf32>
    %broadcast_in_dim3A_465 = vector.shape_cast %reduce_max3A_464 : vector<256xf32> to vector<256x1xf32>
    %sub3A = vector.broadcast %broadcast_in_dim3A_465 : vector<256x1xf32> to vector<256x16xf32>
    %sub3A_466 = arith.subf %add3A_463, %sub3A : vector<256x16xf32>
    %exp3A = math.exp %sub3A_466 : vector<256x16xf32>
    %reduce_sum3A_467 = arith.constant dense<0.000000e+00> : vector<256xf32>
    %reduce_sum3A_468 = vector.multi_reduction <add>, %exp3A, %reduce_sum3A_467 [1] : vector<256x16xf32> to vector<256xf32>
    %broadcast_in_dim3A_469 = vector.shape_cast %reduce_sum3A_468 : vector<256xf32> to vector<256x1xf32>
    %div3A = vector.broadcast %broadcast_in_dim3A_469 : vector<256x1xf32> to vector<256x16xf32>
    %div3A_470 = arith.divf %exp3A, %div3A : vector<256x16xf32>
    %convert_element_type3A_471 = arith.truncf %div3A_470 : vector<256x16xf32> to vector<256x16xbf16>
    %convert_element_type3A_472 = arith.extf %convert_element_type3A_471 : vector<256x16xbf16> to vector<256x16xf32>
    %broadcast_in_dim3A_473 = arith.constant 0.000000e+00 : f32
    %broadcast_in_dim3A_474 = vector.broadcast %broadcast_in_dim3A_473 : f32 to vector<256x256xf32>
    %slice3A = vector.extract_strided_slice %convert_element_type3A_472 {offsets = [0, 0], sizes = [256, 1], strides = [1, 1]} : vector<256x16xf32> to vector<256x1xf32>
    %get3A_475 = arith.constant 0 : index
    %get3A_476 = arith.constant 0 : index
    %get3A_477 = arith.constant 0 : index
    %get3A_478 = vector.load %arg2[%get3A_475, %get3A_476, %get3A_477] : memref<256x16x256xf32, #tpu.memory_space<vmem>>, vector<256x1x256xf32>
    %get3A_479 = vector.shape_cast %get3A_478 : vector<256x1x256xf32> to vector<256x256xf32>
    %convert_element_type3A_480 = arith.truncf %get3A_479 : vector<256x256xf32> to vector<256x256xbf16>
    %convert_element_type3A_481 = arith.extf %convert_element_type3A_480 : vector<256x256xbf16> to vector<256x256xf32>
    %mul3A_482 = vector.broadcast %slice3A : vector<256x1xf32> to vector<256x256xf32>
    %mul3A_483 = arith.mulf %mul3A_482, %convert_element_type3A_481 : vector<256x256xf32>
    %add3A_484 = arith.addf %broadcast_in_dim3A_474, %mul3A_483 : vector<256x256xf32>
    %slice3A_485 = vector.extract_strided_slice %convert_element_type3A_472 {offsets = [0, 1], sizes = [256, 1], strides = [1, 1]} : vector<256x16xf32> to vector<256x1xf32>
    %get3A_486 = arith.constant 0 : index
    %get3A_487 = arith.constant 1 : index
    %get3A_488 = arith.constant 0 : index
    %get3A_489 = vector.load %arg2[%get3A_486, %get3A_487, %get3A_488] : memref<256x16x256xf32, #tpu.memory_space<vmem>>, vector<256x1x256xf32>
    %get3A_490 = vector.shape_cast %get3A_489 : vector<256x1x256xf32> to vector<256x256xf32>
    %convert_element_type3A_491 = arith.truncf %get3A_490 : vector<256x256xf32> to vector<256x256xbf16>
    %convert_element_type3A_492 = arith.extf %convert_element_type3A_491 : vector<256x256xbf16> to vector<256x256xf32>
    %mul3A_493 = vector.broadcast %slice3A_485 : vector<256x1xf32> to vector<256x256xf32>
    %mul3A_494 = arith.mulf %mul3A_493, %convert_element_type3A_492 : vector<256x256xf32>
    %add3A_495 = arith.addf %add3A_484, %mul3A_494 : vector<256x256xf32>
    %slice3A_496 = vector.extract_strided_slice %convert_element_type3A_472 {offsets = [0, 2], sizes = [256, 1], strides = [1, 1]} : vector<256x16xf32> to vector<256x1xf32>
    %get3A_497 = arith.constant 0 : index
    %get3A_498 = arith.constant 2 : index
    %get3A_499 = arith.constant 0 : index
    %get3A_500 = vector.load %arg2[%get3A_497, %get3A_498, %get3A_499] : memref<256x16x256xf32, #tpu.memory_space<vmem>>, vector<256x1x256xf32>
    %get3A_501 = vector.shape_cast %get3A_500 : vector<256x1x256xf32> to vector<256x256xf32>
    %convert_element_type3A_502 = arith.truncf %get3A_501 : vector<256x256xf32> to vector<256x256xbf16>
    %convert_element_type3A_503 = arith.extf %convert_element_type3A_502 : vector<256x256xbf16> to vector<256x256xf32>
    %mul3A_504 = vector.broadcast %slice3A_496 : vector<256x1xf32> to vector<256x256xf32>
    %mul3A_505 = arith.mulf %mul3A_504, %convert_element_type3A_503 : vector<256x256xf32>
    %add3A_506 = arith.addf %add3A_495, %mul3A_505 : vector<256x256xf32>
    %slice3A_507 = vector.extract_strided_slice %convert_element_type3A_472 {offsets = [0, 3], sizes = [256, 1], strides = [1, 1]} : vector<256x16xf32> to vector<256x1xf32>
    %get3A_508 = arith.constant 0 : index
    %get3A_509 = arith.constant 3 : index
    %get3A_510 = arith.constant 0 : index
    %get3A_511 = vector.load %arg2[%get3A_508, %get3A_509, %get3A_510] : memref<256x16x256xf32, #tpu.memory_space<vmem>>, vector<256x1x256xf32>
    %get3A_512 = vector.shape_cast %get3A_511 : vector<256x1x256xf32> to vector<256x256xf32>
    %convert_element_type3A_513 = arith.truncf %get3A_512 : vector<256x256xf32> to vector<256x256xbf16>
    %convert_element_type3A_514 = arith.extf %convert_element_type3A_513 : vector<256x256xbf16> to vector<256x256xf32>
    %mul3A_515 = vector.broadcast %slice3A_507 : vector<256x1xf32> to vector<256x256xf32>
    %mul3A_516 = arith.mulf %mul3A_515, %convert_element_type3A_514 : vector<256x256xf32>
    %add3A_517 = arith.addf %add3A_506, %mul3A_516 : vector<256x256xf32>
    %slice3A_518 = vector.extract_strided_slice %convert_element_type3A_472 {offsets = [0, 4], sizes = [256, 1], strides = [1, 1]} : vector<256x16xf32> to vector<256x1xf32>
    %get3A_519 = arith.constant 0 : index
    %get3A_520 = arith.constant 4 : index
    %get3A_521 = arith.constant 0 : index
    %get3A_522 = vector.load %arg2[%get3A_519, %get3A_520, %get3A_521] : memref<256x16x256xf32, #tpu.memory_space<vmem>>, vector<256x1x256xf32>
    %get3A_523 = vector.shape_cast %get3A_522 : vector<256x1x256xf32> to vector<256x256xf32>
    %convert_element_type3A_524 = arith.truncf %get3A_523 : vector<256x256xf32> to vector<256x256xbf16>
    %convert_element_type3A_525 = arith.extf %convert_element_type3A_524 : vector<256x256xbf16> to vector<256x256xf32>
    %mul3A_526 = vector.broadcast %slice3A_518 : vector<256x1xf32> to vector<256x256xf32>
    %mul3A_527 = arith.mulf %mul3A_526, %convert_element_type3A_525 : vector<256x256xf32>
    %add3A_528 = arith.addf %add3A_517, %mul3A_527 : vector<256x256xf32>
    %slice3A_529 = vector.extract_strided_slice %convert_element_type3A_472 {offsets = [0, 5], sizes = [256, 1], strides = [1, 1]} : vector<256x16xf32> to vector<256x1xf32>
    %get3A_530 = arith.constant 0 : index
    %get3A_531 = arith.constant 5 : index
    %get3A_532 = arith.constant 0 : index
    %get3A_533 = vector.load %arg2[%get3A_530, %get3A_531, %get3A_532] : memref<256x16x256xf32, #tpu.memory_space<vmem>>, vector<256x1x256xf32>
    %get3A_534 = vector.shape_cast %get3A_533 : vector<256x1x256xf32> to vector<256x256xf32>
    %convert_element_type3A_535 = arith.truncf %get3A_534 : vector<256x256xf32> to vector<256x256xbf16>
    %convert_element_type3A_536 = arith.extf %convert_element_type3A_535 : vector<256x256xbf16> to vector<256x256xf32>
    %mul3A_537 = vector.broadcast %slice3A_529 : vector<256x1xf32> to vector<256x256xf32>
    %mul3A_538 = arith.mulf %mul3A_537, %convert_element_type3A_536 : vector<256x256xf32>
    %add3A_539 = arith.addf %add3A_528, %mul3A_538 : vector<256x256xf32>
    %slice3A_540 = vector.extract_strided_slice %convert_element_type3A_472 {offsets = [0, 6], sizes = [256, 1], strides = [1, 1]} : vector<256x16xf32> to vector<256x1xf32>
    %get3A_541 = arith.constant 0 : index
    %get3A_542 = arith.constant 6 : index
    %get3A_543 = arith.constant 0 : index
    %get3A_544 = vector.load %arg2[%get3A_541, %get3A_542, %get3A_543] : memref<256x16x256xf32, #tpu.memory_space<vmem>>, vector<256x1x256xf32>
    %get3A_545 = vector.shape_cast %get3A_544 : vector<256x1x256xf32> to vector<256x256xf32>
    %convert_element_type3A_546 = arith.truncf %get3A_545 : vector<256x256xf32> to vector<256x256xbf16>
    %convert_element_type3A_547 = arith.extf %convert_element_type3A_546 : vector<256x256xbf16> to vector<256x256xf32>
    %mul3A_548 = vector.broadcast %slice3A_540 : vector<256x1xf32> to vector<256x256xf32>
    %mul3A_549 = arith.mulf %mul3A_548, %convert_element_type3A_547 : vector<256x256xf32>
    %add3A_550 = arith.addf %add3A_539, %mul3A_549 : vector<256x256xf32>
    %slice3A_551 = vector.extract_strided_slice %convert_element_type3A_472 {offsets = [0, 7], sizes = [256, 1], strides = [1, 1]} : vector<256x16xf32> to vector<256x1xf32>
    %get3A_552 = arith.constant 0 : index
    %get3A_553 = arith.constant 7 : index
    %get3A_554 = arith.constant 0 : index
    %get3A_555 = vector.load %arg2[%get3A_552, %get3A_553, %get3A_554] : memref<256x16x256xf32, #tpu.memory_space<vmem>>, vector<256x1x256xf32>
    %get3A_556 = vector.shape_cast %get3A_555 : vector<256x1x256xf32> to vector<256x256xf32>
    %convert_element_type3A_557 = arith.truncf %get3A_556 : vector<256x256xf32> to vector<256x256xbf16>
    %convert_element_type3A_558 = arith.extf %convert_element_type3A_557 : vector<256x256xbf16> to vector<256x256xf32>
    %mul3A_559 = vector.broadcast %slice3A_551 : vector<256x1xf32> to vector<256x256xf32>
    %mul3A_560 = arith.mulf %mul3A_559, %convert_element_type3A_558 : vector<256x256xf32>
    %add3A_561 = arith.addf %add3A_550, %mul3A_560 : vector<256x256xf32>
    %slice3A_562 = vector.extract_strided_slice %convert_element_type3A_472 {offsets = [0, 8], sizes = [256, 1], strides = [1, 1]} : vector<256x16xf32> to vector<256x1xf32>
    %get3A_563 = arith.constant 0 : index
    %get3A_564 = arith.constant 8 : index
    %get3A_565 = arith.constant 0 : index
    %get3A_566 = vector.load %arg2[%get3A_563, %get3A_564, %get3A_565] : memref<256x16x256xf32, #tpu.memory_space<vmem>>, vector<256x1x256xf32>
    %get3A_567 = vector.shape_cast %get3A_566 : vector<256x1x256xf32> to vector<256x256xf32>
    %convert_element_type3A_568 = arith.truncf %get3A_567 : vector<256x256xf32> to vector<256x256xbf16>
    %convert_element_type3A_569 = arith.extf %convert_element_type3A_568 : vector<256x256xbf16> to vector<256x256xf32>
    %mul3A_570 = vector.broadcast %slice3A_562 : vector<256x1xf32> to vector<256x256xf32>
    %mul3A_571 = arith.mulf %mul3A_570, %convert_element_type3A_569 : vector<256x256xf32>
    %add3A_572 = arith.addf %add3A_561, %mul3A_571 : vector<256x256xf32>
    %slice3A_573 = vector.extract_strided_slice %convert_element_type3A_472 {offsets = [0, 9], sizes = [256, 1], strides = [1, 1]} : vector<256x16xf32> to vector<256x1xf32>
    %get3A_574 = arith.constant 0 : index
    %get3A_575 = arith.constant 9 : index
    %get3A_576 = arith.constant 0 : index
    %get3A_577 = vector.load %arg2[%get3A_574, %get3A_575, %get3A_576] : memref<256x16x256xf32, #tpu.memory_space<vmem>>, vector<256x1x256xf32>
    %get3A_578 = vector.shape_cast %get3A_577 : vector<256x1x256xf32> to vector<256x256xf32>
    %convert_element_type3A_579 = arith.truncf %get3A_578 : vector<256x256xf32> to vector<256x256xbf16>
    %convert_element_type3A_580 = arith.extf %convert_element_type3A_579 : vector<256x256xbf16> to vector<256x256xf32>
    %mul3A_581 = vector.broadcast %slice3A_573 : vector<256x1xf32> to vector<256x256xf32>
    %mul3A_582 = arith.mulf %mul3A_581, %convert_element_type3A_580 : vector<256x256xf32>
    %add3A_583 = arith.addf %add3A_572, %mul3A_582 : vector<256x256xf32>
    %slice3A_584 = vector.extract_strided_slice %convert_element_type3A_472 {offsets = [0, 10], sizes = [256, 1], strides = [1, 1]} : vector<256x16xf32> to vector<256x1xf32>
    %get3A_585 = arith.constant 0 : index
    %get3A_586 = arith.constant 10 : index
    %get3A_587 = arith.constant 0 : index
    %get3A_588 = vector.load %arg2[%get3A_585, %get3A_586, %get3A_587] : memref<256x16x256xf32, #tpu.memory_space<vmem>>, vector<256x1x256xf32>
    %get3A_589 = vector.shape_cast %get3A_588 : vector<256x1x256xf32> to vector<256x256xf32>
    %convert_element_type3A_590 = arith.truncf %get3A_589 : vector<256x256xf32> to vector<256x256xbf16>
    %convert_element_type3A_591 = arith.extf %convert_element_type3A_590 : vector<256x256xbf16> to vector<256x256xf32>
    %mul3A_592 = vector.broadcast %slice3A_584 : vector<256x1xf32> to vector<256x256xf32>
    %mul3A_593 = arith.mulf %mul3A_592, %convert_element_type3A_591 : vector<256x256xf32>
    %add3A_594 = arith.addf %add3A_583, %mul3A_593 : vector<256x256xf32>
    %slice3A_595 = vector.extract_strided_slice %convert_element_type3A_472 {offsets = [0, 11], sizes = [256, 1], strides = [1, 1]} : vector<256x16xf32> to vector<256x1xf32>
    %get3A_596 = arith.constant 0 : index
    %get3A_597 = arith.constant 11 : index
    %get3A_598 = arith.constant 0 : index
    %get3A_599 = vector.load %arg2[%get3A_596, %get3A_597, %get3A_598] : memref<256x16x256xf32, #tpu.memory_space<vmem>>, vector<256x1x256xf32>
    %get3A_600 = vector.shape_cast %get3A_599 : vector<256x1x256xf32> to vector<256x256xf32>
    %convert_element_type3A_601 = arith.truncf %get3A_600 : vector<256x256xf32> to vector<256x256xbf16>
    %convert_element_type3A_602 = arith.extf %convert_element_type3A_601 : vector<256x256xbf16> to vector<256x256xf32>
    %mul3A_603 = vector.broadcast %slice3A_595 : vector<256x1xf32> to vector<256x256xf32>
    %mul3A_604 = arith.mulf %mul3A_603, %convert_element_type3A_602 : vector<256x256xf32>
    %add3A_605 = arith.addf %add3A_594, %mul3A_604 : vector<256x256xf32>
    %slice3A_606 = vector.extract_strided_slice %convert_element_type3A_472 {offsets = [0, 12], sizes = [256, 1], strides = [1, 1]} : vector<256x16xf32> to vector<256x1xf32>
    %get3A_607 = arith.constant 0 : index
    %get3A_608 = arith.constant 12 : index
    %get3A_609 = arith.constant 0 : index
    %get3A_610 = vector.load %arg2[%get3A_607, %get3A_608, %get3A_609] : memref<256x16x256xf32, #tpu.memory_space<vmem>>, vector<256x1x256xf32>
    %get3A_611 = vector.shape_cast %get3A_610 : vector<256x1x256xf32> to vector<256x256xf32>
    %convert_element_type3A_612 = arith.truncf %get3A_611 : vector<256x256xf32> to vector<256x256xbf16>
    %convert_element_type3A_613 = arith.extf %convert_element_type3A_612 : vector<256x256xbf16> to vector<256x256xf32>
    %mul3A_614 = vector.broadcast %slice3A_606 : vector<256x1xf32> to vector<256x256xf32>
    %mul3A_615 = arith.mulf %mul3A_614, %convert_element_type3A_613 : vector<256x256xf32>
    %add3A_616 = arith.addf %add3A_605, %mul3A_615 : vector<256x256xf32>
    %slice3A_617 = vector.extract_strided_slice %convert_element_type3A_472 {offsets = [0, 13], sizes = [256, 1], strides = [1, 1]} : vector<256x16xf32> to vector<256x1xf32>
    %get3A_618 = arith.constant 0 : index
    %get3A_619 = arith.constant 13 : index
    %get3A_620 = arith.constant 0 : index
    %get3A_621 = vector.load %arg2[%get3A_618, %get3A_619, %get3A_620] : memref<256x16x256xf32, #tpu.memory_space<vmem>>, vector<256x1x256xf32>
    %get3A_622 = vector.shape_cast %get3A_621 : vector<256x1x256xf32> to vector<256x256xf32>
    %convert_element_type3A_623 = arith.truncf %get3A_622 : vector<256x256xf32> to vector<256x256xbf16>
    %convert_element_type3A_624 = arith.extf %convert_element_type3A_623 : vector<256x256xbf16> to vector<256x256xf32>
    %mul3A_625 = vector.broadcast %slice3A_617 : vector<256x1xf32> to vector<256x256xf32>
    %mul3A_626 = arith.mulf %mul3A_625, %convert_element_type3A_624 : vector<256x256xf32>
    %add3A_627 = arith.addf %add3A_616, %mul3A_626 : vector<256x256xf32>
    %slice3A_628 = vector.extract_strided_slice %convert_element_type3A_472 {offsets = [0, 14], sizes = [256, 1], strides = [1, 1]} : vector<256x16xf32> to vector<256x1xf32>
    %get3A_629 = arith.constant 0 : index
    %get3A_630 = arith.constant 14 : index
    %get3A_631 = arith.constant 0 : index
    %get3A_632 = vector.load %arg2[%get3A_629, %get3A_630, %get3A_631] : memref<256x16x256xf32, #tpu.memory_space<vmem>>, vector<256x1x256xf32>
    %get3A_633 = vector.shape_cast %get3A_632 : vector<256x1x256xf32> to vector<256x256xf32>
    %convert_element_type3A_634 = arith.truncf %get3A_633 : vector<256x256xf32> to vector<256x256xbf16>
    %convert_element_type3A_635 = arith.extf %convert_element_type3A_634 : vector<256x256xbf16> to vector<256x256xf32>
    %mul3A_636 = vector.broadcast %slice3A_628 : vector<256x1xf32> to vector<256x256xf32>
    %mul3A_637 = arith.mulf %mul3A_636, %convert_element_type3A_635 : vector<256x256xf32>
    %add3A_638 = arith.addf %add3A_627, %mul3A_637 : vector<256x256xf32>
    %slice3A_639 = vector.extract_strided_slice %convert_element_type3A_472 {offsets = [0, 15], sizes = [256, 1], strides = [1, 1]} : vector<256x16xf32> to vector<256x1xf32>
    %get3A_640 = arith.constant 0 : index
    %get3A_641 = arith.constant 15 : index
    %get3A_642 = arith.constant 0 : index
    %get3A_643 = vector.load %arg2[%get3A_640, %get3A_641, %get3A_642] : memref<256x16x256xf32, #tpu.memory_space<vmem>>, vector<256x1x256xf32>
    %get3A_644 = vector.shape_cast %get3A_643 : vector<256x1x256xf32> to vector<256x256xf32>
    %convert_element_type3A_645 = arith.truncf %get3A_644 : vector<256x256xf32> to vector<256x256xbf16>
    %convert_element_type3A_646 = arith.extf %convert_element_type3A_645 : vector<256x256xbf16> to vector<256x256xf32>
    %mul3A_647 = vector.broadcast %slice3A_639 : vector<256x1xf32> to vector<256x256xf32>
    %mul3A_648 = arith.mulf %mul3A_647, %convert_element_type3A_646 : vector<256x256xf32>
    %add3A_649 = arith.addf %add3A_638, %mul3A_648 : vector<256x256xf32>
    %get3A_650 = arith.constant 0 : index
    %get3A_651 = arith.constant 0 : index
    %get3A_652 = vector.load %arg4[%get3A_650, %get3A_651] : memref<1x256xf32, #tpu.memory_space<vmem>>, vector<1x256xf32>
    %add3A_653 = vector.broadcast %get3A_652 : vector<1x256xf32> to vector<256x256xf32>
    %add3A_654 = arith.addf %add3A_649, %add3A_653 : vector<256x256xf32>
    %swap3A = arith.constant 0 : index
    %swap3A_655 = arith.constant 0 : index
    %swap3A_656 = vector.load %arg5[%swap3A, %swap3A_655] : memref<256x256xf32, #tpu.memory_space<vmem>>, vector<256x256xf32>
    tpu.vector_store %arg5[%swap3A, %swap3A_655], %add3A_654 {strides = array<i32>} : memref<256x256xf32, #tpu.memory_space<vmem>>, vector<256x256xf32>,
    return
  }
  func.func @transform_0(%arg0: i32) -> (i32, i32) {
    %c0_i32 = arith.constant 0 : i32
    %c0_i32_0 = arith.constant 0 : i32
    return %arg0, %c0_i32 : i32, i32
  }
  func.func @transform_1(%arg0: i32) -> (i32, i32, i32) {
    %c0_i32 = arith.constant 0 : i32
    %c0_i32_0 = arith.constant 0 : i32
    %c0_i32_1 = arith.constant 0 : i32
    return %arg0, %c0_i32, %c0_i32_0 : i32, i32, i32
  }
  func.func @transform_2(%arg0: i32) -> (i32, i32) {
    %c0_i32 = arith.constant 0 : i32
    %c0_i32_0 = arith.constant 0 : i32
    %c0_i32_1 = arith.constant 0 : i32
    return %c0_i32, %c0_i32_0 : i32, i32
  }
  func.func @transform_3(%arg0: i32) -> (i32, i32) {
    %c0_i32 = arith.constant 0 : i32
    %c0_i32_0 = arith.constant 0 : i32
    %c0_i32_1 = arith.constant 0 : i32
    return %c0_i32, %c0_i32_0 : i32, i32
  }
  func.func @transform_4(%arg0: i32) -> (i32, i32) {
    %c0_i32 = arith.constant 0 : i32
    %c0_i32_0 = arith.constant 0 : i32
    return %arg0, %c0_i32 : i32, i32
  }
}

module attributes {stable_mosaic.version = 14 : i64} {
  func.func @_knn_body(%arg0: i32, %arg1: memref<512x256xf32, #tpu.memory_space<vmem>>, %arg2: memref<512x1xf32, #tpu.memory_space<vmem>>, %arg3: memref<10240x256xf32, #tpu.memory_space<vmem>>, %arg4: memref<1x10240xf32, #tpu.memory_space<vmem>>, %arg5: memref<512x16xi32, #tpu.memory_space<vmem>>, %arg6: memref<512x10240xf32, #tpu.memory_space<vmem>>) attributes {dimension_semantics = [#tpu.dimension_semantics<arbitrary>], iteration_bounds = array<i64: 20>, scalar_prefetch = 0 : i64, scratch_operands = 1 : i64, tpu.core_type = #tpu.core_type<tc>, window_params = [{transform_indices = @transform_0, window_bounds = array<i64: 512, 256>}, {transform_indices = @transform_1, window_bounds = array<i64: 512, 1>}, {pipeline_mode = #tpu.pipeline_mode<synchronous>, transform_indices = @transform_2, window_bounds = array<i64: 10240, 256>}, {pipeline_mode = #tpu.pipeline_mode<synchronous>, transform_indices = @transform_3, window_bounds = array<i64: 1, 10240>}, {transform_indices = @transform_4, window_bounds = array<i64: 512, 16>}]} {
    %get3A = arith.constant 0 : index
    %get3A_0 = arith.constant 0 : index
    %get3A_1 = vector.load %arg1[%get3A, %get3A_0] : memref<512x256xf32, #tpu.memory_space<vmem>>, vector<512x256xf32>
    %get3A_2 = arith.constant 0 : index
    %get3A_3 = arith.constant 0 : index
    %get3A_4 = vector.load %arg2[%get3A_2, %get3A_3] : memref<512x1xf32, #tpu.memory_space<vmem>>, vector<512x1xf32>
    %broadcast_in_dim3A = arith.constant 0x7F800000 : f32
    %broadcast_in_dim3A_5 = vector.broadcast %broadcast_in_dim3A : f32 to vector<512x1xf32>
    %broadcast_in_dim3A_6 = arith.constant 1073741824 : i32
    %broadcast_in_dim3A_7 = vector.broadcast %broadcast_in_dim3A_6 : i32 to vector<512x1xi32>
    %scan3A = arith.constant 0x7F800000 : f32
    %scan3A_8 = arith.constant 0 : i32
    %scan3A_9 = arith.constant 5 : i32
    %scan3A_10 = arith.addi %scan3A_8, %scan3A_9 : i32
    %scan3A_11 = arith.constant 1 : i32
    %scan3A_12:2 = scf.for %scan3A_28 = %scan3A_8 to %scan3A_10 step %scan3A_11 iter_args(%scan3A_29 = %broadcast_in_dim3A_5, %scan3A_30 = %broadcast_in_dim3A_7) -> (vector<512x1xf32>, vector<512x1xi32>)  : i32 {
      %mul3A = arith.constant 2048 : i32
      %mul3A_31 = arith.muli %scan3A_28, %mul3A : i32
      %get3A_32 = arith.index_cast %mul3A_31 : i32 to index
      %get3A_33 = arith.constant 0 : index
      %get3A_34 = vector.load %arg3[%get3A_32, %get3A_33] : memref<10240x256xf32, #tpu.memory_space<vmem>>, vector<2048x256xf32>
      %dot_general3A = arith.constant dense<0.000000e+00> : vector<512x2048xf32>
      %dot_general3A_35 = tpu.matmul %get3A_1, %get3A_34, %dot_general3A {dimension_numbers = #tpu.dot_dimension_numbers<[1], [1], [0], [0], [0, 0, 1, 0], [], []>, transpose_lhs_hint = false} : vector<512x256xf32>, vector<2048x256xf32>, vector<512x2048xf32> -> vector<512x2048xf32>
      %mul3A_36 = arith.constant 2048 : i32
      %mul3A_37 = arith.muli %scan3A_28, %mul3A_36 : i32
      %get3A_38 = arith.constant 0 : index
      %get3A_39 = arith.index_cast %mul3A_37 : i32 to index
      %get3A_40 = vector.load %arg4[%get3A_38, %get3A_39] : memref<1x10240xf32, #tpu.memory_space<vmem>>, vector<1x2048xf32>
      %add3A = vector.broadcast %get3A_4 : vector<512x1xf32> to vector<512x2048xf32>
      %add3A_41 = vector.broadcast %get3A_40 : vector<1x2048xf32> to vector<512x2048xf32>
      %add3A_42 = arith.addf %add3A, %add3A_41 : vector<512x2048xf32>
      %mul3A_43 = arith.constant 2.000000e+00 : f32
      %mul3A_44 = vector.broadcast %mul3A_43 : f32 to vector<512x2048xf32>
      %mul3A_45 = arith.mulf %mul3A_44, %dot_general3A_35 : vector<512x2048xf32>
      %sub3A = arith.subf %add3A_42, %mul3A_45 : vector<512x2048xf32>
      %iota3A_46 = tpu.iota {dimensions = array<i32: 1>} : vector<512x2048xi32>
      %mul3A_47 = arith.constant 2048 : i32
      %mul3A_48 = arith.muli %scan3A_28, %mul3A_47 : i32
      %add3A_49 = vector.broadcast %mul3A_48 : i32 to vector<512x2048xi32>
      %add3A_50 = arith.addi %iota3A_46, %add3A_49 : vector<512x2048xi32>
      %iota3A_51 = tpu.iota {dimensions = array<i32: 0>} : vector<512x2048xi32>
      %mul3A_52 = arith.constant 512 : i32
      %mul3A_53 = arith.muli %arg0, %mul3A_52 : i32
      %add3A_54 = vector.broadcast %mul3A_53 : i32 to vector<512x2048xi32>
      %add3A_55 = arith.addi %iota3A_51, %add3A_54 : vector<512x2048xi32>
      %eq3A_56 = arith.cmpi eq, %add3A_50, %add3A_55 : vector<512x2048xi32>
      %broadcast_in_dim3A_57 = vector.broadcast %scan3A : f32 to vector<512x2048xf32>
      %select_n3A_58 = arith.select %eq3A_56, %broadcast_in_dim3A_57, %sub3A : vector<512x2048xi1>, vector<512x2048xf32>
      %ge3A = arith.constant 10000 : i32
      %ge3A_59 = vector.broadcast %ge3A : i32 to vector<512x2048xi32>
      %ge3A_60 = arith.cmpi sge, %add3A_50, %ge3A_59 : vector<512x2048xi32>
      %broadcast_in_dim3A_61 = vector.broadcast %scan3A : f32 to vector<512x2048xf32>
      %select_n3A_62 = arith.select %ge3A_60, %broadcast_in_dim3A_61, %select_n3A_58 : vector<512x2048xi1>, vector<512x2048xf32>
      %mul3A_63 = arith.constant 2048 : i32
      %mul3A_64 = arith.muli %scan3A_28, %mul3A_63 : i32
      %swap3A_65 = arith.constant 0 : index
      %swap3A_66 = arith.index_cast %mul3A_64 : i32 to index
      %swap3A_67 = vector.load %arg6[%swap3A_65, %swap3A_66] : memref<512x10240xf32, #tpu.memory_space<vmem>>, vector<512x2048xf32>
      tpu.vector_store %arg6[%swap3A_65, %swap3A_66], %select_n3A_62 {strides = array<i32>} : memref<512x10240xf32, #tpu.memory_space<vmem>>, vector<512x2048xf32>,
      %reduce_min3A = arith.constant dense<0x7F800000> : vector<512xf32>
      %reduce_min3A_68 = vector.multi_reduction <minimumf>, %select_n3A_62, %reduce_min3A [1] : vector<512x2048xf32> to vector<512xf32>
      %broadcast_in_dim3A_69 = vector.shape_cast %reduce_min3A_68 : vector<512xf32> to vector<512x1xf32>
      %eq3A_70 = vector.broadcast %broadcast_in_dim3A_69 : vector<512x1xf32> to vector<512x2048xf32>
      %eq3A_71 = arith.cmpf oeq, %select_n3A_62, %eq3A_70 : vector<512x2048xf32>
      %jit3A_72 = arith.constant 1073741824 : i32
      %broadcast_in_dim3A_73 = vector.broadcast %jit3A_72 : i32 to vector<512x2048xi32>
      %select_n3A_74 = arith.select %eq3A_71, %add3A_50, %broadcast_in_dim3A_73 : vector<512x2048xi1>, vector<512x2048xi32>
      %reduce_min3A_75 = arith.constant dense<2147483647> : vector<512xi32>
      %reduce_min3A_76 = vector.multi_reduction <minsi>, %select_n3A_74, %reduce_min3A_75 [1] : vector<512x2048xi32> to vector<512xi32>
      %broadcast_in_dim3A_77 = vector.shape_cast %reduce_min3A_76 : vector<512xi32> to vector<512x1xi32>
      %lt3A = arith.cmpf olt, %broadcast_in_dim3A_69, %scan3A_29 : vector<512x1xf32>
      %eq3A_78 = arith.cmpf oeq, %broadcast_in_dim3A_69, %scan3A_29 : vector<512x1xf32>
      %lt3A_79 = arith.cmpi slt, %broadcast_in_dim3A_77, %scan3A_30 : vector<512x1xi32>
      %and3A = arith.andi %eq3A_78, %lt3A_79 : vector<512x1xi1>
      %or3A = arith.ori %lt3A, %and3A : vector<512x1xi1>
      %select_n3A_80 = arith.select %or3A, %broadcast_in_dim3A_69, %scan3A_29 : vector<512x1xi1>, vector<512x1xf32>
      %select_n3A_81 = arith.select %or3A, %broadcast_in_dim3A_77, %scan3A_30 : vector<512x1xi1>, vector<512x1xi32>
      scf.yield %select_n3A_80, %select_n3A_81 : vector<512x1xf32>, vector<512x1xi32>
    }
    %scan3A_13 = arith.constant 5 : i32
    %iota3A = tpu.iota {dimensions = array<i32: 1>} : vector<512x16xi32>
    %eq3A = arith.constant 0 : i32
    %eq3A_14 = vector.broadcast %eq3A : i32 to vector<512x16xi32>
    %eq3A_15 = arith.cmpi eq, %iota3A, %eq3A_14 : vector<512x16xi32>
    %jit3A = arith.constant 0 : i32
    %broadcast_in_dim3A_16 = vector.shape_cast %scan3A_12#1 : vector<512x1xi32> to vector<512x1xi32>
    %broadcast_in_dim3A_17 = vector.broadcast %broadcast_in_dim3A_16 : vector<512x1xi32> to vector<512x16xi32>
    %broadcast_in_dim3A_18 = vector.broadcast %jit3A : i32 to vector<512x16xi32>
    %select_n3A = arith.select %eq3A_15, %broadcast_in_dim3A_17, %broadcast_in_dim3A_18 : vector<512x16xi1>, vector<512x16xi32>
    %scan3A_19 = arith.constant 0x7F800000 : f32
    %scan3A_20 = arith.constant 1 : i32
    %scan3A_21 = arith.constant 15 : i32
    %scan3A_22 = arith.addi %scan3A_20, %scan3A_21 : i32
    %scan3A_23 = arith.constant 1 : i32
    %scan3A_24:2 = scf.for %scan3A_28 = %scan3A_20 to %scan3A_22 step %scan3A_23 iter_args(%scan3A_29 = %select_n3A, %scan3A_30 = %scan3A_12#1) -> (vector<512x16xi32>, vector<512x1xi32>)  : i32 {
      %broadcast_in_dim3A_31 = vector.broadcast %scan3A_19 : f32 to vector<512x1xf32>
      %broadcast_in_dim3A_32 = arith.constant 1073741824 : i32
      %broadcast_in_dim3A_33 = vector.broadcast %broadcast_in_dim3A_32 : i32 to vector<512x1xi32>
      %scan3A_34 = arith.constant 0 : i32
      %scan3A_35 = arith.constant 5 : i32
      %scan3A_36 = arith.addi %scan3A_34, %scan3A_35 : i32
      %scan3A_37 = arith.constant 1 : i32
      %scan3A_38:2 = scf.for %scan3A_48 = %scan3A_34 to %scan3A_36 step %scan3A_37 iter_args(%scan3A_49 = %broadcast_in_dim3A_31, %scan3A_50 = %broadcast_in_dim3A_33) -> (vector<512x1xf32>, vector<512x1xi32>)  : i32 {
        %mul3A = arith.constant 2048 : i32
        %mul3A_51 = arith.muli %scan3A_48, %mul3A : i32
        %get3A_52 = arith.constant 0 : index
        %get3A_53 = arith.index_cast %mul3A_51 : i32 to index
        %get3A_54 = vector.load %arg6[%get3A_52, %get3A_53] : memref<512x10240xf32, #tpu.memory_space<vmem>>, vector<512x2048xf32>
        %iota3A_55 = tpu.iota {dimensions = array<i32: 1>} : vector<512x2048xi32>
        %mul3A_56 = arith.constant 2048 : i32
        %mul3A_57 = arith.muli %scan3A_48, %mul3A_56 : i32
        %add3A_58 = vector.broadcast %mul3A_57 : i32 to vector<512x2048xi32>
        %add3A_59 = arith.addi %iota3A_55, %add3A_58 : vector<512x2048xi32>
        %eq3A_60 = vector.broadcast %scan3A_30 : vector<512x1xi32> to vector<512x2048xi32>
        %eq3A_61 = arith.cmpi eq, %add3A_59, %eq3A_60 : vector<512x2048xi32>
        %broadcast_in_dim3A_62 = vector.broadcast %scan3A_19 : f32 to vector<512x2048xf32>
        %select_n3A_63 = arith.select %eq3A_61, %broadcast_in_dim3A_62, %get3A_54 : vector<512x2048xi1>, vector<512x2048xf32>
        %mul3A_64 = arith.constant 2048 : i32
        %mul3A_65 = arith.muli %scan3A_48, %mul3A_64 : i32
        %swap3A_66 = arith.constant 0 : index
        %swap3A_67 = arith.index_cast %mul3A_65 : i32 to index
        %swap3A_68 = vector.load %arg6[%swap3A_66, %swap3A_67] : memref<512x10240xf32, #tpu.memory_space<vmem>>, vector<512x2048xf32>
        tpu.vector_store %arg6[%swap3A_66, %swap3A_67], %select_n3A_63 {strides = array<i32>} : memref<512x10240xf32, #tpu.memory_space<vmem>>, vector<512x2048xf32>,
        %reduce_min3A = arith.constant dense<0x7F800000> : vector<512xf32>
        %reduce_min3A_69 = vector.multi_reduction <minimumf>, %select_n3A_63, %reduce_min3A [1] : vector<512x2048xf32> to vector<512xf32>
        %broadcast_in_dim3A_70 = vector.shape_cast %reduce_min3A_69 : vector<512xf32> to vector<512x1xf32>
        %eq3A_71 = vector.broadcast %broadcast_in_dim3A_70 : vector<512x1xf32> to vector<512x2048xf32>
        %eq3A_72 = arith.cmpf oeq, %select_n3A_63, %eq3A_71 : vector<512x2048xf32>
        %jit3A_73 = arith.constant 1073741824 : i32
        %broadcast_in_dim3A_74 = vector.broadcast %jit3A_73 : i32 to vector<512x2048xi32>
        %select_n3A_75 = arith.select %eq3A_72, %add3A_59, %broadcast_in_dim3A_74 : vector<512x2048xi1>, vector<512x2048xi32>
        %reduce_min3A_76 = arith.constant dense<2147483647> : vector<512xi32>
        %reduce_min3A_77 = vector.multi_reduction <minsi>, %select_n3A_75, %reduce_min3A_76 [1] : vector<512x2048xi32> to vector<512xi32>
        %broadcast_in_dim3A_78 = vector.shape_cast %reduce_min3A_77 : vector<512xi32> to vector<512x1xi32>
        %lt3A = arith.cmpf olt, %broadcast_in_dim3A_70, %scan3A_49 : vector<512x1xf32>
        %eq3A_79 = arith.cmpf oeq, %broadcast_in_dim3A_70, %scan3A_49 : vector<512x1xf32>
        %lt3A_80 = arith.cmpi slt, %broadcast_in_dim3A_78, %scan3A_50 : vector<512x1xi32>
        %and3A = arith.andi %eq3A_79, %lt3A_80 : vector<512x1xi1>
        %or3A = arith.ori %lt3A, %and3A : vector<512x1xi1>
        %select_n3A_81 = arith.select %or3A, %broadcast_in_dim3A_70, %scan3A_49 : vector<512x1xi1>, vector<512x1xf32>
        %select_n3A_82 = arith.select %or3A, %broadcast_in_dim3A_78, %scan3A_50 : vector<512x1xi1>, vector<512x1xi32>
        scf.yield %select_n3A_81, %select_n3A_82 : vector<512x1xf32>, vector<512x1xi32>
      }
      %scan3A_39 = arith.constant 5 : i32
      %iota3A_40 = tpu.iota {dimensions = array<i32: 1>} : vector<512x16xi32>
      %eq3A_41 = vector.broadcast %scan3A_28 : i32 to vector<512x16xi32>
      %eq3A_42 = arith.cmpi eq, %iota3A_40, %eq3A_41 : vector<512x16xi32>
      %jit3A_43 = arith.constant 0 : i32
      %broadcast_in_dim3A_44 = vector.shape_cast %scan3A_38#1 : vector<512x1xi32> to vector<512x1xi32>
      %broadcast_in_dim3A_45 = vector.broadcast %broadcast_in_dim3A_44 : vector<512x1xi32> to vector<512x16xi32>
      %broadcast_in_dim3A_46 = vector.broadcast %jit3A_43 : i32 to vector<512x16xi32>
      %select_n3A_47 = arith.select %eq3A_42, %broadcast_in_dim3A_45, %broadcast_in_dim3A_46 : vector<512x16xi1>, vector<512x16xi32>
      %add3A = arith.addi %scan3A_29, %select_n3A_47 : vector<512x16xi32>
      scf.yield %add3A, %scan3A_38#1 : vector<512x16xi32>, vector<512x1xi32>
    }
    %scan3A_25 = arith.constant 15 : i32
    %swap3A = arith.constant 0 : index
    %swap3A_26 = arith.constant 0 : index
    %swap3A_27 = vector.load %arg5[%swap3A, %swap3A_26] : memref<512x16xi32, #tpu.memory_space<vmem>>, vector<512x16xi32>
    tpu.vector_store %arg5[%swap3A, %swap3A_26], %scan3A_24#0 {strides = array<i32>} : memref<512x16xi32, #tpu.memory_space<vmem>>, vector<512x16xi32>,
    return
  }
  func.func @transform_0(%arg0: i32) -> (i32, i32) {
    %c0_i32 = arith.constant 0 : i32
    %c0_i32_0 = arith.constant 0 : i32
    return %arg0, %c0_i32 : i32, i32
  }
  func.func @transform_1(%arg0: i32) -> (i32, i32) {
    %c0_i32 = arith.constant 0 : i32
    %c0_i32_0 = arith.constant 0 : i32
    return %arg0, %c0_i32 : i32, i32
  }
  func.func @transform_2(%arg0: i32) -> (i32, i32) {
    %c0_i32 = arith.constant 0 : i32
    %c0_i32_0 = arith.constant 0 : i32
    %c0_i32_1 = arith.constant 0 : i32
    return %c0_i32, %c0_i32_0 : i32, i32
  }
  func.func @transform_3(%arg0: i32) -> (i32, i32) {
    %c0_i32 = arith.constant 0 : i32
    %c0_i32_0 = arith.constant 0 : i32
    %c0_i32_1 = arith.constant 0 : i32
    return %c0_i32, %c0_i32_0 : i32, i32
  }
  func.func @transform_4(%arg0: i32) -> (i32, i32) {
    %c0_i32 = arith.constant 0 : i32
    %c0_i32_0 = arith.constant 0 : i32
    return %arg0, %c0_i32 : i32, i32
  }
}

module attributes {stable_mosaic.version = 14 : i64} {
  func.func @_proj_body(%arg0: i32, %arg1: memref<512x256xf32, #tpu.memory_space<vmem>>, %arg2: memref<256x256xf32, #tpu.memory_space<vmem>>, %arg3: memref<256x256xf32, #tpu.memory_space<vmem>>, %arg4: memref<512x256xf32, #tpu.memory_space<vmem>>, %arg5: memref<512x256xf32, #tpu.memory_space<vmem>>) attributes {dimension_semantics = [#tpu.dimension_semantics<arbitrary>], iteration_bounds = array<i64: 20>, scalar_prefetch = 0 : i64, scratch_operands = 0 : i64, tpu.core_type = #tpu.core_type<tc>, window_params = [{transform_indices = @transform_0, window_bounds = array<i64: 512, 256>}, {pipeline_mode = #tpu.pipeline_mode<synchronous>, transform_indices = @transform_1, window_bounds = array<i64: 256, 256>}, {pipeline_mode = #tpu.pipeline_mode<synchronous>, transform_indices = @transform_2, window_bounds = array<i64: 256, 256>}, {transform_indices = @transform_3, window_bounds = array<i64: 512, 256>}, {transform_indices = @transform_4, window_bounds = array<i64: 512, 256>}]} {
    %get3A = arith.constant 0 : index
    %get3A_0 = arith.constant 0 : index
    %get3A_1 = vector.load %arg1[%get3A, %get3A_0] : memref<512x256xf32, #tpu.memory_space<vmem>>, vector<512x256xf32>
    %get3A_2 = arith.constant 0 : index
    %get3A_3 = arith.constant 0 : index
    %get3A_4 = vector.load %arg2[%get3A_2, %get3A_3] : memref<256x256xf32, #tpu.memory_space<vmem>>, vector<256x256xf32>
    %dot_general3A = arith.constant dense<0.000000e+00> : vector<512x256xf32>
    %dot_general3A_5 = tpu.matmul %get3A_1, %get3A_4, %dot_general3A {dimension_numbers = #tpu.dot_dimension_numbers<[1], [0], [0], [1], [0, 0, 1, 1], [], []>, transpose_lhs_hint = false} : vector<512x256xf32>, vector<256x256xf32>, vector<512x256xf32> -> vector<512x256xf32>
    %swap3A = arith.constant 0 : index
    %swap3A_6 = arith.constant 0 : index
    %swap3A_7 = vector.load %arg4[%swap3A, %swap3A_6] : memref<512x256xf32, #tpu.memory_space<vmem>>, vector<512x256xf32>
    tpu.vector_store %arg4[%swap3A, %swap3A_6], %dot_general3A_5 {strides = array<i32>} : memref<512x256xf32, #tpu.memory_space<vmem>>, vector<512x256xf32>,
    %get3A_8 = arith.constant 0 : index
    %get3A_9 = arith.constant 0 : index
    %get3A_10 = vector.load %arg3[%get3A_8, %get3A_9] : memref<256x256xf32, #tpu.memory_space<vmem>>, vector<256x256xf32>
    %dot_general3A_11 = arith.constant dense<0.000000e+00> : vector<512x256xf32>
    %dot_general3A_12 = tpu.matmul %get3A_1, %get3A_10, %dot_general3A_11 {dimension_numbers = #tpu.dot_dimension_numbers<[1], [0], [0], [1], [0, 0, 1, 1], [], []>, transpose_lhs_hint = false} : vector<512x256xf32>, vector<256x256xf32>, vector<512x256xf32> -> vector<512x256xf32>
    %swap3A_13 = arith.constant 0 : index
    %swap3A_14 = arith.constant 0 : index
    %swap3A_15 = vector.load %arg5[%swap3A_13, %swap3A_14] : memref<512x256xf32, #tpu.memory_space<vmem>>, vector<512x256xf32>
    tpu.vector_store %arg5[%swap3A_13, %swap3A_14], %dot_general3A_12 {strides = array<i32>} : memref<512x256xf32, #tpu.memory_space<vmem>>, vector<512x256xf32>,
    return
  }
  func.func @transform_0(%arg0: i32) -> (i32, i32) {
    %c0_i32 = arith.constant 0 : i32
    %c0_i32_0 = arith.constant 0 : i32
    return %arg0, %c0_i32 : i32, i32
  }
  func.func @transform_1(%arg0: i32) -> (i32, i32) {
    %c0_i32 = arith.constant 0 : i32
    %c0_i32_0 = arith.constant 0 : i32
    %c0_i32_1 = arith.constant 0 : i32
    return %c0_i32, %c0_i32_0 : i32, i32
  }
  func.func @transform_2(%arg0: i32) -> (i32, i32) {
    %c0_i32 = arith.constant 0 : i32
    %c0_i32_0 = arith.constant 0 : i32
    %c0_i32_1 = arith.constant 0 : i32
    return %c0_i32, %c0_i32_0 : i32, i32
  }
  func.func @transform_3(%arg0: i32) -> (i32, i32) {
    %c0_i32 = arith.constant 0 : i32
    %c0_i32_0 = arith.constant 0 : i32
    return %arg0, %c0_i32 : i32, i32
  }
  func.func @transform_4(%arg0: i32) -> (i32, i32) {
    %c0_i32 = arith.constant 0 : i32
    %c0_i32_0 = arith.constant 0 : i32
    return %arg0, %c0_i32 : i32, i32
  }
}

module attributes {stable_mosaic.version = 14 : i64} {
  func.func @_mlp_body(%arg0: i32, %arg1: memref<512x1152xf32, #tpu.memory_space<vmem>>, %arg2: memref<1152x256xf32, #tpu.memory_space<vmem>>, %arg3: memref<1x256xf32, #tpu.memory_space<vmem>>, %arg4: memref<256x64xf32, #tpu.memory_space<vmem>>, %arg5: memref<1x64xf32, #tpu.memory_space<vmem>>, %arg6: memref<64x3xf32, #tpu.memory_space<vmem>>, %arg7: memref<1x3xf32, #tpu.memory_space<vmem>>, %arg8: memref<512x1xf32, #tpu.memory_space<vmem>>, %arg9: memref<512x3xf32, #tpu.memory_space<vmem>>) attributes {dimension_semantics = [#tpu.dimension_semantics<arbitrary>], iteration_bounds = array<i64: 20>, scalar_prefetch = 0 : i64, scratch_operands = 0 : i64, tpu.core_type = #tpu.core_type<tc>, window_params = [{transform_indices = @transform_0, window_bounds = array<i64: 512, 1152>}, {pipeline_mode = #tpu.pipeline_mode<synchronous>, transform_indices = @transform_1, window_bounds = array<i64: 1152, 256>}, {pipeline_mode = #tpu.pipeline_mode<synchronous>, transform_indices = @transform_2, window_bounds = array<i64: 1, 256>}, {pipeline_mode = #tpu.pipeline_mode<synchronous>, transform_indices = @transform_3, window_bounds = array<i64: 256, 64>}, {pipeline_mode = #tpu.pipeline_mode<synchronous>, transform_indices = @transform_4, window_bounds = array<i64: 1, 64>}, {pipeline_mode = #tpu.pipeline_mode<synchronous>, transform_indices = @transform_5, window_bounds = array<i64: 64, 3>}, {pipeline_mode = #tpu.pipeline_mode<synchronous>, transform_indices = @transform_6, window_bounds = array<i64: 1, 3>}, {transform_indices = @transform_7, window_bounds = array<i64: 512, 1>}, {transform_indices = @transform_8, window_bounds = array<i64: 512, 3>}]} {
    %get3A = arith.constant 0 : index
    %get3A_0 = arith.constant 0 : index
    %get3A_1 = vector.load %arg1[%get3A, %get3A_0] : memref<512x1152xf32, #tpu.memory_space<vmem>>, vector<512x1152xf32>
    %get3A_2 = arith.constant 0 : index
    %get3A_3 = arith.constant 0 : index
    %get3A_4 = vector.load %arg2[%get3A_2, %get3A_3] : memref<1152x256xf32, #tpu.memory_space<vmem>>, vector<1152x256xf32>
    %dot_general3A = arith.constant dense<0.000000e+00> : vector<512x256xf32>
    %dot_general3A_5 = tpu.matmul %get3A_1, %get3A_4, %dot_general3A {dimension_numbers = #tpu.dot_dimension_numbers<[1], [0], [0], [1], [0, 0, 1, 1], [], []>, transpose_lhs_hint = false} : vector<512x1152xf32>, vector<1152x256xf32>, vector<512x256xf32> -> vector<512x256xf32>
    %get3A_6 = arith.constant 0 : index
    %get3A_7 = arith.constant 0 : index
    %get3A_8 = vector.load %arg3[%get3A_6, %get3A_7] : memref<1x256xf32, #tpu.memory_space<vmem>>, vector<1x256xf32>
    %add3A = vector.broadcast %get3A_8 : vector<1x256xf32> to vector<512x256xf32>
    %add3A_9 = arith.addf %dot_general3A_5, %add3A : vector<512x256xf32>
    %max3A = arith.constant 0.000000e+00 : f32
    %max3A_10 = vector.broadcast %max3A : f32 to vector<512x256xf32>
    %max3A_11 = arith.maximumf %add3A_9, %max3A_10 : vector<512x256xf32>
    %get3A_12 = arith.constant 0 : index
    %get3A_13 = arith.constant 0 : index
    %get3A_14 = vector.load %arg4[%get3A_12, %get3A_13] : memref<256x64xf32, #tpu.memory_space<vmem>>, vector<256x64xf32>
    %dot_general3A_15 = arith.constant dense<0.000000e+00> : vector<512x64xf32>
    %dot_general3A_16 = tpu.matmul %max3A_11, %get3A_14, %dot_general3A_15 {dimension_numbers = #tpu.dot_dimension_numbers<[1], [0], [0], [1], [0, 0, 1, 1], [], []>, transpose_lhs_hint = false} : vector<512x256xf32>, vector<256x64xf32>, vector<512x64xf32> -> vector<512x64xf32>
    %get3A_17 = arith.constant 0 : index
    %get3A_18 = arith.constant 0 : index
    %get3A_19 = vector.load %arg5[%get3A_17, %get3A_18] : memref<1x64xf32, #tpu.memory_space<vmem>>, vector<1x64xf32>
    %add3A_20 = vector.broadcast %get3A_19 : vector<1x64xf32> to vector<512x64xf32>
    %add3A_21 = arith.addf %dot_general3A_16, %add3A_20 : vector<512x64xf32>
    %max3A_22 = arith.constant 0.000000e+00 : f32
    %max3A_23 = vector.broadcast %max3A_22 : f32 to vector<512x64xf32>
    %max3A_24 = arith.maximumf %add3A_21, %max3A_23 : vector<512x64xf32>
    %get3A_25 = arith.constant 0 : index
    %get3A_26 = arith.constant 0 : index
    %get3A_27 = vector.load %arg6[%get3A_25, %get3A_26] : memref<64x3xf32, #tpu.memory_space<vmem>>, vector<64x3xf32>
    %dot_general3A_28 = arith.constant dense<0.000000e+00> : vector<512x3xf32>
    %dot_general3A_29 = tpu.matmul %max3A_24, %get3A_27, %dot_general3A_28 {dimension_numbers = #tpu.dot_dimension_numbers<[1], [0], [0], [1], [0, 0, 1, 1], [], []>, transpose_lhs_hint = false} : vector<512x64xf32>, vector<64x3xf32>, vector<512x3xf32> -> vector<512x3xf32>
    %get3A_30 = arith.constant 0 : index
    %get3A_31 = arith.constant 0 : index
    %get3A_32 = vector.load %arg7[%get3A_30, %get3A_31] : memref<1x3xf32, #tpu.memory_space<vmem>>, vector<1x3xf32>
    %add3A_33 = vector.broadcast %get3A_32 : vector<1x3xf32> to vector<512x3xf32>
    %add3A_34 = arith.addf %dot_general3A_29, %add3A_33 : vector<512x3xf32>
    %get3A_35 = arith.constant 0 : index
    %get3A_36 = arith.constant 0 : index
    %get3A_37 = vector.load %arg8[%get3A_35, %get3A_36] : memref<512x1xf32, #tpu.memory_space<vmem>>, vector<512x1xf32>
    %mul3A = arith.constant -2.000000e+00 : f32
    %mul3A_38 = vector.broadcast %mul3A : f32 to vector<512x1xf32>
    %mul3A_39 = arith.mulf %mul3A_38, %get3A_37 : vector<512x1xf32>
    %exp3A = math.exp %mul3A_39 : vector<512x1xf32>
    %sub3A = arith.constant 1.000000e+00 : f32
    %sub3A_40 = vector.broadcast %sub3A : f32 to vector<512x1xf32>
    %sub3A_41 = arith.subf %sub3A_40, %exp3A : vector<512x1xf32>
    %mul3A_42 = vector.broadcast %sub3A_41 : vector<512x1xf32> to vector<512x3xf32>
    %mul3A_43 = arith.mulf %add3A_34, %mul3A_42 : vector<512x3xf32>
    %swap3A = arith.constant 0 : index
    %swap3A_44 = arith.constant 0 : index
    %swap3A_45 = vector.load %arg9[%swap3A, %swap3A_44] : memref<512x3xf32, #tpu.memory_space<vmem>>, vector<512x3xf32>
    tpu.vector_store %arg9[%swap3A, %swap3A_44], %mul3A_43 {strides = array<i32>} : memref<512x3xf32, #tpu.memory_space<vmem>>, vector<512x3xf32>,
    return
  }
  func.func @transform_0(%arg0: i32) -> (i32, i32) {
    %c0_i32 = arith.constant 0 : i32
    %c0_i32_0 = arith.constant 0 : i32
    return %arg0, %c0_i32 : i32, i32
  }
  func.func @transform_1(%arg0: i32) -> (i32, i32) {
    %c0_i32 = arith.constant 0 : i32
    %c0_i32_0 = arith.constant 0 : i32
    %c0_i32_1 = arith.constant 0 : i32
    return %c0_i32, %c0_i32_0 : i32, i32
  }
  func.func @transform_2(%arg0: i32) -> (i32, i32) {
    %c0_i32 = arith.constant 0 : i32
    %c0_i32_0 = arith.constant 0 : i32
    %c0_i32_1 = arith.constant 0 : i32
    return %c0_i32, %c0_i32_0 : i32, i32
  }
  func.func @transform_3(%arg0: i32) -> (i32, i32) {
    %c0_i32 = arith.constant 0 : i32
    %c0_i32_0 = arith.constant 0 : i32
    %c0_i32_1 = arith.constant 0 : i32
    return %c0_i32, %c0_i32_0 : i32, i32
  }
  func.func @transform_4(%arg0: i32) -> (i32, i32) {
    %c0_i32 = arith.constant 0 : i32
    %c0_i32_0 = arith.constant 0 : i32
    %c0_i32_1 = arith.constant 0 : i32
    return %c0_i32, %c0_i32_0 : i32, i32
  }
  func.func @transform_5(%arg0: i32) -> (i32, i32) {
    %c0_i32 = arith.constant 0 : i32
    %c0_i32_0 = arith.constant 0 : i32
    %c0_i32_1 = arith.constant 0 : i32
    return %c0_i32, %c0_i32_0 : i32, i32
  }
  func.func @transform_6(%arg0: i32) -> (i32, i32) {
    %c0_i32 = arith.constant 0 : i32
    %c0_i32_0 = arith.constant 0 : i32
    %c0_i32_1 = arith.constant 0 : i32
    return %c0_i32, %c0_i32_0 : i32, i32
  }
  func.func @transform_7(%arg0: i32) -> (i32, i32) {
    %c0_i32 = arith.constant 0 : i32
    %c0_i32_0 = arith.constant 0 : i32
    return %arg0, %c0_i32 : i32, i32
  }
  func.func @transform_8(%arg0: i32) -> (i32, i32) {
    %c0_i32 = arith.constant 0 : i32
    %c0_i32_0 = arith.constant 0 : i32
    return %arg0, %c0_i32 : i32, i32
  }
}

</mosaic_0001>

<sc_bundles>
// kernel: kernel.19.cloned.1.call-start
scs
__scs_entry_jumppad:
0x0: {  	(pc) =	sbr.rel $0x88, $3  }
0x1: {  	(tag) =	ssettag $0x0;
	lr =	simm.s32 $0x1  }
0x2: {  	[smem:$0x3F89] =	sst lr;
	_ =	strace $0xD0000000  }
0x3: {  	_ = 	snop  }
0x4: {  	_ = 	snop  }
0x5: {  	_ = 	snop  }
0x6: {  	_ = 	snop  }
0x7: {  	_ = 	snop  }
__scs_overlays_trampoline_lowered:
0x8: {  	[smem:$0x3F98] =	sst s0  }
0x9: {  	[smem:$0x3F99] =	sst s1  }
0xa: {  	[smem:$0x3F9A] =	sst s2  }
0xb: {  	[smem:$0x3F9B] =	sst s3  }
0xc: {  	[smem:$0x3F9C] =	sst s4  }
0xd: {  	[smem:$0x3F9D] =	sst s5  }
0xe: {  	[smem:$0x3F9E] =	sst s6  }
0xf: {  	[smem:$0x3F9F] =	sst s7  }
0x10: {  	[smem:$0x3FA0] =	sst s8  }
0x11: {  	[smem:$0x3FA1] =	sst s9;
	s0 =	simm.s32 @!p0 $0x0  }
0x12: {  	s1 =	sld [smem:$0x3F87];
	s0 =	simm.s32 @p0 $0x1  }
0x13: {  	[smem:$0x3FA2] =	sst s0;
	s0 =	simm.s32 @!p1 $0x0  }
0x14: {  	s2 =	sld [smem:$0x3F86];
	s0 =	simm.s32 @p1 $0x1  }
0x15: {  	[smem:$0x3FA3] =	sst s0;
	s0 =	simm.s32 @!p2 $0x0  }
0x16: {  	s3 =	sld [smem:$0x3FDB];
	s0 =	simm.s32 @p2 $0x1  }
0x17: {  	s4 =	simm.s32 $0x1BF5;
	[smem:$0x3FA5] =	sst s0  }
0x18: {  	s0 =	sld [smem:$0x3F88];
	_ =	swait.ge [sflag:s4], $0x0  }
0x19: {  	s7 =	sld [smem:$0x3F89]  }
0x1a: {  	s8 =	sadd.s32 $0xFFFFE003, lr  }
0x1b: {  	s9 =	sadd.s32 $0xFFFFFEF7, lr;
	s5 =	simm.s32 $0xFFFFFFFF;
	p2 =	slt.u32 s8, $0xFFFFF086  }
0x1c: {  	p1 =	slt.u32 s9, $0xF7A;
	s5 =	simm.s32 @!p2 $0x0  }
0x1d: {  	s5 =	simm.s32 @p1 $0x1;
	p0 =	seq.s32 s7, s2  }
0x1e: {  	s7 =	smul.u32 @!p0 $0xF7A, s2;
	p2 =	seq.s32 @!p0 s5, $0x0  }
0x1f: {  	s9 =	smul.u32 $0xF7A, s1;
	s8 =	simm.s32 @!p0 $0x1BF5;
	p2 =	por !p2, p0  }
0x20: {  	[sflag:s8] =	ssyncset.s32 @!p0 $0xFFFFF086;
	s6 =	sadd.s32 @!p0 s3, s7;
	s7 =	simm.s32 @!p0 $0x108  }
0x21: {  	s3 =	sadd.s32 s3, s9;
	s6 =	sadd.s32 @!p0 $0x88, s6;
	s7 =	simm.s32 @p2 $0x1082  }
0x22: {  	[simem:s7], [sflag:s8] =	dma.local @!p0 [hbm:s6], $0xF7A  }
0x23: {  	s9 =	sor.u32 $0xD0000000, s2;
	s6 =	simm.s32 $0x108;
	_ =	swait.ge @!p0 [sflag:s8], $0x0  }
0x24: {  	s3 =	sadd.s32 $0x88, s3;
	s6 =	simm.s32 @!p1 $0x1082;
	[sflag:s4] =	ssyncset.s32 $0xFFFFF086  }
0x25: {  	[simem:s6], [sflag:s4] =	dma.local [hbm:s3], $0xF7A  }
0x26: {  	[smem:$0x3F89] =	sst s1;
	(tag) =	ssettag s2;
	_ =	strace s9  }
0x27: {  	s1 =	sld [smem:$0x3F99]  }
0x28: {  	s2 =	sld [smem:$0x3F9A]  }
0x29: {  	s4 =	sld [smem:$0x3F9C]  }
0x2a: {  	p0 =	seq.s32 s5, $0x0;
	s5 =	sld [smem:$0x3F9D]  }
0x2b: {  	s6 =	sld [smem:$0x3F9E]  }
0x2c: {  	s7 =	sld [smem:$0x3F9F]  }
0x2d: {  	s3 =	simm.s32 $0x108;
	s8 =	sld [smem:$0x3FA0]  }
0x2e: {  	s3 =	simm.s32 @!p0 $0x1082;
	s9 =	sld [smem:$0x3FA1]  }
0x2f: {  	lr =	sadd.s32 s0, s3;
	s0 =	sld [smem:$0x3F98]  }
0x30: {  	s3 =	sld [smem:$0x3F9B]  }
0x31: {  	[smem:$0x3FA4] =	sst s10  }
0x32: {  	s10 =	sld [smem:$0x3FA2];
	_ =	sdelay $0x3  }
0x33: {  	p0 =	seq.s32 s10, $0x1;
	s10 =	sld [smem:$0x3FA4];
	_ =	sdelay $0x3  }
0x34: {  	[smem:$0x3FA4] =	sst s10  }
0x35: {  	s10 =	sld [smem:$0x3FA3];
	_ =	sdelay $0x3  }
0x36: {  	p1 =	seq.s32 s10, $0x1;
	s10 =	sld [smem:$0x3FA4];
	_ =	sdelay $0x3  }
0x37: {  	[smem:$0x3FA4] =	sst s10  }
0x38: {  	s10 =	sld [smem:$0x3FA5]  }
0x39: {  	_ = 	snop;
	(pc) =	sbr.ind lr, $3  }
0x3a: {  	_ = 	snop  }
0x3b: {  	_ = 	snop  }
0x3c: {  	p2 =	seq.s32 s10, $0x1;
	s10 =	sld [smem:$0x3FA4]  }
0x3d: {  	_ =	shalt  }
0x3e: {  	_ =	shalt  }
0x3f: {  	_ =	shalt  }
0x40: {  	_ =	shalt  }
0x41: {  	_ =	shalt  }
0x42: {  	_ =	shalt  }
0x43: {  	_ =	shalt  }
0x44: {  	_ =	shalt  }
0x45: {  	_ =	shalt  }
0x46: {  	_ =	shalt  }
0x47: {  	_ =	shalt  }
0x48: {  	_ =	shalt  }
0x49: {  	_ =	shalt  }
0x4a: {  	_ =	shalt  }
0x4b: {  	_ =	shalt  }
0x4c: {  	_ =	shalt  }
0x4d: {  	_ =	shalt  }
0x4e: {  	_ =	shalt  }
0x4f: {  	_ =	shalt  }
0x50: {  	_ =	shalt  }
0x51: {  	_ =	shalt  }
0x52: {  	_ =	shalt  }
0x53: {  	_ =	shalt  }
0x54: {  	_ =	shalt  }
0x55: {  	_ =	shalt  }
0x56: {  	_ =	shalt  }
0x57: {  	_ =	shalt  }
0x58: {  	_ =	shalt  }
0x59: {  	_ =	shalt  }
0x5a: {  	_ =	shalt  }
0x5b: {  	_ =	shalt  }
0x5c: {  	_ =	shalt  }
0x5d: {  	_ =	shalt  }
0x5e: {  	_ =	shalt  }
0x5f: {  	_ =	shalt  }
0x60: {  	_ =	shalt  }
0x61: {  	_ =	shalt  }
0x62: {  	_ =	shalt  }
0x63: {  	_ =	shalt  }
0x64: {  	_ =	shalt  }
0x65: {  	_ =	shalt  }
0x66: {  	_ =	shalt  }
0x67: {  	_ =	shalt  }
0x68: {  	_ =	shalt  }
0x69: {  	_ =	shalt  }
0x6a: {  	_ =	shalt  }
0x6b: {  	_ =	shalt  }
0x6c: {  	_ =	shalt  }
0x6d: {  	_ =	shalt  }
0x6e: {  	_ =	shalt  }
0x6f: {  	_ =	shalt  }
0x70: {  	_ =	shalt  }
0x71: {  	_ =	shalt  }
0x72: {  	_ =	shalt  }
0x73: {  	_ =	shalt  }
0x74: {  	_ =	shalt  }
0x75: {  	_ =	shalt  }
0x76: {  	_ =	shalt  }
0x77: {  	_ =	shalt  }
0x78: {  	_ =	shalt  }
0x79: {  	_ =	shalt  }
0x7a: {  	_ =	shalt  }
0x7b: {  	_ =	shalt  }
0x7c: {  	_ =	shalt  }
0x7d: {  	_ =	shalt  }
0x7e: {  	_ =	shalt  }
0x7f: {  	_ =	shalt  }
0x80: {  	_ =	shalt  }
0x81: {  	_ =	shalt  }
0x82: {  	_ =	shalt  }
0x83: {  	_ =	shalt  }
0x84: {  	_ =	shalt  }
0x85: {  	_ =	shalt  }
0x86: {  	_ =	shalt  }
0x87: {  	_ =	shalt  }
.Lfunc_end0:
.L_simem_size_0:
called_computation_lowered:
.L_overlay_start_0:
0x88: {  	s2 =	sld [smem:$0x3FD9]  }
0x89: {  	s3 =	sld [smem:$0x3FFE];
	_ =	sdelay $0x1  }
0x8a: {  	s1 =	srdreg.scid  }
0x8b: {  	s0 =	sand.u32 $0x1, s1  }
0x8c: {  	s16 =	sshll.u32 s0, $0xA;
	s2 =	sadd.s32 s3, s2  }
0x8d: {  	s2 =	sadd.s32 s2, s16  }
0x8e: {  	[smem:$0x3FB0] =	sst s2  }
0x8f: {  	_ = 	snop  }
0x90: {  	(tm) =	ssettm $0x1  }
0x91: {  	s17 =	sld [smem:$0x3FFB];
	_ =	sdelay $0x3  }
0x92: {  	_ =	strace s17  }
0x93: {  	s2 =	sld [smem:$0x3FFC];
	_ =	sdelay $0x3  }
0x94: {  	_ =	strace s2  }
0x95: {  	s2 =	sld [smem:$0x3FFD];
	_ =	sdelay $0x3  }
0x96: {  	_ =	strace s2  }
0x97: {  	_ =	strace $0x8FFFFFFF  }
0x98: {  	s18 =	sld [smem:$0x3FDB];
	_ =	sdelay $0x1  }
0x99: {  	s19 =	simm.s32 $_scs_section_size  }
0x9a: {  	s4 =	simm.s32 $_size__tile_overlayer_lowered;
	s5 =	simm.s32 $_tile_overlayer_lowered  }
0x9b: {  	s22 =	simm.s32 $0x1BFF;
	s21 =	sshll.u32 s5, $0x1;
	s2 =	sadd.s32 s19, s18  }
0x9c: {  	s6 =	simm.s32 $0x0;
	s20 =	sshll.u32 s4, $0x1;
	s4 =	sadd.s32 s21, s2  }
0x9d: {  	[timem:s6], [sflag:s22] =	dma.local [hbm:s4], s20  }
0x9e: {  	_ =	swait.ge [sflag:s22], s20  }
0x9f: {  	s3 =	ssub.s32 $0x0, s20;
	[sflag:s22] =	ssyncset.done $0x0  }
0xa0: {  	[sflag:s22] =	ssyncadd.s32 s3;
	_ =	sdelay $0x1  }
0xa1: {  	s23 =	simm.s32 $0x1B8B  }
0xa2: {  	_ =	swait.ge [sflag:s23], $0x1  }
0xa3: {  	[sflag:s23] =	ssyncset.done $0x0  }
0xa4: {  	s25 =	simm.s32 $0x1B8E;
	s24 =	sld [smem:$0x3FFE];
	[sflag:s23] =	ssyncadd.s32 $0xFFFFFFFF  }
0xa5: {  	s26 =	simm.s32 $execute0_lowered;
	[smem:$0x3FD2] =	sst s25  }
0xa6: {  	s4 =	sshll.u32 s26, $0x1;
	_ =	strace $0x80000046;
	[dreg:$0x1] =	wrdreg $0xFFFFFFFF  }
0xa7: {  	s28 =	simm.s32 $_size_execute0_lowered;
	s2 =	sadd.s32 s2, s4;
	[dreg:$0x0] =	wrdreg $0x0  }
0xa8: {  	s4 =	sshll.u32 s28, $0x1;
	[dreg:$0x2] =	wrdreg s2  }
0xa9: {  	[dreg:$0x3] =	wrdreg s4  }
0xaa: {  	[dreg:$0x4] =	wrdreg $0xC0  }
0xab: {  	_ =	task [dreg:s6], $0x5FFFF  }
0xac: {  	[dreg:$0x1] =	wrdreg $0xFFFFFFFF  }
0xad: {  	[dreg:$0x0] =	wrdreg $0x60  }
0xae: {  	[dreg:$0x2] =	wrdreg s24  }
0xaf: {  	[dreg:$0x3] =	wrdreg $0x9  }
0xb0: {  	_ =	task.clear_ibuf [dreg:s6], $0x4FFFF;
	_ =	strace $0x90000046  }
0xb1: {  	s29 =	simm.s32 $0x9;
	_ =	strace $0x80000048  }
0xb2: {  	_ =	swait.ge [sflag:s29], $0x1  }
0xb3: {  	[sflag:s29] =	ssyncadd.s32 $0xFFFFFFFF  }
0xb4: {  	_ =	strace $0x90000048  }
0xb5: {  	_ =	sfence  }
0xb6: {  	s30 =	sld [smem:$0x0];
	_ =	sdelay $0x2  }
0xb7: {  	s31 =	sshll.u32 s1, $0xD;
	s1 =	sshrl.u32 s1, $0x2  }
0xb8: {  	s3 =	sand.u32 $0x4000, s31;
	s1 =	sadd.s32 s1, s30  }
0xb9: {  	s0 =	sor.u32 s3, s0;
	s1 =	sshll.u32 s1, $0x11  }
0xba: {  	s0 =	sor.u32 s1, s0  }
0xbb: {  	s0 =	sadd.s32 $0x8F2B, s0  }
0xbc: {  	[sflag:s0] =	ssyncadd.remote.s32 $0x1  }
0xbd: {  	_ =	sfence.sel $0xFFFF  }
0xbe: {  	[dreg:$0x0] =	wrdreg $0xFFFFFFFF;
	(pc) =	sbr.abs _section_cstart, $3  }
0xbf: {  	[dreg:$0x1] =	wrdreg $0xFFFFFFFF  }
0xc0: {  	_ =	task.clear_ibuf [dreg:s6], $0x2FFFF;
	_ =	strace $0x9FFFFFFF  }
0xc1: {  	(tm) =	ssettm $0x7FFFFFFF  }
tec
execute0_lowered:
.L_overlay_start_1:
0x0: {  	(tag) =	ssettag $0x1  }
0x1: {  	s4 =	rddreg [dreg:$0x0]  }
0x2: {  	s0 =	rddreg [dreg:$0x1];
	s2 =	simm.s32 $0x0;
	s3 =	srdreg.scid  }
0x3: {  	s1 =	stileid.u32;
	s10 =	simm.s32 $0x1080;
	s11 =	simm.s32 $0x1880  }
0x4: {  	s12 =	simm.s32 $0x2080;
	s13 =	simm.s32 $0x2880;
	s14 =	simm.s32 $0x3080  }
0x5: {  	s15 =	simm.s32 $0x3880;
	s16 =	simm.s32 $0x4080;
	s17 =	simm.s32 $0x4880  }
0x6: {  	s18 =	simm.s32 $0x5080;
	s19 =	simm.s32 $0x5880;
	s20 =	simm.s32 $0x6080  }
0x7: {  	s21 =	simm.s32 $0x6880;
	s22 =	simm.s32 $0x7080;
	s23 =	simm.s32 $0x7880  }
0x8: {  	s24 =	simm.s32 $0x1;
	s25 =	simm.s32 $0x0;
	s6 =	smul.u32 $0x2800, s1  }
0x9: {  	[smem:$0x7FF] =	sst s2;
	s5 =	sand.u32 $0x1, s3;
	s8 =	smul.u32 $0x50000, s1  }
0xa: {  	s3 =	sadd.s32 $0xEE00, s4;
	s7 =	smul.u32 $0x1400, s5;
	s9 =	ssub.s32 $0x2, s5  }
0xb: {  	_ =	strace $0x80000047;
	s5 =	smul.u32 $0x28000, s5;
	s31 =	sshrl.u32 s9, $0x1  }
0xc: {  	s8 =	sadd.s32 s8, s4;
	s6 =	sadd.s32 s7, s6;
	s7 =	ssub.s32 s9, s31  }
0xd: {  	v2 =	vlaneseq.u32;
	s5 =	sadd.s32 s5, s8;
	s8 =	simm.s32 $0x80;
	s6 =	sshrl.u32 s6, $0x3  }
0xe: {  	vm0 =	vmmov $0xffff;
	v1 =	vshrl.u32 v2, $0x3;
	s9 =	simm.s32 $0x880;
	s5 =	sadd.s32 $0xAB200, s5;
	s6 =	sadd.s32 s6, s4  }
0xf: {  	v0 =	vand.u32 $0x7, v2;
	v2 =	vor.u32 $0x8, v2;
	v1 =	vmul.u32 $0x8, v1;
	s4 =	smax.u32 s7, $0x1;
	s7 =	simm.s32 $0x2;
	s6 =	sadd.s32 $0x9E00, s6  }
.LBB2_1:
0x10: {  	s26 =	smov.u32 s5;
	s28 =	simm.s32 $0x0  }
.LBB2_2:
0x11: {  	s29 =	sadd.s32 s28, s6  }
0x12: {  	[tilespmem:s2], [sflag:$0x2] =	stream.linear.gather [hbm4b:s29+s2], $0x80, $0x38;
	[tilespmem:$0x8080] =	vst v63  }
0x13: {  	_ =	swait.ge [sflag:s7], $0x80  }
0x14: {  	[sflag:s7] =	ssyncset.done $0x0  }
0x15: {  	[sflag:s7] =	ssyncadd.s32 $0xFFFFFF80  }
0x16: {  	v3 =	vld [tilespmem:$0x0];
	_ =	sdelay $0x4  }
0x17: {  	v4 =	vshll.u32 v3, $0x1  }
0x18: {  	v3 =	vand.u32 $0x7, v3;
	v4 =	vand.u32 $0xFFFFFFF0, v4  }
0x19: {  	v3 =	vor.u32 v3, v4  }
0x1a: {  	v4 =	vperm.xlane v3, v0;
	_ =	sdelay $0x1  }
0x1b: {  	v3 =	vperm.xlane v3, v2;
	v4 =	vadd.s32 v1, v4;
	_ =	sdelay $0x1  }
0x1c: {  	v3 =	vadd.s32 v1, v3;
	_ =	sdelay $0x2  }
0x1d: {  	[tilespmem:s8], [sflag:$0x1] =	stream.indirect_vreg.gather [hbm4b:s3+s2], $0x80, v4, vm0, $0xb8;
	[tilespmem:$0x8080] =	vst v63  }
0x1e: {  	_ = 	snop  }
0x1f: {  	[tilespmem:s9], [sflag:$0x1] =	stream.indirect_vreg.gather [hbm4b:s3+s2], $0x80, v3, vm0, $0xb8;
	[tilespmem:$0x8080] =	vst v63  }
0x20: {  	v3 =	vld [tilespmem:$0x10];
	_ =	sdelay $0x4  }
0x21: {  	v57 =	vshll.u32 v3, $0x1  }
0x22: {  	v3 =	vand.u32 $0x7, v3;
	v4 =	vand.u32 $0xFFFFFFF0, v57  }
0x23: {  	v3 =	vor.u32 v3, v4  }
0x24: {  	v4 =	vperm.xlane v3, v0;
	_ =	sdelay $0x1  }
0x25: {  	v3 =	vperm.xlane v3, v2;
	v4 =	vadd.s32 v1, v4;
	_ =	sdelay $0x1  }
0x26: {  	v3 =	vadd.s32 v1, v3;
	_ =	sdelay $0x2  }
0x27: {  	[tilespmem:s10], [sflag:$0x1] =	stream.indirect_vreg.gather [hbm4b:s3+s2], $0x80, v4, vm0, $0xb8;
	[tilespmem:$0x8080] =	vst v63  }
0x28: {  	_ = 	snop  }
0x29: {  	[tilespmem:s11], [sflag:$0x1] =	stream.indirect_vreg.gather [hbm4b:s3+s2], $0x80, v3, vm0, $0xb8;
	[tilespmem:$0x8080] =	vst v63  }
0x2a: {  	v3 =	vld [tilespmem:$0x20];
	_ =	sdelay $0x4  }
0x2b: {  	v58 =	vshll.u32 v3, $0x1  }
0x2c: {  	v3 =	vand.u32 $0x7, v3;
	v4 =	vand.u32 $0xFFFFFFF0, v58  }
0x2d: {  	v3 =	vor.u32 v3, v4  }
0x2e: {  	v4 =	vperm.xlane v3, v0;
	_ =	sdelay $0x1  }
0x2f: {  	v3 =	vperm.xlane v3, v2;
	v4 =	vadd.s32 v1, v4;
	_ =	sdelay $0x1  }
0x30: {  	v3 =	vadd.s32 v1, v3;
	_ =	sdelay $0x2  }
0x31: {  	[tilespmem:s12], [sflag:$0x1] =	stream.indirect_vreg.gather [hbm4b:s3+s2], $0x80, v4, vm0, $0xb8;
	[tilespmem:$0x8080] =	vst v63  }
0x32: {  	_ = 	snop  }
0x33: {  	[tilespmem:s13], [sflag:$0x1] =	stream.indirect_vreg.gather [hbm4b:s3+s2], $0x80, v3, vm0, $0xb8;
	[tilespmem:$0x8080] =	vst v63  }
0x34: {  	v3 =	vld [tilespmem:$0x30];
	_ =	sdelay $0x4  }
0x35: {  	v59 =	vshll.u32 v3, $0x1  }
0x36: {  	v3 =	vand.u32 $0x7, v3;
	v4 =	vand.u32 $0xFFFFFFF0, v59  }
0x37: {  	v3 =	vor.u32 v3, v4  }
0x38: {  	v4 =	vperm.xlane v3, v0;
	_ =	sdelay $0x1  }
0x39: {  	v3 =	vperm.xlane v3, v2;
	v4 =	vadd.s32 v1, v4;
	_ =	sdelay $0x1  }
0x3a: {  	v3 =	vadd.s32 v1, v3;
	_ =	sdelay $0x2  }
0x3b: {  	[tilespmem:s14], [sflag:$0x1] =	stream.indirect_vreg.gather [hbm4b:s3+s2], $0x80, v4, vm0, $0xb8;
	[tilespmem:$0x8080] =	vst v63  }
0x3c: {  	_ = 	snop  }
0x3d: {  	[tilespmem:s15], [sflag:$0x1] =	stream.indirect_vreg.gather [hbm4b:s3+s2], $0x80, v3, vm0, $0xb8;
	[tilespmem:$0x8080] =	vst v63  }
0x3e: {  	v3 =	vld [tilespmem:$0x40];
	_ =	sdelay $0x4  }
0x3f: {  	v60 =	vshll.u32 v3, $0x1  }
0x40: {  	v3 =	vand.u32 $0x7, v3;
	v4 =	vand.u32 $0xFFFFFFF0, v60  }
0x41: {  	v3 =	vor.u32 v3, v4  }
0x42: {  	v4 =	vperm.xlane v3, v0;
	_ =	sdelay $0x1  }
0x43: {  	v3 =	vperm.xlane v3, v2;
	v4 =	vadd.s32 v1, v4;
	_ =	sdelay $0x1  }
0x44: {  	v3 =	vadd.s32 v1, v3;
	_ =	sdelay $0x2  }
0x45: {  	[tilespmem:s16], [sflag:$0x1] =	stream.indirect_vreg.gather [hbm4b:s3+s2], $0x80, v4, vm0, $0xb8;
	[tilespmem:$0x8080] =	vst v63  }
0x46: {  	_ = 	snop  }
0x47: {  	[tilespmem:s17], [sflag:$0x1] =	stream.indirect_vreg.gather [hbm4b:s3+s2], $0x80, v3, vm0, $0xb8;
	[tilespmem:$0x8080] =	vst v63  }
0x48: {  	v3 =	vld [tilespmem:$0x50];
	_ =	sdelay $0x4  }
0x49: {  	v61 =	vshll.u32 v3, $0x1  }
0x4a: {  	v3 =	vand.u32 $0x7, v3;
	v4 =	vand.u32 $0xFFFFFFF0, v61  }
0x4b: {  	v3 =	vor.u32 v3, v4  }
0x4c: {  	v4 =	vperm.xlane v3, v0;
	_ =	sdelay $0x1  }
0x4d: {  	v3 =	vperm.xlane v3, v2;
	v4 =	vadd.s32 v1, v4;
	_ =	sdelay $0x1  }
0x4e: {  	v3 =	vadd.s32 v1, v3;
	_ =	sdelay $0x2  }
0x4f: {  	[tilespmem:s18], [sflag:$0x1] =	stream.indirect_vreg.gather [hbm4b:s3+s2], $0x80, v4, vm0, $0xb8;
	[tilespmem:$0x8080] =	vst v63  }
0x50: {  	_ = 	snop  }
0x51: {  	[tilespmem:s19], [sflag:$0x1] =	stream.indirect_vreg.gather [hbm4b:s3+s2], $0x80, v3, vm0, $0xb8;
	[tilespmem:$0x8080] =	vst v63  }
0x52: {  	v3 =	vld [tilespmem:$0x60];
	_ =	sdelay $0x4  }
0x53: {  	v62 =	vshll.u32 v3, $0x1  }
0x54: {  	v3 =	vand.u32 $0x7, v3;
	v4 =	vand.u32 $0xFFFFFFF0, v62  }
0x55: {  	v3 =	vor.u32 v3, v4  }
0x56: {  	v4 =	vperm.xlane v3, v0;
	_ =	sdelay $0x1  }
0x57: {  	v3 =	vperm.xlane v3, v2;
	v4 =	vadd.s32 v1, v4;
	_ =	sdelay $0x1  }
0x58: {  	v3 =	vadd.s32 v1, v3;
	_ =	sdelay $0x2  }
0x59: {  	[tilespmem:s20], [sflag:$0x1] =	stream.indirect_vreg.gather [hbm4b:s3+s2], $0x80, v4, vm0, $0xb8;
	[tilespmem:$0x8080] =	vst v63  }
0x5a: {  	_ = 	snop  }
0x5b: {  	[tilespmem:s21], [sflag:$0x1] =	stream.indirect_vreg.gather [hbm4b:s3+s2], $0x80, v3, vm0, $0xb8;
	[tilespmem:$0x8080] =	vst v63  }
0x5c: {  	v3 =	vld [tilespmem:$0x70];
	_ =	sdelay $0x4  }
0x5d: {  	v63 =	vshll.u32 v3, $0x1  }
0x5e: {  	v3 =	vand.u32 $0x7, v3;
	v4 =	vand.u32 $0xFFFFFFF0, v63  }
0x5f: {  	v3 =	vor.u32 v3, v4  }
0x60: {  	v4 =	vperm.xlane v3, v0;
	_ =	sdelay $0x1  }
0x61: {  	v3 =	vperm.xlane v3, v2;
	v4 =	vadd.s32 v1, v4;
	_ =	sdelay $0x1  }
0x62: {  	v3 =	vadd.s32 v1, v3;
	_ =	sdelay $0x2  }
0x63: {  	[tilespmem:s22], [sflag:$0x1] =	stream.indirect_vreg.gather [hbm4b:s3+s2], $0x80, v4, vm0, $0xb8;
	[tilespmem:$0x8080] =	vst v63  }
0x64: {  	_ = 	snop  }
0x65: {  	[tilespmem:s23], [sflag:$0x1] =	stream.indirect_vreg.gather [hbm4b:s3+s2], $0x80, v3, vm0, $0xb8;
	[tilespmem:$0x8080] =	vst v63  }
0x66: {  	_ =	swait.ge [sflag:s24], $0x8000  }
0x67: {  	p0 =	sne.s32 s28, $0x270;
	[sflag:s24] =	ssyncset.done $0x0  }
.Ltmp0:
0x68: {  	[sflag:s24] =	ssyncadd.s32 $0xFFFF8000;
	(pc) =	sbr.rel @p0 .LBB2_2-.Ltmp0, $4  }
0x69: {  	[hbm4b:s26+s2] =	stream.linear.scatter [tilespmem:s8], [sflag:$0x2], $0x8000, $0x38;
	[tilespmem:$0x8080] =	vst v63  }
0x6a: {  	_ =	swait.ge [sflag:s7], $0x8000  }
0x6b: {  	[sflag:s7] =	ssyncset.done $0x0  }
0x6c: {  	s28 =	sadd.s32 $0x10, s28;
	s26 =	sadd.s32 $0x1000, s26;
	[sflag:s7] =	ssyncadd.s32 $0xFFFF8000  }
0x6d: {  	s25 =	sadd.s32 $0x1, s25  }
0x6e: {  	p0 =	sne.s32 s25, s4  }
.Ltmp1:
0x6f: {  	_ = 	snop;
	(pc) =	sbr.rel @p0 .LBB2_1-.Ltmp1, $1  }
0x70: {  	_ =	sdelay $0x3  }
0x71: {  	_ =	sfence.sel $0x180000  }
0x72: {  	[bflag:$0x0] =	sbarrier.arrive $0xFFFF  }
0x73: {  	p0 =	sne.s32 s1, $0x0;
	_ =	strace $0x90000047  }
0x74: {  	s0 =	sadd.s32 @!p0 $0x100000, s0;
	[bflag:$0x2] =	sbarrier.arrive $0xFFFF  }
0x75: {  	[sflag:s0] =	ssyncadd.tile.s32 @!p0 $0x1;
	_ =	shalt  }
.Lfunc_end2:
_tile_overlayer_lowered:
.L_overlay_start_2:
0x76: {  	(tag) =	ssettag $0x2  }
0x77: {  	s0 =	rddreg [dreg:$0x0];
	s2 =	stileid.u32  }
0x78: {  	s1 =	rddreg [dreg:$0x1];
	p0 =	sne.s32 s2, $0x0  }
0x79: {  	s3 =	rddreg [dreg:$0x2];
	[bflag:$0x3] =	sbarrier.arrive $0xFFFF;
	s2 =	simm.s32 @!p0 $0x1C02  }
0x7a: {  	[timem:s3], [sflag:s2] =	dma.local @!p0 [hbm:s0], s1  }
0x7b: {  	s0 =	simm.s32 @!p0 $0x2  }
0x7c: {  	_ =	swait.ge @!p0 [sflag:s0], s1  }
0x7d: {  	s1 =	ssub.s32 @!p0 $0x0, s1;
	[sflag:s0] =	ssyncset.done @!p0 $0x0  }
0x7e: {  	[sflag:s0] =	ssyncadd.s32 @!p0 s1  }
0x7f: {  	[bflag:$0x3] =	sbarrier.arrive $0xFFFF  }
0x80: {  	_ =	shalt  }

// kernel: kernel.22.cloned.1.call-start
scs
__scs_entry_jumppad:
0x0: {  	(pc) =	sbr.rel $0x88, $3  }
0x1: {  	(tag) =	ssettag $0x0;
	lr =	simm.s32 $0x1  }
0x2: {  	[smem:$0x3F89] =	sst lr;
	_ =	strace $0xD0000000  }
0x3: {  	_ = 	snop  }
0x4: {  	_ = 	snop  }
0x5: {  	_ = 	snop  }
0x6: {  	_ = 	snop  }
0x7: {  	_ = 	snop  }
__scs_overlays_trampoline_lowered:
0x8: {  	[smem:$0x3F98] =	sst s0  }
0x9: {  	[smem:$0x3F99] =	sst s1  }
0xa: {  	[smem:$0x3F9A] =	sst s2  }
0xb: {  	[smem:$0x3F9B] =	sst s3  }
0xc: {  	[smem:$0x3F9C] =	sst s4  }
0xd: {  	[smem:$0x3F9D] =	sst s5  }
0xe: {  	[smem:$0x3F9E] =	sst s6  }
0xf: {  	[smem:$0x3F9F] =	sst s7  }
0x10: {  	[smem:$0x3FA0] =	sst s8  }
0x11: {  	[smem:$0x3FA1] =	sst s9;
	s0 =	simm.s32 @!p0 $0x0  }
0x12: {  	s1 =	sld [smem:$0x3F87];
	s0 =	simm.s32 @p0 $0x1  }
0x13: {  	[smem:$0x3FA2] =	sst s0;
	s0 =	simm.s32 @!p1 $0x0  }
0x14: {  	s2 =	sld [smem:$0x3F86];
	s0 =	simm.s32 @p1 $0x1  }
0x15: {  	[smem:$0x3FA3] =	sst s0;
	s0 =	simm.s32 @!p2 $0x0  }
0x16: {  	s3 =	sld [smem:$0x3FDB];
	s0 =	simm.s32 @p2 $0x1  }
0x17: {  	s4 =	simm.s32 $0x1BF5;
	[smem:$0x3FA5] =	sst s0  }
0x18: {  	s0 =	sld [smem:$0x3F88];
	_ =	swait.ge [sflag:s4], $0x0  }
0x19: {  	s7 =	sld [smem:$0x3F89]  }
0x1a: {  	s8 =	sadd.s32 $0xFFFFE003, lr  }
0x1b: {  	s9 =	sadd.s32 $0xFFFFFEF7, lr;
	s5 =	simm.s32 $0xFFFFFFFF;
	p2 =	slt.u32 s8, $0xFFFFF086  }
0x1c: {  	p1 =	slt.u32 s9, $0xF7A;
	s5 =	simm.s32 @!p2 $0x0  }
0x1d: {  	s5 =	simm.s32 @p1 $0x1;
	p0 =	seq.s32 s7, s2  }
0x1e: {  	s7 =	smul.u32 @!p0 $0xF7A, s2;
	p2 =	seq.s32 @!p0 s5, $0x0  }
0x1f: {  	s9 =	smul.u32 $0xF7A, s1;
	s8 =	simm.s32 @!p0 $0x1BF5;
	p2 =	por !p2, p0  }
0x20: {  	[sflag:s8] =	ssyncset.s32 @!p0 $0xFFFFF086;
	s6 =	sadd.s32 @!p0 s3, s7;
	s7 =	simm.s32 @!p0 $0x108  }
0x21: {  	s3 =	sadd.s32 s3, s9;
	s6 =	sadd.s32 @!p0 $0x88, s6;
	s7 =	simm.s32 @p2 $0x1082  }
0x22: {  	[simem:s7], [sflag:s8] =	dma.local @!p0 [hbm:s6], $0xF7A  }
0x23: {  	s9 =	sor.u32 $0xD0000000, s2;
	s6 =	simm.s32 $0x108;
	_ =	swait.ge @!p0 [sflag:s8], $0x0  }
0x24: {  	s3 =	sadd.s32 $0x88, s3;
	s6 =	simm.s32 @!p1 $0x1082;
	[sflag:s4] =	ssyncset.s32 $0xFFFFF086  }
0x25: {  	[simem:s6], [sflag:s4] =	dma.local [hbm:s3], $0xF7A  }
0x26: {  	[smem:$0x3F89] =	sst s1;
	(tag) =	ssettag s2;
	_ =	strace s9  }
0x27: {  	s1 =	sld [smem:$0x3F99]  }
0x28: {  	s2 =	sld [smem:$0x3F9A]  }
0x29: {  	s4 =	sld [smem:$0x3F9C]  }
0x2a: {  	p0 =	seq.s32 s5, $0x0;
	s5 =	sld [smem:$0x3F9D]  }
0x2b: {  	s6 =	sld [smem:$0x3F9E]  }
0x2c: {  	s7 =	sld [smem:$0x3F9F]  }
0x2d: {  	s3 =	simm.s32 $0x108;
	s8 =	sld [smem:$0x3FA0]  }
0x2e: {  	s3 =	simm.s32 @!p0 $0x1082;
	s9 =	sld [smem:$0x3FA1]  }
0x2f: {  	lr =	sadd.s32 s0, s3;
	s0 =	sld [smem:$0x3F98]  }
0x30: {  	s3 =	sld [smem:$0x3F9B]  }
0x31: {  	[smem:$0x3FA4] =	sst s10  }
0x32: {  	s10 =	sld [smem:$0x3FA2];
	_ =	sdelay $0x3  }
0x33: {  	p0 =	seq.s32 s10, $0x1;
	s10 =	sld [smem:$0x3FA4];
	_ =	sdelay $0x3  }
0x34: {  	[smem:$0x3FA4] =	sst s10  }
0x35: {  	s10 =	sld [smem:$0x3FA3];
	_ =	sdelay $0x3  }
0x36: {  	p1 =	seq.s32 s10, $0x1;
	s10 =	sld [smem:$0x3FA4];
	_ =	sdelay $0x3  }
0x37: {  	[smem:$0x3FA4] =	sst s10  }
0x38: {  	s10 =	sld [smem:$0x3FA5]  }
0x39: {  	_ = 	snop;
	(pc) =	sbr.ind lr, $3  }
0x3a: {  	_ = 	snop  }
0x3b: {  	_ = 	snop  }
0x3c: {  	p2 =	seq.s32 s10, $0x1;
	s10 =	sld [smem:$0x3FA4]  }
0x3d: {  	_ =	shalt  }
0x3e: {  	_ =	shalt  }
0x3f: {  	_ =	shalt  }
0x40: {  	_ =	shalt  }
0x41: {  	_ =	shalt  }
0x42: {  	_ =	shalt  }
0x43: {  	_ =	shalt  }
0x44: {  	_ =	shalt  }
0x45: {  	_ =	shalt  }
0x46: {  	_ =	shalt  }
0x47: {  	_ =	shalt  }
0x48: {  	_ =	shalt  }
0x49: {  	_ =	shalt  }
0x4a: {  	_ =	shalt  }
0x4b: {  	_ =	shalt  }
0x4c: {  	_ =	shalt  }
0x4d: {  	_ =	shalt  }
0x4e: {  	_ =	shalt  }
0x4f: {  	_ =	shalt  }
0x50: {  	_ =	shalt  }
0x51: {  	_ =	shalt  }
0x52: {  	_ =	shalt  }
0x53: {  	_ =	shalt  }
0x54: {  	_ =	shalt  }
0x55: {  	_ =	shalt  }
0x56: {  	_ =	shalt  }
0x57: {  	_ =	shalt  }
0x58: {  	_ =	shalt  }
0x59: {  	_ =	shalt  }
0x5a: {  	_ =	shalt  }
0x5b: {  	_ =	shalt  }
0x5c: {  	_ =	shalt  }
0x5d: {  	_ =	shalt  }
0x5e: {  	_ =	shalt  }
0x5f: {  	_ =	shalt  }
0x60: {  	_ =	shalt  }
0x61: {  	_ =	shalt  }
0x62: {  	_ =	shalt  }
0x63: {  	_ =	shalt  }
0x64: {  	_ =	shalt  }
0x65: {  	_ =	shalt  }
0x66: {  	_ =	shalt  }
0x67: {  	_ =	shalt  }
0x68: {  	_ =	shalt  }
0x69: {  	_ =	shalt  }
0x6a: {  	_ =	shalt  }
0x6b: {  	_ =	shalt  }
0x6c: {  	_ =	shalt  }
0x6d: {  	_ =	shalt  }
0x6e: {  	_ =	shalt  }
0x6f: {  	_ =	shalt  }
0x70: {  	_ =	shalt  }
0x71: {  	_ =	shalt  }
0x72: {  	_ =	shalt  }
0x73: {  	_ =	shalt  }
0x74: {  	_ =	shalt  }
0x75: {  	_ =	shalt  }
0x76: {  	_ =	shalt  }
0x77: {  	_ =	shalt  }
0x78: {  	_ =	shalt  }
0x79: {  	_ =	shalt  }
0x7a: {  	_ =	shalt  }
0x7b: {  	_ =	shalt  }
0x7c: {  	_ =	shalt  }
0x7d: {  	_ =	shalt  }
0x7e: {  	_ =	shalt  }
0x7f: {  	_ =	shalt  }
0x80: {  	_ =	shalt  }
0x81: {  	_ =	shalt  }
0x82: {  	_ =	shalt  }
0x83: {  	_ =	shalt  }
0x84: {  	_ =	shalt  }
0x85: {  	_ =	shalt  }
0x86: {  	_ =	shalt  }
0x87: {  	_ =	shalt  }
.Lfunc_end0:
.L_simem_size_0:
called_computation.1_lowered:
.L_overlay_start_0:
0x88: {  	s2 =	sld [smem:$0x3FD9]  }
0x89: {  	s3 =	sld [smem:$0x3FFE];
	_ =	sdelay $0x1  }
0x8a: {  	s1 =	srdreg.scid  }
0x8b: {  	s0 =	sand.u32 $0x1, s1  }
0x8c: {  	s16 =	sshll.u32 s0, $0xA;
	s2 =	sadd.s32 s3, s2  }
0x8d: {  	s2 =	sadd.s32 s2, s16  }
0x8e: {  	[smem:$0x3FB0] =	sst s2  }
0x8f: {  	_ = 	snop  }
0x90: {  	(tm) =	ssettm $0x1  }
0x91: {  	s17 =	sld [smem:$0x3FFB];
	_ =	sdelay $0x3  }
0x92: {  	_ =	strace s17  }
0x93: {  	s2 =	sld [smem:$0x3FFC];
	_ =	sdelay $0x3  }
0x94: {  	_ =	strace s2  }
0x95: {  	s2 =	sld [smem:$0x3FFD];
	_ =	sdelay $0x3  }
0x96: {  	_ =	strace s2  }
0x97: {  	_ =	strace $0x8FFFFFFF  }
0x98: {  	s18 =	sld [smem:$0x3FDB];
	_ =	sdelay $0x1  }
0x99: {  	s19 =	simm.s32 $_scs_section_size  }
0x9a: {  	s4 =	simm.s32 $_size__tile_overlayer_lowered;
	s5 =	simm.s32 $_tile_overlayer_lowered  }
0x9b: {  	s22 =	simm.s32 $0x1BFF;
	s21 =	sshll.u32 s5, $0x1;
	s2 =	sadd.s32 s19, s18  }
0x9c: {  	s6 =	simm.s32 $0x0;
	s20 =	sshll.u32 s4, $0x1;
	s4 =	sadd.s32 s21, s2  }
0x9d: {  	[timem:s6], [sflag:s22] =	dma.local [hbm:s4], s20  }
0x9e: {  	_ =	swait.ge [sflag:s22], s20  }
0x9f: {  	s3 =	ssub.s32 $0x0, s20;
	[sflag:s22] =	ssyncset.done $0x0  }
0xa0: {  	[sflag:s22] =	ssyncadd.s32 s3;
	_ =	sdelay $0x1  }
0xa1: {  	s23 =	simm.s32 $0x1B8B  }
0xa2: {  	_ =	swait.ge [sflag:s23], $0x1  }
0xa3: {  	[sflag:s23] =	ssyncset.done $0x0  }
0xa4: {  	s25 =	simm.s32 $0x1B8E;
	s24 =	sld [smem:$0x3FFE];
	[sflag:s23] =	ssyncadd.s32 $0xFFFFFFFF  }
0xa5: {  	s26 =	simm.s32 $execute0_lowered;
	[smem:$0x3FD2] =	sst s25  }
0xa6: {  	s4 =	sshll.u32 s26, $0x1;
	_ =	strace $0x80000049;
	[dreg:$0x1] =	wrdreg $0xFFFFFFFF  }
0xa7: {  	s28 =	simm.s32 $_size_execute0_lowered;
	s2 =	sadd.s32 s2, s4;
	[dreg:$0x0] =	wrdreg $0x0  }
0xa8: {  	s4 =	sshll.u32 s28, $0x1;
	[dreg:$0x2] =	wrdreg s2  }
0xa9: {  	[dreg:$0x3] =	wrdreg s4  }
0xaa: {  	[dreg:$0x4] =	wrdreg $0xC0  }
0xab: {  	_ =	task [dreg:s6], $0x5FFFF  }
0xac: {  	[dreg:$0x1] =	wrdreg $0xFFFFFFFF  }
0xad: {  	[dreg:$0x0] =	wrdreg $0x60  }
0xae: {  	[dreg:$0x2] =	wrdreg s24  }
0xaf: {  	[dreg:$0x3] =	wrdreg $0x9  }
0xb0: {  	_ =	task.clear_ibuf [dreg:s6], $0x4FFFF;
	_ =	strace $0x90000049  }
0xb1: {  	s29 =	simm.s32 $0x9;
	_ =	strace $0x8000004B  }
0xb2: {  	_ =	swait.ge [sflag:s29], $0x1  }
0xb3: {  	[sflag:s29] =	ssyncadd.s32 $0xFFFFFFFF  }
0xb4: {  	_ =	strace $0x9000004B  }
0xb5: {  	_ =	sfence  }
0xb6: {  	s30 =	sld [smem:$0x0];
	_ =	sdelay $0x2  }
0xb7: {  	s31 =	sshll.u32 s1, $0xD;
	s1 =	sshrl.u32 s1, $0x2  }
0xb8: {  	s3 =	sand.u32 $0x4000, s31;
	s1 =	sadd.s32 s1, s30  }
0xb9: {  	s0 =	sor.u32 s3, s0;
	s1 =	sshll.u32 s1, $0x11  }
0xba: {  	s0 =	sor.u32 s1, s0  }
0xbb: {  	s0 =	sadd.s32 $0x8F2B, s0  }
0xbc: {  	[sflag:s0] =	ssyncadd.remote.s32 $0x1  }
0xbd: {  	_ =	sfence.sel $0xFFFF  }
0xbe: {  	[dreg:$0x0] =	wrdreg $0xFFFFFFFF;
	(pc) =	sbr.abs _section_cstart, $3  }
0xbf: {  	[dreg:$0x1] =	wrdreg $0xFFFFFFFF  }
0xc0: {  	_ =	task.clear_ibuf [dreg:s6], $0x2FFFF;
	_ =	strace $0x9FFFFFFF  }
0xc1: {  	(tm) =	ssettm $0x7FFFFFFF  }
tec
execute0_lowered:
.L_overlay_start_1:
0x0: {  	(tag) =	ssettag $0x1  }
0x1: {  	s4 =	rddreg [dreg:$0x0]  }
0x2: {  	s0 =	rddreg [dreg:$0x1];
	s2 =	simm.s32 $0x0;
	s3 =	srdreg.scid  }
0x3: {  	s1 =	stileid.u32;
	s10 =	simm.s32 $0x1080;
	s11 =	simm.s32 $0x1880  }
0x4: {  	s12 =	simm.s32 $0x2080;
	s13 =	simm.s32 $0x2880;
	s14 =	simm.s32 $0x3080  }
0x5: {  	s15 =	simm.s32 $0x3880;
	s16 =	simm.s32 $0x4080;
	s17 =	simm.s32 $0x4880  }
0x6: {  	s18 =	simm.s32 $0x5080;
	s19 =	simm.s32 $0x5880;
	s20 =	simm.s32 $0x6080  }
0x7: {  	s21 =	simm.s32 $0x6880;
	s22 =	simm.s32 $0x7080;
	s23 =	simm.s32 $0x7880  }
0x8: {  	s24 =	simm.s32 $0x1;
	s25 =	simm.s32 $0x0;
	s6 =	smul.u32 $0x2800, s1  }
0x9: {  	[smem:$0x7FF] =	sst s2;
	s5 =	sand.u32 $0x1, s3;
	s8 =	smul.u32 $0x50000, s1  }
0xa: {  	s3 =	sadd.s32 $0x5D000, s4;
	s7 =	smul.u32 $0x1400, s5;
	s9 =	ssub.s32 $0x2, s5  }
0xb: {  	_ =	strace $0x8000004A;
	s5 =	smul.u32 $0x28000, s5;
	s31 =	sshrl.u32 s9, $0x1  }
0xc: {  	s8 =	sadd.s32 s8, s4;
	s6 =	sadd.s32 s7, s6;
	s7 =	ssub.s32 s9, s31  }
0xd: {  	v2 =	vlaneseq.u32;
	s5 =	sadd.s32 s5, s8;
	s8 =	simm.s32 $0x80;
	s6 =	sshrl.u32 s6, $0x3  }
0xe: {  	vm0 =	vmmov $0xffff;
	v1 =	vshrl.u32 v2, $0x3;
	s9 =	simm.s32 $0x880;
	s5 =	sadd.s32 $0xF9400, s5;
	s6 =	sadd.s32 s6, s4  }
0xf: {  	v0 =	vand.u32 $0x7, v2;
	v2 =	vor.u32 $0x8, v2;
	v1 =	vmul.u32 $0x8, v1;
	s4 =	smax.u32 s7, $0x1;
	s7 =	simm.s32 $0x2;
	s6 =	sadd.s32 $0x58000, s6  }
.LBB2_1:
0x10: {  	s26 =	smov.u32 s5;
	s28 =	simm.s32 $0x0  }
.LBB2_2:
0x11: {  	s29 =	sadd.s32 s28, s6  }
0x12: {  	[tilespmem:s2], [sflag:$0x2] =	stream.linear.gather [hbm4b:s29+s2], $0x80, $0x38;
	[tilespmem:$0x8080] =	vst v63  }
0x13: {  	_ =	swait.ge [sflag:s7], $0x80  }
0x14: {  	[sflag:s7] =	ssyncset.done $0x0  }
0x15: {  	[sflag:s7] =	ssyncadd.s32 $0xFFFFFF80  }
0x16: {  	v3 =	vld [tilespmem:$0x0];
	_ =	sdelay $0x4  }
0x17: {  	v4 =	vshll.u32 v3, $0x1  }
0x18: {  	v3 =	vand.u32 $0x7, v3;
	v4 =	vand.u32 $0xFFFFFFF0, v4  }
0x19: {  	v3 =	vor.u32 v3, v4  }
0x1a: {  	v4 =	vperm.xlane v3, v0;
	_ =	sdelay $0x1  }
0x1b: {  	v3 =	vperm.xlane v3, v2;
	v4 =	vadd.s32 v1, v4;
	_ =	sdelay $0x1  }
0x1c: {  	v3 =	vadd.s32 v1, v3;
	_ =	sdelay $0x2  }
0x1d: {  	[tilespmem:s8], [sflag:$0x1] =	stream.indirect_vreg.gather [hbm4b:s3+s2], $0x80, v4, vm0, $0xb8;
	[tilespmem:$0x8080] =	vst v63  }
0x1e: {  	_ = 	snop  }
0x1f: {  	[tilespmem:s9], [sflag:$0x1] =	stream.indirect_vreg.gather [hbm4b:s3+s2], $0x80, v3, vm0, $0xb8;
	[tilespmem:$0x8080] =	vst v63  }
0x20: {  	v3 =	vld [tilespmem:$0x10];
	_ =	sdelay $0x4  }
0x21: {  	v57 =	vshll.u32 v3, $0x1  }
0x22: {  	v3 =	vand.u32 $0x7, v3;
	v4 =	vand.u32 $0xFFFFFFF0, v57  }
0x23: {  	v3 =	vor.u32 v3, v4  }
0x24: {  	v4 =	vperm.xlane v3, v0;
	_ =	sdelay $0x1  }
0x25: {  	v3 =	vperm.xlane v3, v2;
	v4 =	vadd.s32 v1, v4;
	_ =	sdelay $0x1  }
0x26: {  	v3 =	vadd.s32 v1, v3;
	_ =	sdelay $0x2  }
0x27: {  	[tilespmem:s10], [sflag:$0x1] =	stream.indirect_vreg.gather [hbm4b:s3+s2], $0x80, v4, vm0, $0xb8;
	[tilespmem:$0x8080] =	vst v63  }
0x28: {  	_ = 	snop  }
0x29: {  	[tilespmem:s11], [sflag:$0x1] =	stream.indirect_vreg.gather [hbm4b:s3+s2], $0x80, v3, vm0, $0xb8;
	[tilespmem:$0x8080] =	vst v63  }
0x2a: {  	v3 =	vld [tilespmem:$0x20];
	_ =	sdelay $0x4  }
0x2b: {  	v58 =	vshll.u32 v3, $0x1  }
0x2c: {  	v3 =	vand.u32 $0x7, v3;
	v4 =	vand.u32 $0xFFFFFFF0, v58  }
0x2d: {  	v3 =	vor.u32 v3, v4  }
0x2e: {  	v4 =	vperm.xlane v3, v0;
	_ =	sdelay $0x1  }
0x2f: {  	v3 =	vperm.xlane v3, v2;
	v4 =	vadd.s32 v1, v4;
	_ =	sdelay $0x1  }
0x30: {  	v3 =	vadd.s32 v1, v3;
	_ =	sdelay $0x2  }
0x31: {  	[tilespmem:s12], [sflag:$0x1] =	stream.indirect_vreg.gather [hbm4b:s3+s2], $0x80, v4, vm0, $0xb8;
	[tilespmem:$0x8080] =	vst v63  }
0x32: {  	_ = 	snop  }
0x33: {  	[tilespmem:s13], [sflag:$0x1] =	stream.indirect_vreg.gather [hbm4b:s3+s2], $0x80, v3, vm0, $0xb8;
	[tilespmem:$0x8080] =	vst v63  }
0x34: {  	v3 =	vld [tilespmem:$0x30];
	_ =	sdelay $0x4  }
0x35: {  	v59 =	vshll.u32 v3, $0x1  }
0x36: {  	v3 =	vand.u32 $0x7, v3;
	v4 =	vand.u32 $0xFFFFFFF0, v59  }
0x37: {  	v3 =	vor.u32 v3, v4  }
0x38: {  	v4 =	vperm.xlane v3, v0;
	_ =	sdelay $0x1  }
0x39: {  	v3 =	vperm.xlane v3, v2;
	v4 =	vadd.s32 v1, v4;
	_ =	sdelay $0x1  }
0x3a: {  	v3 =	vadd.s32 v1, v3;
	_ =	sdelay $0x2  }
0x3b: {  	[tilespmem:s14], [sflag:$0x1] =	stream.indirect_vreg.gather [hbm4b:s3+s2], $0x80, v4, vm0, $0xb8;
	[tilespmem:$0x8080] =	vst v63  }
0x3c: {  	_ = 	snop  }
0x3d: {  	[tilespmem:s15], [sflag:$0x1] =	stream.indirect_vreg.gather [hbm4b:s3+s2], $0x80, v3, vm0, $0xb8;
	[tilespmem:$0x8080] =	vst v63  }
0x3e: {  	v3 =	vld [tilespmem:$0x40];
	_ =	sdelay $0x4  }
0x3f: {  	v60 =	vshll.u32 v3, $0x1  }
0x40: {  	v3 =	vand.u32 $0x7, v3;
	v4 =	vand.u32 $0xFFFFFFF0, v60  }
0x41: {  	v3 =	vor.u32 v3, v4  }
0x42: {  	v4 =	vperm.xlane v3, v0;
	_ =	sdelay $0x1  }
0x43: {  	v3 =	vperm.xlane v3, v2;
	v4 =	vadd.s32 v1, v4;
	_ =	sdelay $0x1  }
0x44: {  	v3 =	vadd.s32 v1, v3;
	_ =	sdelay $0x2  }
0x45: {  	[tilespmem:s16], [sflag:$0x1] =	stream.indirect_vreg.gather [hbm4b:s3+s2], $0x80, v4, vm0, $0xb8;
	[tilespmem:$0x8080] =	vst v63  }
0x46: {  	_ = 	snop  }
0x47: {  	[tilespmem:s17], [sflag:$0x1] =	stream.indirect_vreg.gather [hbm4b:s3+s2], $0x80, v3, vm0, $0xb8;
	[tilespmem:$0x8080] =	vst v63  }
0x48: {  	v3 =	vld [tilespmem:$0x50];
	_ =	sdelay $0x4  }
0x49: {  	v61 =	vshll.u32 v3, $0x1  }
0x4a: {  	v3 =	vand.u32 $0x7, v3;
	v4 =	vand.u32 $0xFFFFFFF0, v61  }
0x4b: {  	v3 =	vor.u32 v3, v4  }
0x4c: {  	v4 =	vperm.xlane v3, v0;
	_ =	sdelay $0x1  }
0x4d: {  	v3 =	vperm.xlane v3, v2;
	v4 =	vadd.s32 v1, v4;
	_ =	sdelay $0x1  }
0x4e: {  	v3 =	vadd.s32 v1, v3;
	_ =	sdelay $0x2  }
0x4f: {  	[tilespmem:s18], [sflag:$0x1] =	stream.indirect_vreg.gather [hbm4b:s3+s2], $0x80, v4, vm0, $0xb8;
	[tilespmem:$0x8080] =	vst v63  }
0x50: {  	_ = 	snop  }
0x51: {  	[tilespmem:s19], [sflag:$0x1] =	stream.indirect_vreg.gather [hbm4b:s3+s2], $0x80, v3, vm0, $0xb8;
	[tilespmem:$0x8080] =	vst v63  }
0x52: {  	v3 =	vld [tilespmem:$0x60];
	_ =	sdelay $0x4  }
0x53: {  	v62 =	vshll.u32 v3, $0x1  }
0x54: {  	v3 =	vand.u32 $0x7, v3;
	v4 =	vand.u32 $0xFFFFFFF0, v62  }
0x55: {  	v3 =	vor.u32 v3, v4  }
0x56: {  	v4 =	vperm.xlane v3, v0;
	_ =	sdelay $0x1  }
0x57: {  	v3 =	vperm.xlane v3, v2;
	v4 =	vadd.s32 v1, v4;
	_ =	sdelay $0x1  }
0x58: {  	v3 =	vadd.s32 v1, v3;
	_ =	sdelay $0x2  }
0x59: {  	[tilespmem:s20], [sflag:$0x1] =	stream.indirect_vreg.gather [hbm4b:s3+s2], $0x80, v4, vm0, $0xb8;
	[tilespmem:$0x8080] =	vst v63  }
0x5a: {  	_ = 	snop  }
0x5b: {  	[tilespmem:s21], [sflag:$0x1] =	stream.indirect_vreg.gather [hbm4b:s3+s2], $0x80, v3, vm0, $0xb8;
	[tilespmem:$0x8080] =	vst v63  }
0x5c: {  	v3 =	vld [tilespmem:$0x70];
	_ =	sdelay $0x4  }
0x5d: {  	v63 =	vshll.u32 v3, $0x1  }
0x5e: {  	v3 =	vand.u32 $0x7, v3;
	v4 =	vand.u32 $0xFFFFFFF0, v63  }
0x5f: {  	v3 =	vor.u32 v3, v4  }
0x60: {  	v4 =	vperm.xlane v3, v0;
	_ =	sdelay $0x1  }
0x61: {  	v3 =	vperm.xlane v3, v2;
	v4 =	vadd.s32 v1, v4;
	_ =	sdelay $0x1  }
0x62: {  	v3 =	vadd.s32 v1, v3;
	_ =	sdelay $0x2  }
0x63: {  	[tilespmem:s22], [sflag:$0x1] =	stream.indirect_vreg.gather [hbm4b:s3+s2], $0x80, v4, vm0, $0xb8;
	[tilespmem:$0x8080] =	vst v63  }
0x64: {  	_ = 	snop  }
0x65: {  	[tilespmem:s23], [sflag:$0x1] =	stream.indirect_vreg.gather [hbm4b:s3+s2], $0x80, v3, vm0, $0xb8;
	[tilespmem:$0x8080] =	vst v63  }
0x66: {  	_ =	swait.ge [sflag:s24], $0x8000  }
0x67: {  	p0 =	sne.s32 s28, $0x270;
	[sflag:s24] =	ssyncset.done $0x0  }
.Ltmp0:
0x68: {  	[sflag:s24] =	ssyncadd.s32 $0xFFFF8000;
	(pc) =	sbr.rel @p0 .LBB2_2-.Ltmp0, $4  }
0x69: {  	[hbm4b:s26+s2] =	stream.linear.scatter [tilespmem:s8], [sflag:$0x2], $0x8000, $0x38;
	[tilespmem:$0x8080] =	vst v63  }
0x6a: {  	_ =	swait.ge [sflag:s7], $0x8000  }
0x6b: {  	[sflag:s7] =	ssyncset.done $0x0  }
0x6c: {  	s28 =	sadd.s32 $0x10, s28;
	s26 =	sadd.s32 $0x1000, s26;
	[sflag:s7] =	ssyncadd.s32 $0xFFFF8000  }
0x6d: {  	s25 =	sadd.s32 $0x1, s25  }
0x6e: {  	p0 =	sne.s32 s25, s4  }
.Ltmp1:
0x6f: {  	_ = 	snop;
	(pc) =	sbr.rel @p0 .LBB2_1-.Ltmp1, $1  }
0x70: {  	_ =	sdelay $0x3  }
0x71: {  	_ =	sfence.sel $0x180000  }
0x72: {  	[bflag:$0x0] =	sbarrier.arrive $0xFFFF  }
0x73: {  	p0 =	sne.s32 s1, $0x0;
	_ =	strace $0x9000004A  }
0x74: {  	s0 =	sadd.s32 @!p0 $0x100000, s0;
	[bflag:$0x2] =	sbarrier.arrive $0xFFFF  }
0x75: {  	[sflag:s0] =	ssyncadd.tile.s32 @!p0 $0x1;
	_ =	shalt  }
.Lfunc_end2:
_tile_overlayer_lowered:
.L_overlay_start_2:
0x76: {  	(tag) =	ssettag $0x2  }
0x77: {  	s0 =	rddreg [dreg:$0x0];
	s2 =	stileid.u32  }
0x78: {  	s1 =	rddreg [dreg:$0x1];
	p0 =	sne.s32 s2, $0x0  }
0x79: {  	s3 =	rddreg [dreg:$0x2];
	[bflag:$0x3] =	sbarrier.arrive $0xFFFF;
	s2 =	simm.s32 @!p0 $0x1C02  }
0x7a: {  	[timem:s3], [sflag:s2] =	dma.local @!p0 [hbm:s0], s1  }
0x7b: {  	s0 =	simm.s32 @!p0 $0x2  }
0x7c: {  	_ =	swait.ge @!p0 [sflag:s0], s1  }
0x7d: {  	s1 =	ssub.s32 @!p0 $0x0, s1;
	[sflag:s0] =	ssyncset.done @!p0 $0x0  }
0x7e: {  	[sflag:s0] =	ssyncadd.s32 @!p0 s1  }
0x7f: {  	[bflag:$0x3] =	sbarrier.arrive $0xFFFF  }
0x80: {  	_ =	shalt  }

// kernel: kernel.25.cloned.1.call-start
scs
__scs_entry_jumppad:
0x0: {  	(pc) =	sbr.rel $0x88, $3  }
0x1: {  	(tag) =	ssettag $0x0;
	lr =	simm.s32 $0x1  }
0x2: {  	[smem:$0x3F89] =	sst lr;
	_ =	strace $0xD0000000  }
0x3: {  	_ = 	snop  }
0x4: {  	_ = 	snop  }
0x5: {  	_ = 	snop  }
0x6: {  	_ = 	snop  }
0x7: {  	_ = 	snop  }
__scs_overlays_trampoline_lowered:
0x8: {  	[smem:$0x3F98] =	sst s0  }
0x9: {  	[smem:$0x3F99] =	sst s1  }
0xa: {  	[smem:$0x3F9A] =	sst s2  }
0xb: {  	[smem:$0x3F9B] =	sst s3  }
0xc: {  	[smem:$0x3F9C] =	sst s4  }
0xd: {  	[smem:$0x3F9D] =	sst s5  }
0xe: {  	[smem:$0x3F9E] =	sst s6  }
0xf: {  	[smem:$0x3F9F] =	sst s7  }
0x10: {  	[smem:$0x3FA0] =	sst s8  }
0x11: {  	[smem:$0x3FA1] =	sst s9;
	s0 =	simm.s32 @!p0 $0x0  }
0x12: {  	s1 =	sld [smem:$0x3F87];
	s0 =	simm.s32 @p0 $0x1  }
0x13: {  	[smem:$0x3FA2] =	sst s0;
	s0 =	simm.s32 @!p1 $0x0  }
0x14: {  	s2 =	sld [smem:$0x3F86];
	s0 =	simm.s32 @p1 $0x1  }
0x15: {  	[smem:$0x3FA3] =	sst s0;
	s0 =	simm.s32 @!p2 $0x0  }
0x16: {  	s3 =	sld [smem:$0x3FDB];
	s0 =	simm.s32 @p2 $0x1  }
0x17: {  	s4 =	simm.s32 $0x1BF5;
	[smem:$0x3FA5] =	sst s0  }
0x18: {  	s0 =	sld [smem:$0x3F88];
	_ =	swait.ge [sflag:s4], $0x0  }
0x19: {  	s7 =	sld [smem:$0x3F89]  }
0x1a: {  	s8 =	sadd.s32 $0xFFFFE003, lr  }
0x1b: {  	s9 =	sadd.s32 $0xFFFFFEF7, lr;
	s5 =	simm.s32 $0xFFFFFFFF;
	p2 =	slt.u32 s8, $0xFFFFF086  }
0x1c: {  	p1 =	slt.u32 s9, $0xF7A;
	s5 =	simm.s32 @!p2 $0x0  }
0x1d: {  	s5 =	simm.s32 @p1 $0x1;
	p0 =	seq.s32 s7, s2  }
0x1e: {  	s7 =	smul.u32 @!p0 $0xF7A, s2;
	p2 =	seq.s32 @!p0 s5, $0x0  }
0x1f: {  	s9 =	smul.u32 $0xF7A, s1;
	s8 =	simm.s32 @!p0 $0x1BF5;
	p2 =	por !p2, p0  }
0x20: {  	[sflag:s8] =	ssyncset.s32 @!p0 $0xFFFFF086;
	s6 =	sadd.s32 @!p0 s3, s7;
	s7 =	simm.s32 @!p0 $0x108  }
0x21: {  	s3 =	sadd.s32 s3, s9;
	s6 =	sadd.s32 @!p0 $0x88, s6;
	s7 =	simm.s32 @p2 $0x1082  }
0x22: {  	[simem:s7], [sflag:s8] =	dma.local @!p0 [hbm:s6], $0xF7A  }
0x23: {  	s9 =	sor.u32 $0xD0000000, s2;
	s6 =	simm.s32 $0x108;
	_ =	swait.ge @!p0 [sflag:s8], $0x0  }
0x24: {  	s3 =	sadd.s32 $0x88, s3;
	s6 =	simm.s32 @!p1 $0x1082;
	[sflag:s4] =	ssyncset.s32 $0xFFFFF086  }
0x25: {  	[simem:s6], [sflag:s4] =	dma.local [hbm:s3], $0xF7A  }
0x26: {  	[smem:$0x3F89] =	sst s1;
	(tag) =	ssettag s2;
	_ =	strace s9  }
0x27: {  	s1 =	sld [smem:$0x3F99]  }
0x28: {  	s2 =	sld [smem:$0x3F9A]  }
0x29: {  	s4 =	sld [smem:$0x3F9C]  }
0x2a: {  	p0 =	seq.s32 s5, $0x0;
	s5 =	sld [smem:$0x3F9D]  }
0x2b: {  	s6 =	sld [smem:$0x3F9E]  }
0x2c: {  	s7 =	sld [smem:$0x3F9F]  }
0x2d: {  	s3 =	simm.s32 $0x108;
	s8 =	sld [smem:$0x3FA0]  }
0x2e: {  	s3 =	simm.s32 @!p0 $0x1082;
	s9 =	sld [smem:$0x3FA1]  }
0x2f: {  	lr =	sadd.s32 s0, s3;
	s0 =	sld [smem:$0x3F98]  }
0x30: {  	s3 =	sld [smem:$0x3F9B]  }
0x31: {  	[smem:$0x3FA4] =	sst s10  }
0x32: {  	s10 =	sld [smem:$0x3FA2];
	_ =	sdelay $0x3  }
0x33: {  	p0 =	seq.s32 s10, $0x1;
	s10 =	sld [smem:$0x3FA4];
	_ =	sdelay $0x3  }
0x34: {  	[smem:$0x3FA4] =	sst s10  }
0x35: {  	s10 =	sld [smem:$0x3FA3];
	_ =	sdelay $0x3  }
0x36: {  	p1 =	seq.s32 s10, $0x1;
	s10 =	sld [smem:$0x3FA4];
	_ =	sdelay $0x3  }
0x37: {  	[smem:$0x3FA4] =	sst s10  }
0x38: {  	s10 =	sld [smem:$0x3FA5]  }
0x39: {  	_ = 	snop;
	(pc) =	sbr.ind lr, $3  }
0x3a: {  	_ = 	snop  }
0x3b: {  	_ = 	snop  }
0x3c: {  	p2 =	seq.s32 s10, $0x1;
	s10 =	sld [smem:$0x3FA4]  }
0x3d: {  	_ =	shalt  }
0x3e: {  	_ =	shalt  }
0x3f: {  	_ =	shalt  }
0x40: {  	_ =	shalt  }
0x41: {  	_ =	shalt  }
0x42: {  	_ =	shalt  }
0x43: {  	_ =	shalt  }
0x44: {  	_ =	shalt  }
0x45: {  	_ =	shalt  }
0x46: {  	_ =	shalt  }
0x47: {  	_ =	shalt  }
0x48: {  	_ =	shalt  }
0x49: {  	_ =	shalt  }
0x4a: {  	_ =	shalt  }
0x4b: {  	_ =	shalt  }
0x4c: {  	_ =	shalt  }
0x4d: {  	_ =	shalt  }
0x4e: {  	_ =	shalt  }
0x4f: {  	_ =	shalt  }
0x50: {  	_ =	shalt  }
0x51: {  	_ =	shalt  }
0x52: {  	_ =	shalt  }
0x53: {  	_ =	shalt  }
0x54: {  	_ =	shalt  }
0x55: {  	_ =	shalt  }
0x56: {  	_ =	shalt  }
0x57: {  	_ =	shalt  }
0x58: {  	_ =	shalt  }
0x59: {  	_ =	shalt  }
0x5a: {  	_ =	shalt  }
0x5b: {  	_ =	shalt  }
0x5c: {  	_ =	shalt  }
0x5d: {  	_ =	shalt  }
0x5e: {  	_ =	shalt  }
0x5f: {  	_ =	shalt  }
0x60: {  	_ =	shalt  }
0x61: {  	_ =	shalt  }
0x62: {  	_ =	shalt  }
0x63: {  	_ =	shalt  }
0x64: {  	_ =	shalt  }
0x65: {  	_ =	shalt  }
0x66: {  	_ =	shalt  }
0x67: {  	_ =	shalt  }
0x68: {  	_ =	shalt  }
0x69: {  	_ =	shalt  }
0x6a: {  	_ =	shalt  }
0x6b: {  	_ =	shalt  }
0x6c: {  	_ =	shalt  }
0x6d: {  	_ =	shalt  }
0x6e: {  	_ =	shalt  }
0x6f: {  	_ =	shalt  }
0x70: {  	_ =	shalt  }
0x71: {  	_ =	shalt  }
0x72: {  	_ =	shalt  }
0x73: {  	_ =	shalt  }
0x74: {  	_ =	shalt  }
0x75: {  	_ =	shalt  }
0x76: {  	_ =	shalt  }
0x77: {  	_ =	shalt  }
0x78: {  	_ =	shalt  }
0x79: {  	_ =	shalt  }
0x7a: {  	_ =	shalt  }
0x7b: {  	_ =	shalt  }
0x7c: {  	_ =	shalt  }
0x7d: {  	_ =	shalt  }
0x7e: {  	_ =	shalt  }
0x7f: {  	_ =	shalt  }
0x80: {  	_ =	shalt  }
0x81: {  	_ =	shalt  }
0x82: {  	_ =	shalt  }
0x83: {  	_ =	shalt  }
0x84: {  	_ =	shalt  }
0x85: {  	_ =	shalt  }
0x86: {  	_ =	shalt  }
0x87: {  	_ =	shalt  }
.Lfunc_end0:
.L_simem_size_0:
called_computation.2_lowered:
.L_overlay_start_0:
0x88: {  	s2 =	sld [smem:$0x3FD9]  }
0x89: {  	s3 =	sld [smem:$0x3FFE];
	_ =	sdelay $0x1  }
0x8a: {  	s1 =	srdreg.scid  }
0x8b: {  	s0 =	sand.u32 $0x1, s1  }
0x8c: {  	s16 =	sshll.u32 s0, $0xA;
	s2 =	sadd.s32 s3, s2  }
0x8d: {  	s2 =	sadd.s32 s2, s16  }
0x8e: {  	[smem:$0x3FB0] =	sst s2  }
0x8f: {  	_ = 	snop  }
0x90: {  	(tm) =	ssettm $0x1  }
0x91: {  	s17 =	sld [smem:$0x3FFB];
	_ =	sdelay $0x3  }
0x92: {  	_ =	strace s17  }
0x93: {  	s2 =	sld [smem:$0x3FFC];
	_ =	sdelay $0x3  }
0x94: {  	_ =	strace s2  }
0x95: {  	s2 =	sld [smem:$0x3FFD];
	_ =	sdelay $0x3  }
0x96: {  	_ =	strace s2  }
0x97: {  	_ =	strace $0x8FFFFFFF  }
0x98: {  	s18 =	sld [smem:$0x3FDB];
	_ =	sdelay $0x1  }
0x99: {  	s19 =	simm.s32 $_scs_section_size  }
0x9a: {  	s4 =	simm.s32 $_size__tile_overlayer_lowered;
	s5 =	simm.s32 $_tile_overlayer_lowered  }
0x9b: {  	s22 =	simm.s32 $0x1BFF;
	s21 =	sshll.u32 s5, $0x1;
	s2 =	sadd.s32 s19, s18  }
0x9c: {  	s6 =	simm.s32 $0x0;
	s20 =	sshll.u32 s4, $0x1;
	s4 =	sadd.s32 s21, s2  }
0x9d: {  	[timem:s6], [sflag:s22] =	dma.local [hbm:s4], s20  }
0x9e: {  	_ =	swait.ge [sflag:s22], s20  }
0x9f: {  	s3 =	ssub.s32 $0x0, s20;
	[sflag:s22] =	ssyncset.done $0x0  }
0xa0: {  	[sflag:s22] =	ssyncadd.s32 s3;
	_ =	sdelay $0x1  }
0xa1: {  	s23 =	simm.s32 $0x1B8B  }
0xa2: {  	_ =	swait.ge [sflag:s23], $0x1  }
0xa3: {  	[sflag:s23] =	ssyncset.done $0x0  }
0xa4: {  	s25 =	simm.s32 $0x1B8E;
	s24 =	sld [smem:$0x3FFE];
	[sflag:s23] =	ssyncadd.s32 $0xFFFFFFFF  }
0xa5: {  	s26 =	simm.s32 $execute0_lowered;
	[smem:$0x3FD2] =	sst s25  }
0xa6: {  	s4 =	sshll.u32 s26, $0x1;
	_ =	strace $0x8000004C;
	[dreg:$0x1] =	wrdreg $0xFFFFFFFF  }
0xa7: {  	s28 =	simm.s32 $_size_execute0_lowered;
	s2 =	sadd.s32 s2, s4;
	[dreg:$0x0] =	wrdreg $0x0  }
0xa8: {  	s4 =	sshll.u32 s28, $0x1;
	[dreg:$0x2] =	wrdreg s2  }
0xa9: {  	[dreg:$0x3] =	wrdreg s4  }
0xaa: {  	[dreg:$0x4] =	wrdreg $0xC0  }
0xab: {  	_ =	task [dreg:s6], $0x5FFFF  }
0xac: {  	[dreg:$0x1] =	wrdreg $0xFFFFFFFF  }
0xad: {  	[dreg:$0x0] =	wrdreg $0x60  }
0xae: {  	[dreg:$0x2] =	wrdreg s24  }
0xaf: {  	[dreg:$0x3] =	wrdreg $0x9  }
0xb0: {  	_ =	task.clear_ibuf [dreg:s6], $0x4FFFF;
	_ =	strace $0x9000004C  }
0xb1: {  	s29 =	simm.s32 $0x9;
	_ =	strace $0x8000004E  }
0xb2: {  	_ =	swait.ge [sflag:s29], $0x1  }
0xb3: {  	[sflag:s29] =	ssyncadd.s32 $0xFFFFFFFF  }
0xb4: {  	_ =	strace $0x9000004E  }
0xb5: {  	_ =	sfence  }
0xb6: {  	s30 =	sld [smem:$0x0];
	_ =	sdelay $0x2  }
0xb7: {  	s31 =	sshll.u32 s1, $0xD;
	s1 =	sshrl.u32 s1, $0x2  }
0xb8: {  	s3 =	sand.u32 $0x4000, s31;
	s1 =	sadd.s32 s1, s30  }
0xb9: {  	s0 =	sor.u32 s3, s0;
	s1 =	sshll.u32 s1, $0x11  }
0xba: {  	s0 =	sor.u32 s1, s0  }
0xbb: {  	s0 =	sadd.s32 $0x8F2B, s0  }
0xbc: {  	[sflag:s0] =	ssyncadd.remote.s32 $0x1  }
0xbd: {  	_ =	sfence.sel $0xFFFF  }
0xbe: {  	[dreg:$0x0] =	wrdreg $0xFFFFFFFF;
	(pc) =	sbr.abs _section_cstart, $3  }
0xbf: {  	[dreg:$0x1] =	wrdreg $0xFFFFFFFF  }
0xc0: {  	_ =	task.clear_ibuf [dreg:s6], $0x2FFFF;
	_ =	strace $0x9FFFFFFF  }
0xc1: {  	(tm) =	ssettm $0x7FFFFFFF  }
tec
execute0_lowered:
.L_overlay_start_1:
0x0: {  	(tag) =	ssettag $0x1  }
0x1: {  	s4 =	rddreg [dreg:$0x0]  }
0x2: {  	s0 =	rddreg [dreg:$0x1];
	s2 =	simm.s32 $0x0;
	s3 =	srdreg.scid  }
0x3: {  	s1 =	stileid.u32;
	s10 =	simm.s32 $0x1080;
	s11 =	simm.s32 $0x1880  }
0x4: {  	s12 =	simm.s32 $0x2080;
	s13 =	simm.s32 $0x2880;
	s14 =	simm.s32 $0x3080  }
0x5: {  	s15 =	simm.s32 $0x3880;
	s16 =	simm.s32 $0x4080;
	s17 =	simm.s32 $0x4880  }
0x6: {  	s18 =	simm.s32 $0x5080;
	s19 =	simm.s32 $0x5880;
	s20 =	simm.s32 $0x6080  }
0x7: {  	s21 =	simm.s32 $0x6880;
	s22 =	simm.s32 $0x7080;
	s23 =	simm.s32 $0x7880  }
0x8: {  	s24 =	simm.s32 $0x1;
	s25 =	simm.s32 $0x0;
	s6 =	smul.u32 $0x2800, s1  }
0x9: {  	[smem:$0x7FF] =	sst s2;
	s5 =	sand.u32 $0x1, s3;
	s8 =	smul.u32 $0x50000, s1  }
0xa: {  	s3 =	sadd.s32 $0xAB200, s4;
	s7 =	smul.u32 $0x1400, s5;
	s9 =	ssub.s32 $0x2, s5  }
0xb: {  	_ =	strace $0x8000004D;
	s5 =	smul.u32 $0x28000, s5;
	s31 =	sshrl.u32 s9, $0x1  }
0xc: {  	s8 =	sadd.s32 s8, s4;
	s6 =	sadd.s32 s7, s6;
	s7 =	ssub.s32 s9, s31  }
0xd: {  	v2 =	vlaneseq.u32;
	s5 =	sadd.s32 s5, s8;
	s8 =	simm.s32 $0x80;
	s6 =	sshrl.u32 s6, $0x3  }
0xe: {  	vm0 =	vmmov $0xffff;
	v1 =	vshrl.u32 v2, $0x3;
	s9 =	simm.s32 $0x880;
	s5 =	sadd.s32 $0x147600, s5;
	s6 =	sadd.s32 s6, s4  }
0xf: {  	v0 =	vand.u32 $0x7, v2;
	v2 =	vor.u32 $0x8, v2;
	v1 =	vmul.u32 $0x8, v1;
	s4 =	smax.u32 s7, $0x1;
	s7 =	simm.s32 $0x2;
	s6 =	sadd.s32 $0xA6200, s6  }
.LBB2_1:
0x10: {  	s26 =	smov.u32 s5;
	s28 =	simm.s32 $0x0  }
.LBB2_2:
0x11: {  	s29 =	sadd.s32 s28, s6  }
0x12: {  	[tilespmem:s2], [sflag:$0x2] =	stream.linear.gather [hbm4b:s29+s2], $0x80, $0x38;
	[tilespmem:$0x8080] =	vst v63  }
0x13: {  	_ =	swait.ge [sflag:s7], $0x80  }
0x14: {  	[sflag:s7] =	ssyncset.done $0x0  }
0x15: {  	[sflag:s7] =	ssyncadd.s32 $0xFFFFFF80  }
0x16: {  	v3 =	vld [tilespmem:$0x0];
	_ =	sdelay $0x4  }
0x17: {  	v4 =	vshll.u32 v3, $0x1  }
0x18: {  	v3 =	vand.u32 $0x7, v3;
	v4 =	vand.u32 $0xFFFFFFF0, v4  }
0x19: {  	v3 =	vor.u32 v3, v4  }
0x1a: {  	v4 =	vperm.xlane v3, v0;
	_ =	sdelay $0x1  }
0x1b: {  	v3 =	vperm.xlane v3, v2;
	v4 =	vadd.s32 v1, v4;
	_ =	sdelay $0x1  }
0x1c: {  	v3 =	vadd.s32 v1, v3;
	_ =	sdelay $0x2  }
0x1d: {  	[tilespmem:s8], [sflag:$0x1] =	stream.indirect_vreg.gather [hbm4b:s3+s2], $0x80, v4, vm0, $0xb8;
	[tilespmem:$0x8080] =	vst v63  }
0x1e: {  	_ = 	snop  }
0x1f: {  	[tilespmem:s9], [sflag:$0x1] =	stream.indirect_vreg.gather [hbm4b:s3+s2], $0x80, v3, vm0, $0xb8;
	[tilespmem:$0x8080] =	vst v63  }
0x20: {  	v3 =	vld [tilespmem:$0x10];
	_ =	sdelay $0x4  }
0x21: {  	v57 =	vshll.u32 v3, $0x1  }
0x22: {  	v3 =	vand.u32 $0x7, v3;
	v4 =	vand.u32 $0xFFFFFFF0, v57  }
0x23: {  	v3 =	vor.u32 v3, v4  }
0x24: {  	v4 =	vperm.xlane v3, v0;
	_ =	sdelay $0x1  }
0x25: {  	v3 =	vperm.xlane v3, v2;
	v4 =	vadd.s32 v1, v4;
	_ =	sdelay $0x1  }
0x26: {  	v3 =	vadd.s32 v1, v3;
	_ =	sdelay $0x2  }
0x27: {  	[tilespmem:s10], [sflag:$0x1] =	stream.indirect_vreg.gather [hbm4b:s3+s2], $0x80, v4, vm0, $0xb8;
	[tilespmem:$0x8080] =	vst v63  }
0x28: {  	_ = 	snop  }
0x29: {  	[tilespmem:s11], [sflag:$0x1] =	stream.indirect_vreg.gather [hbm4b:s3+s2], $0x80, v3, vm0, $0xb8;
	[tilespmem:$0x8080] =	vst v63  }
0x2a: {  	v3 =	vld [tilespmem:$0x20];
	_ =	sdelay $0x4  }
0x2b: {  	v58 =	vshll.u32 v3, $0x1  }
0x2c: {  	v3 =	vand.u32 $0x7, v3;
	v4 =	vand.u32 $0xFFFFFFF0, v58  }
0x2d: {  	v3 =	vor.u32 v3, v4  }
0x2e: {  	v4 =	vperm.xlane v3, v0;
	_ =	sdelay $0x1  }
0x2f: {  	v3 =	vperm.xlane v3, v2;
	v4 =	vadd.s32 v1, v4;
	_ =	sdelay $0x1  }
0x30: {  	v3 =	vadd.s32 v1, v3;
	_ =	sdelay $0x2  }
0x31: {  	[tilespmem:s12], [sflag:$0x1] =	stream.indirect_vreg.gather [hbm4b:s3+s2], $0x80, v4, vm0, $0xb8;
	[tilespmem:$0x8080] =	vst v63  }
0x32: {  	_ = 	snop  }
0x33: {  	[tilespmem:s13], [sflag:$0x1] =	stream.indirect_vreg.gather [hbm4b:s3+s2], $0x80, v3, vm0, $0xb8;
	[tilespmem:$0x8080] =	vst v63  }
0x34: {  	v3 =	vld [tilespmem:$0x30];
	_ =	sdelay $0x4  }
0x35: {  	v59 =	vshll.u32 v3, $0x1  }
0x36: {  	v3 =	vand.u32 $0x7, v3;
	v4 =	vand.u32 $0xFFFFFFF0, v59  }
0x37: {  	v3 =	vor.u32 v3, v4  }
0x38: {  	v4 =	vperm.xlane v3, v0;
	_ =	sdelay $0x1  }
0x39: {  	v3 =	vperm.xlane v3, v2;
	v4 =	vadd.s32 v1, v4;
	_ =	sdelay $0x1  }
0x3a: {  	v3 =	vadd.s32 v1, v3;
	_ =	sdelay $0x2  }
0x3b: {  	[tilespmem:s14], [sflag:$0x1] =	stream.indirect_vreg.gather [hbm4b:s3+s2], $0x80, v4, vm0, $0xb8;
	[tilespmem:$0x8080] =	vst v63  }
0x3c: {  	_ = 	snop  }
0x3d: {  	[tilespmem:s15], [sflag:$0x1] =	stream.indirect_vreg.gather [hbm4b:s3+s2], $0x80, v3, vm0, $0xb8;
	[tilespmem:$0x8080] =	vst v63  }
0x3e: {  	v3 =	vld [tilespmem:$0x40];
	_ =	sdelay $0x4  }
0x3f: {  	v60 =	vshll.u32 v3, $0x1  }
0x40: {  	v3 =	vand.u32 $0x7, v3;
	v4 =	vand.u32 $0xFFFFFFF0, v60  }
0x41: {  	v3 =	vor.u32 v3, v4  }
0x42: {  	v4 =	vperm.xlane v3, v0;
	_ =	sdelay $0x1  }
0x43: {  	v3 =	vperm.xlane v3, v2;
	v4 =	vadd.s32 v1, v4;
	_ =	sdelay $0x1  }
0x44: {  	v3 =	vadd.s32 v1, v3;
	_ =	sdelay $0x2  }
0x45: {  	[tilespmem:s16], [sflag:$0x1] =	stream.indirect_vreg.gather [hbm4b:s3+s2], $0x80, v4, vm0, $0xb8;
	[tilespmem:$0x8080] =	vst v63  }
0x46: {  	_ = 	snop  }
0x47: {  	[tilespmem:s17], [sflag:$0x1] =	stream.indirect_vreg.gather [hbm4b:s3+s2], $0x80, v3, vm0, $0xb8;
	[tilespmem:$0x8080] =	vst v63  }
0x48: {  	v3 =	vld [tilespmem:$0x50];
	_ =	sdelay $0x4  }
0x49: {  	v61 =	vshll.u32 v3, $0x1  }
0x4a: {  	v3 =	vand.u32 $0x7, v3;
	v4 =	vand.u32 $0xFFFFFFF0, v61  }
0x4b: {  	v3 =	vor.u32 v3, v4  }
0x4c: {  	v4 =	vperm.xlane v3, v0;
	_ =	sdelay $0x1  }
0x4d: {  	v3 =	vperm.xlane v3, v2;
	v4 =	vadd.s32 v1, v4;
	_ =	sdelay $0x1  }
0x4e: {  	v3 =	vadd.s32 v1, v3;
	_ =	sdelay $0x2  }
0x4f: {  	[tilespmem:s18], [sflag:$0x1] =	stream.indirect_vreg.gather [hbm4b:s3+s2], $0x80, v4, vm0, $0xb8;
	[tilespmem:$0x8080] =	vst v63  }
0x50: {  	_ = 	snop  }
0x51: {  	[tilespmem:s19], [sflag:$0x1] =	stream.indirect_vreg.gather [hbm4b:s3+s2], $0x80, v3, vm0, $0xb8;
	[tilespmem:$0x8080] =	vst v63  }
0x52: {  	v3 =	vld [tilespmem:$0x60];
	_ =	sdelay $0x4  }
0x53: {  	v62 =	vshll.u32 v3, $0x1  }
0x54: {  	v3 =	vand.u32 $0x7, v3;
	v4 =	vand.u32 $0xFFFFFFF0, v62  }
0x55: {  	v3 =	vor.u32 v3, v4  }
0x56: {  	v4 =	vperm.xlane v3, v0;
	_ =	sdelay $0x1  }
0x57: {  	v3 =	vperm.xlane v3, v2;
	v4 =	vadd.s32 v1, v4;
	_ =	sdelay $0x1  }
0x58: {  	v3 =	vadd.s32 v1, v3;
	_ =	sdelay $0x2  }
0x59: {  	[tilespmem:s20], [sflag:$0x1] =	stream.indirect_vreg.gather [hbm4b:s3+s2], $0x80, v4, vm0, $0xb8;
	[tilespmem:$0x8080] =	vst v63  }
0x5a: {  	_ = 	snop  }
0x5b: {  	[tilespmem:s21], [sflag:$0x1] =	stream.indirect_vreg.gather [hbm4b:s3+s2], $0x80, v3, vm0, $0xb8;
	[tilespmem:$0x8080] =	vst v63  }
0x5c: {  	v3 =	vld [tilespmem:$0x70];
	_ =	sdelay $0x4  }
0x5d: {  	v63 =	vshll.u32 v3, $0x1  }
0x5e: {  	v3 =	vand.u32 $0x7, v3;
	v4 =	vand.u32 $0xFFFFFFF0, v63  }
0x5f: {  	v3 =	vor.u32 v3, v4  }
0x60: {  	v4 =	vperm.xlane v3, v0;
	_ =	sdelay $0x1  }
0x61: {  	v3 =	vperm.xlane v3, v2;
	v4 =	vadd.s32 v1, v4;
	_ =	sdelay $0x1  }
0x62: {  	v3 =	vadd.s32 v1, v3;
	_ =	sdelay $0x2  }
0x63: {  	[tilespmem:s22], [sflag:$0x1] =	stream.indirect_vreg.gather [hbm4b:s3+s2], $0x80, v4, vm0, $0xb8;
	[tilespmem:$0x8080] =	vst v63  }
0x64: {  	_ = 	snop  }
0x65: {  	[tilespmem:s23], [sflag:$0x1] =	stream.indirect_vreg.gather [hbm4b:s3+s2], $0x80, v3, vm0, $0xb8;
	[tilespmem:$0x8080] =	vst v63  }
0x66: {  	_ =	swait.ge [sflag:s24], $0x8000  }
0x67: {  	p0 =	sne.s32 s28, $0x270;
	[sflag:s24] =	ssyncset.done $0x0  }
.Ltmp0:
0x68: {  	[sflag:s24] =	ssyncadd.s32 $0xFFFF8000;
	(pc) =	sbr.rel @p0 .LBB2_2-.Ltmp0, $4  }
0x69: {  	[hbm4b:s26+s2] =	stream.linear.scatter [tilespmem:s8], [sflag:$0x2], $0x8000, $0x38;
	[tilespmem:$0x8080] =	vst v63  }
0x6a: {  	_ =	swait.ge [sflag:s7], $0x8000  }
0x6b: {  	[sflag:s7] =	ssyncset.done $0x0  }
0x6c: {  	s28 =	sadd.s32 $0x10, s28;
	s26 =	sadd.s32 $0x1000, s26;
	[sflag:s7] =	ssyncadd.s32 $0xFFFF8000  }
0x6d: {  	s25 =	sadd.s32 $0x1, s25  }
0x6e: {  	p0 =	sne.s32 s25, s4  }
.Ltmp1:
0x6f: {  	_ = 	snop;
	(pc) =	sbr.rel @p0 .LBB2_1-.Ltmp1, $1  }
0x70: {  	_ =	sdelay $0x3  }
0x71: {  	_ =	sfence.sel $0x180000  }
0x72: {  	[bflag:$0x0] =	sbarrier.arrive $0xFFFF  }
0x73: {  	p0 =	sne.s32 s1, $0x0;
	_ =	strace $0x9000004D  }
0x74: {  	s0 =	sadd.s32 @!p0 $0x100000, s0;
	[bflag:$0x2] =	sbarrier.arrive $0xFFFF  }
0x75: {  	[sflag:s0] =	ssyncadd.tile.s32 @!p0 $0x1;
	_ =	shalt  }
.Lfunc_end2:
_tile_overlayer_lowered:
.L_overlay_start_2:
0x76: {  	(tag) =	ssettag $0x2  }
0x77: {  	s0 =	rddreg [dreg:$0x0];
	s2 =	stileid.u32  }
0x78: {  	s1 =	rddreg [dreg:$0x1];
	p0 =	sne.s32 s2, $0x0  }
0x79: {  	s3 =	rddreg [dreg:$0x2];
	[bflag:$0x3] =	sbarrier.arrive $0xFFFF;
	s2 =	simm.s32 @!p0 $0x1C02  }
0x7a: {  	[timem:s3], [sflag:s2] =	dma.local @!p0 [hbm:s0], s1  }
0x7b: {  	s0 =	simm.s32 @!p0 $0x2  }
0x7c: {  	_ =	swait.ge @!p0 [sflag:s0], s1  }
0x7d: {  	s1 =	ssub.s32 @!p0 $0x0, s1;
	[sflag:s0] =	ssyncset.done @!p0 $0x0  }
0x7e: {  	[sflag:s0] =	ssyncadd.s32 @!p0 s1  }
0x7f: {  	[bflag:$0x3] =	sbarrier.arrive $0xFFFF  }
0x80: {  	_ =	shalt  }

// kernel: kernel.28.cloned.1.call-start
scs
__scs_entry_jumppad:
0x0: {  	(pc) =	sbr.rel $0x88, $3  }
0x1: {  	(tag) =	ssettag $0x0;
	lr =	simm.s32 $0x1  }
0x2: {  	[smem:$0x3F89] =	sst lr;
	_ =	strace $0xD0000000  }
0x3: {  	_ = 	snop  }
0x4: {  	_ = 	snop  }
0x5: {  	_ = 	snop  }
0x6: {  	_ = 	snop  }
0x7: {  	_ = 	snop  }
__scs_overlays_trampoline_lowered:
0x8: {  	[smem:$0x3F98] =	sst s0  }
0x9: {  	[smem:$0x3F99] =	sst s1  }
0xa: {  	[smem:$0x3F9A] =	sst s2  }
0xb: {  	[smem:$0x3F9B] =	sst s3  }
0xc: {  	[smem:$0x3F9C] =	sst s4  }
0xd: {  	[smem:$0x3F9D] =	sst s5  }
0xe: {  	[smem:$0x3F9E] =	sst s6  }
0xf: {  	[smem:$0x3F9F] =	sst s7  }
0x10: {  	[smem:$0x3FA0] =	sst s8  }
0x11: {  	[smem:$0x3FA1] =	sst s9;
	s0 =	simm.s32 @!p0 $0x0  }
0x12: {  	s1 =	sld [smem:$0x3F87];
	s0 =	simm.s32 @p0 $0x1  }
0x13: {  	[smem:$0x3FA2] =	sst s0;
	s0 =	simm.s32 @!p1 $0x0  }
0x14: {  	s2 =	sld [smem:$0x3F86];
	s0 =	simm.s32 @p1 $0x1  }
0x15: {  	[smem:$0x3FA3] =	sst s0;
	s0 =	simm.s32 @!p2 $0x0  }
0x16: {  	s3 =	sld [smem:$0x3FDB];
	s0 =	simm.s32 @p2 $0x1  }
0x17: {  	s4 =	simm.s32 $0x1BF5;
	[smem:$0x3FA5] =	sst s0  }
0x18: {  	s0 =	sld [smem:$0x3F88];
	_ =	swait.ge [sflag:s4], $0x0  }
0x19: {  	s7 =	sld [smem:$0x3F89]  }
0x1a: {  	s8 =	sadd.s32 $0xFFFFE003, lr  }
0x1b: {  	s9 =	sadd.s32 $0xFFFFFEF7, lr;
	s5 =	simm.s32 $0xFFFFFFFF;
	p2 =	slt.u32 s8, $0xFFFFF086  }
0x1c: {  	p1 =	slt.u32 s9, $0xF7A;
	s5 =	simm.s32 @!p2 $0x0  }
0x1d: {  	s5 =	simm.s32 @p1 $0x1;
	p0 =	seq.s32 s7, s2  }
0x1e: {  	s7 =	smul.u32 @!p0 $0xF7A, s2;
	p2 =	seq.s32 @!p0 s5, $0x0  }
0x1f: {  	s9 =	smul.u32 $0xF7A, s1;
	s8 =	simm.s32 @!p0 $0x1BF5;
	p2 =	por !p2, p0  }
0x20: {  	[sflag:s8] =	ssyncset.s32 @!p0 $0xFFFFF086;
	s6 =	sadd.s32 @!p0 s3, s7;
	s7 =	simm.s32 @!p0 $0x108  }
0x21: {  	s3 =	sadd.s32 s3, s9;
	s6 =	sadd.s32 @!p0 $0x88, s6;
	s7 =	simm.s32 @p2 $0x1082  }
0x22: {  	[simem:s7], [sflag:s8] =	dma.local @!p0 [hbm:s6], $0xF7A  }
0x23: {  	s9 =	sor.u32 $0xD0000000, s2;
	s6 =	simm.s32 $0x108;
	_ =	swait.ge @!p0 [sflag:s8], $0x0  }
0x24: {  	s3 =	sadd.s32 $0x88, s3;
	s6 =	simm.s32 @!p1 $0x1082;
	[sflag:s4] =	ssyncset.s32 $0xFFFFF086  }
0x25: {  	[simem:s6], [sflag:s4] =	dma.local [hbm:s3], $0xF7A  }
0x26: {  	[smem:$0x3F89] =	sst s1;
	(tag) =	ssettag s2;
	_ =	strace s9  }
0x27: {  	s1 =	sld [smem:$0x3F99]  }
0x28: {  	s2 =	sld [smem:$0x3F9A]  }
0x29: {  	s4 =	sld [smem:$0x3F9C]  }
0x2a: {  	p0 =	seq.s32 s5, $0x0;
	s5 =	sld [smem:$0x3F9D]  }
0x2b: {  	s6 =	sld [smem:$0x3F9E]  }
0x2c: {  	s7 =	sld [smem:$0x3F9F]  }
0x2d: {  	s3 =	simm.s32 $0x108;
	s8 =	sld [smem:$0x3FA0]  }
0x2e: {  	s3 =	simm.s32 @!p0 $0x1082;
	s9 =	sld [smem:$0x3FA1]  }
0x2f: {  	lr =	sadd.s32 s0, s3;
	s0 =	sld [smem:$0x3F98]  }
0x30: {  	s3 =	sld [smem:$0x3F9B]  }
0x31: {  	[smem:$0x3FA4] =	sst s10  }
0x32: {  	s10 =	sld [smem:$0x3FA2];
	_ =	sdelay $0x3  }
0x33: {  	p0 =	seq.s32 s10, $0x1;
	s10 =	sld [smem:$0x3FA4];
	_ =	sdelay $0x3  }
0x34: {  	[smem:$0x3FA4] =	sst s10  }
0x35: {  	s10 =	sld [smem:$0x3FA3];
	_ =	sdelay $0x3  }
0x36: {  	p1 =	seq.s32 s10, $0x1;
	s10 =	sld [smem:$0x3FA4];
	_ =	sdelay $0x3  }
0x37: {  	[smem:$0x3FA4] =	sst s10  }
0x38: {  	s10 =	sld [smem:$0x3FA5]  }
0x39: {  	_ = 	snop;
	(pc) =	sbr.ind lr, $3  }
0x3a: {  	_ = 	snop  }
0x3b: {  	_ = 	snop  }
0x3c: {  	p2 =	seq.s32 s10, $0x1;
	s10 =	sld [smem:$0x3FA4]  }
0x3d: {  	_ =	shalt  }
0x3e: {  	_ =	shalt  }
0x3f: {  	_ =	shalt  }
0x40: {  	_ =	shalt  }
0x41: {  	_ =	shalt  }
0x42: {  	_ =	shalt  }
0x43: {  	_ =	shalt  }
0x44: {  	_ =	shalt  }
0x45: {  	_ =	shalt  }
0x46: {  	_ =	shalt  }
0x47: {  	_ =	shalt  }
0x48: {  	_ =	shalt  }
0x49: {  	_ =	shalt  }
0x4a: {  	_ =	shalt  }
0x4b: {  	_ =	shalt  }
0x4c: {  	_ =	shalt  }
0x4d: {  	_ =	shalt  }
0x4e: {  	_ =	shalt  }
0x4f: {  	_ =	shalt  }
0x50: {  	_ =	shalt  }
0x51: {  	_ =	shalt  }
0x52: {  	_ =	shalt  }
0x53: {  	_ =	shalt  }
0x54: {  	_ =	shalt  }
0x55: {  	_ =	shalt  }
0x56: {  	_ =	shalt  }
0x57: {  	_ =	shalt  }
0x58: {  	_ =	shalt  }
0x59: {  	_ =	shalt  }
0x5a: {  	_ =	shalt  }
0x5b: {  	_ =	shalt  }
0x5c: {  	_ =	shalt  }
0x5d: {  	_ =	shalt  }
0x5e: {  	_ =	shalt  }
0x5f: {  	_ =	shalt  }
0x60: {  	_ =	shalt  }
0x61: {  	_ =	shalt  }
0x62: {  	_ =	shalt  }
0x63: {  	_ =	shalt  }
0x64: {  	_ =	shalt  }
0x65: {  	_ =	shalt  }
0x66: {  	_ =	shalt  }
0x67: {  	_ =	shalt  }
0x68: {  	_ =	shalt  }
0x69: {  	_ =	shalt  }
0x6a: {  	_ =	shalt  }
0x6b: {  	_ =	shalt  }
0x6c: {  	_ =	shalt  }
0x6d: {  	_ =	shalt  }
0x6e: {  	_ =	shalt  }
0x6f: {  	_ =	shalt  }
0x70: {  	_ =	shalt  }
0x71: {  	_ =	shalt  }
0x72: {  	_ =	shalt  }
0x73: {  	_ =	shalt  }
0x74: {  	_ =	shalt  }
0x75: {  	_ =	shalt  }
0x76: {  	_ =	shalt  }
0x77: {  	_ =	shalt  }
0x78: {  	_ =	shalt  }
0x79: {  	_ =	shalt  }
0x7a: {  	_ =	shalt  }
0x7b: {  	_ =	shalt  }
0x7c: {  	_ =	shalt  }
0x7d: {  	_ =	shalt  }
0x7e: {  	_ =	shalt  }
0x7f: {  	_ =	shalt  }
0x80: {  	_ =	shalt  }
0x81: {  	_ =	shalt  }
0x82: {  	_ =	shalt  }
0x83: {  	_ =	shalt  }
0x84: {  	_ =	shalt  }
0x85: {  	_ =	shalt  }
0x86: {  	_ =	shalt  }
0x87: {  	_ =	shalt  }
.Lfunc_end0:
.L_simem_size_0:
called_computation.3_lowered:
.L_overlay_start_0:
0x88: {  	s2 =	sld [smem:$0x3FD9]  }
0x89: {  	s3 =	sld [smem:$0x3FFE];
	_ =	sdelay $0x1  }
0x8a: {  	s1 =	srdreg.scid  }
0x8b: {  	s0 =	sand.u32 $0x1, s1  }
0x8c: {  	s16 =	sshll.u32 s0, $0xA;
	s2 =	sadd.s32 s3, s2  }
0x8d: {  	s2 =	sadd.s32 s2, s16  }
0x8e: {  	[smem:$0x3FB0] =	sst s2  }
0x8f: {  	_ = 	snop  }
0x90: {  	(tm) =	ssettm $0x1  }
0x91: {  	s17 =	sld [smem:$0x3FFB];
	_ =	sdelay $0x3  }
0x92: {  	_ =	strace s17  }
0x93: {  	s2 =	sld [smem:$0x3FFC];
	_ =	sdelay $0x3  }
0x94: {  	_ =	strace s2  }
0x95: {  	s2 =	sld [smem:$0x3FFD];
	_ =	sdelay $0x3  }
0x96: {  	_ =	strace s2  }
0x97: {  	_ =	strace $0x8FFFFFFF  }
0x98: {  	s18 =	sld [smem:$0x3FDB];
	_ =	sdelay $0x1  }
0x99: {  	s19 =	simm.s32 $_scs_section_size  }
0x9a: {  	s4 =	simm.s32 $_size__tile_overlayer_lowered;
	s5 =	simm.s32 $_tile_overlayer_lowered  }
0x9b: {  	s22 =	simm.s32 $0x1BFF;
	s21 =	sshll.u32 s5, $0x1;
	s2 =	sadd.s32 s19, s18  }
0x9c: {  	s6 =	simm.s32 $0x0;
	s20 =	sshll.u32 s4, $0x1;
	s4 =	sadd.s32 s21, s2  }
0x9d: {  	[timem:s6], [sflag:s22] =	dma.local [hbm:s4], s20  }
0x9e: {  	_ =	swait.ge [sflag:s22], s20  }
0x9f: {  	s3 =	ssub.s32 $0x0, s20;
	[sflag:s22] =	ssyncset.done $0x0  }
0xa0: {  	[sflag:s22] =	ssyncadd.s32 s3;
	_ =	sdelay $0x1  }
0xa1: {  	s23 =	simm.s32 $0x1B8B  }
0xa2: {  	_ =	swait.ge [sflag:s23], $0x1  }
0xa3: {  	[sflag:s23] =	ssyncset.done $0x0  }
0xa4: {  	s25 =	simm.s32 $0x1B8E;
	s24 =	sld [smem:$0x3FFE];
	[sflag:s23] =	ssyncadd.s32 $0xFFFFFFFF  }
0xa5: {  	s26 =	simm.s32 $execute0_lowered;
	[smem:$0x3FD2] =	sst s25  }
0xa6: {  	s4 =	sshll.u32 s26, $0x1;
	_ =	strace $0x8000004F;
	[dreg:$0x1] =	wrdreg $0xFFFFFFFF  }
0xa7: {  	s28 =	simm.s32 $_size_execute0_lowered;
	s2 =	sadd.s32 s2, s4;
	[dreg:$0x0] =	wrdreg $0x0  }
0xa8: {  	s4 =	sshll.u32 s28, $0x1;
	[dreg:$0x2] =	wrdreg s2  }
0xa9: {  	[dreg:$0x3] =	wrdreg s4  }
0xaa: {  	[dreg:$0x4] =	wrdreg $0xC0  }
0xab: {  	_ =	task [dreg:s6], $0x5FFFF  }
0xac: {  	[dreg:$0x1] =	wrdreg $0xFFFFFFFF  }
0xad: {  	[dreg:$0x0] =	wrdreg $0x60  }
0xae: {  	[dreg:$0x2] =	wrdreg s24  }
0xaf: {  	[dreg:$0x3] =	wrdreg $0x9  }
0xb0: {  	_ =	task.clear_ibuf [dreg:s6], $0x4FFFF;
	_ =	strace $0x9000004F  }
0xb1: {  	s29 =	simm.s32 $0x9;
	_ =	strace $0x80000051  }
0xb2: {  	_ =	swait.ge [sflag:s29], $0x1  }
0xb3: {  	[sflag:s29] =	ssyncadd.s32 $0xFFFFFFFF  }
0xb4: {  	_ =	strace $0x90000051  }
0xb5: {  	_ =	sfence  }
0xb6: {  	s30 =	sld [smem:$0x0];
	_ =	sdelay $0x2  }
0xb7: {  	s31 =	sshll.u32 s1, $0xD;
	s1 =	sshrl.u32 s1, $0x2  }
0xb8: {  	s3 =	sand.u32 $0x4000, s31;
	s1 =	sadd.s32 s1, s30  }
0xb9: {  	s0 =	sor.u32 s3, s0;
	s1 =	sshll.u32 s1, $0x11  }
0xba: {  	s0 =	sor.u32 s1, s0  }
0xbb: {  	s0 =	sadd.s32 $0x8F2B, s0  }
0xbc: {  	[sflag:s0] =	ssyncadd.remote.s32 $0x1  }
0xbd: {  	_ =	sfence.sel $0xFFFF  }
0xbe: {  	[dreg:$0x0] =	wrdreg $0xFFFFFFFF;
	(pc) =	sbr.abs _section_cstart, $3  }
0xbf: {  	[dreg:$0x1] =	wrdreg $0xFFFFFFFF  }
0xc0: {  	_ =	task.clear_ibuf [dreg:s6], $0x2FFFF;
	_ =	strace $0x9FFFFFFF  }
0xc1: {  	(tm) =	ssettm $0x7FFFFFFF  }
tec
execute0_lowered:
.L_overlay_start_1:
0x0: {  	(tag) =	ssettag $0x1  }
0x1: {  	s4 =	rddreg [dreg:$0x0]  }
0x2: {  	s0 =	rddreg [dreg:$0x1];
	s2 =	simm.s32 $0x0;
	s3 =	srdreg.scid  }
0x3: {  	s1 =	stileid.u32;
	s10 =	simm.s32 $0x1080;
	s11 =	simm.s32 $0x1880  }
0x4: {  	s12 =	simm.s32 $0x2080;
	s13 =	simm.s32 $0x2880;
	s14 =	simm.s32 $0x3080  }
0x5: {  	s15 =	simm.s32 $0x3880;
	s16 =	simm.s32 $0x4080;
	s17 =	simm.s32 $0x4880  }
0x6: {  	s18 =	simm.s32 $0x5080;
	s19 =	simm.s32 $0x5880;
	s20 =	simm.s32 $0x6080  }
0x7: {  	s21 =	simm.s32 $0x6880;
	s22 =	simm.s32 $0x7080;
	s23 =	simm.s32 $0x7880  }
0x8: {  	s24 =	simm.s32 $0x1;
	s25 =	simm.s32 $0x0;
	s6 =	smul.u32 $0x2800, s1  }
0x9: {  	[smem:$0x7FF] =	sst s2;
	s5 =	sand.u32 $0x1, s3;
	s8 =	smul.u32 $0x50000, s1  }
0xa: {  	s3 =	sadd.s32 $0xF9400, s4;
	s7 =	smul.u32 $0x1400, s5;
	s9 =	ssub.s32 $0x2, s5  }
0xb: {  	_ =	strace $0x80000050;
	s5 =	smul.u32 $0x28000, s5;
	s31 =	sshrl.u32 s9, $0x1  }
0xc: {  	s8 =	sadd.s32 s8, s4;
	s6 =	sadd.s32 s7, s6;
	s7 =	ssub.s32 s9, s31  }
0xd: {  	v2 =	vlaneseq.u32;
	s5 =	sadd.s32 s5, s8;
	s8 =	simm.s32 $0x80;
	s6 =	sshrl.u32 s6, $0x3  }
0xe: {  	vm0 =	vmmov $0xffff;
	v1 =	vshrl.u32 v2, $0x3;
	s9 =	simm.s32 $0x880;
	s5 =	sadd.s32 $0x195800, s5;
	s6 =	sadd.s32 s6, s4  }
0xf: {  	v0 =	vand.u32 $0x7, v2;
	v2 =	vor.u32 $0x8, v2;
	v1 =	vmul.u32 $0x8, v1;
	s4 =	smax.u32 s7, $0x1;
	s7 =	simm.s32 $0x2;
	s6 =	sadd.s32 $0xF4400, s6  }
.LBB2_1:
0x10: {  	s26 =	smov.u32 s5;
	s28 =	simm.s32 $0x0  }
.LBB2_2:
0x11: {  	s29 =	sadd.s32 s28, s6  }
0x12: {  	[tilespmem:s2], [sflag:$0x2] =	stream.linear.gather [hbm4b:s29+s2], $0x80, $0x38;
	[tilespmem:$0x8080] =	vst v63  }
0x13: {  	_ =	swait.ge [sflag:s7], $0x80  }
0x14: {  	[sflag:s7] =	ssyncset.done $0x0  }
0x15: {  	[sflag:s7] =	ssyncadd.s32 $0xFFFFFF80  }
0x16: {  	v3 =	vld [tilespmem:$0x0];
	_ =	sdelay $0x4  }
0x17: {  	v4 =	vshll.u32 v3, $0x1  }
0x18: {  	v3 =	vand.u32 $0x7, v3;
	v4 =	vand.u32 $0xFFFFFFF0, v4  }
0x19: {  	v3 =	vor.u32 v3, v4  }
0x1a: {  	v4 =	vperm.xlane v3, v0;
	_ =	sdelay $0x1  }
0x1b: {  	v3 =	vperm.xlane v3, v2;
	v4 =	vadd.s32 v1, v4;
	_ =	sdelay $0x1  }
0x1c: {  	v3 =	vadd.s32 v1, v3;
	_ =	sdelay $0x2  }
0x1d: {  	[tilespmem:s8], [sflag:$0x1] =	stream.indirect_vreg.gather [hbm4b:s3+s2], $0x80, v4, vm0, $0xb8;
	[tilespmem:$0x8080] =	vst v63  }
0x1e: {  	_ = 	snop  }
0x1f: {  	[tilespmem:s9], [sflag:$0x1] =	stream.indirect_vreg.gather [hbm4b:s3+s2], $0x80, v3, vm0, $0xb8;
	[tilespmem:$0x8080] =	vst v63  }
0x20: {  	v3 =	vld [tilespmem:$0x10];
	_ =	sdelay $0x4  }
0x21: {  	v57 =	vshll.u32 v3, $0x1  }
0x22: {  	v3 =	vand.u32 $0x7, v3;
	v4 =	vand.u32 $0xFFFFFFF0, v57  }
0x23: {  	v3 =	vor.u32 v3, v4  }
0x24: {  	v4 =	vperm.xlane v3, v0;
	_ =	sdelay $0x1  }
0x25: {  	v3 =	vperm.xlane v3, v2;
	v4 =	vadd.s32 v1, v4;
	_ =	sdelay $0x1  }
0x26: {  	v3 =	vadd.s32 v1, v3;
	_ =	sdelay $0x2  }
0x27: {  	[tilespmem:s10], [sflag:$0x1] =	stream.indirect_vreg.gather [hbm4b:s3+s2], $0x80, v4, vm0, $0xb8;
	[tilespmem:$0x8080] =	vst v63  }
0x28: {  	_ = 	snop  }
0x29: {  	[tilespmem:s11], [sflag:$0x1] =	stream.indirect_vreg.gather [hbm4b:s3+s2], $0x80, v3, vm0, $0xb8;
	[tilespmem:$0x8080] =	vst v63  }
0x2a: {  	v3 =	vld [tilespmem:$0x20];
	_ =	sdelay $0x4  }
0x2b: {  	v58 =	vshll.u32 v3, $0x1  }
0x2c: {  	v3 =	vand.u32 $0x7, v3;
	v4 =	vand.u32 $0xFFFFFFF0, v58  }
0x2d: {  	v3 =	vor.u32 v3, v4  }
0x2e: {  	v4 =	vperm.xlane v3, v0;
	_ =	sdelay $0x1  }
0x2f: {  	v3 =	vperm.xlane v3, v2;
	v4 =	vadd.s32 v1, v4;
	_ =	sdelay $0x1  }
0x30: {  	v3 =	vadd.s32 v1, v3;
	_ =	sdelay $0x2  }
0x31: {  	[tilespmem:s12], [sflag:$0x1] =	stream.indirect_vreg.gather [hbm4b:s3+s2], $0x80, v4, vm0, $0xb8;
	[tilespmem:$0x8080] =	vst v63  }
0x32: {  	_ = 	snop  }
0x33: {  	[tilespmem:s13], [sflag:$0x1] =	stream.indirect_vreg.gather [hbm4b:s3+s2], $0x80, v3, vm0, $0xb8;
	[tilespmem:$0x8080] =	vst v63  }
0x34: {  	v3 =	vld [tilespmem:$0x30];
	_ =	sdelay $0x4  }
0x35: {  	v59 =	vshll.u32 v3, $0x1  }
0x36: {  	v3 =	vand.u32 $0x7, v3;
	v4 =	vand.u32 $0xFFFFFFF0, v59  }
0x37: {  	v3 =	vor.u32 v3, v4  }
0x38: {  	v4 =	vperm.xlane v3, v0;
	_ =	sdelay $0x1  }
0x39: {  	v3 =	vperm.xlane v3, v2;
	v4 =	vadd.s32 v1, v4;
	_ =	sdelay $0x1  }
0x3a: {  	v3 =	vadd.s32 v1, v3;
	_ =	sdelay $0x2  }
0x3b: {  	[tilespmem:s14], [sflag:$0x1] =	stream.indirect_vreg.gather [hbm4b:s3+s2], $0x80, v4, vm0, $0xb8;
	[tilespmem:$0x8080] =	vst v63  }
0x3c: {  	_ = 	snop  }
0x3d: {  	[tilespmem:s15], [sflag:$0x1] =	stream.indirect_vreg.gather [hbm4b:s3+s2], $0x80, v3, vm0, $0xb8;
	[tilespmem:$0x8080] =	vst v63  }
0x3e: {  	v3 =	vld [tilespmem:$0x40];
	_ =	sdelay $0x4  }
0x3f: {  	v60 =	vshll.u32 v3, $0x1  }
0x40: {  	v3 =	vand.u32 $0x7, v3;
	v4 =	vand.u32 $0xFFFFFFF0, v60  }
0x41: {  	v3 =	vor.u32 v3, v4  }
0x42: {  	v4 =	vperm.xlane v3, v0;
	_ =	sdelay $0x1  }
0x43: {  	v3 =	vperm.xlane v3, v2;
	v4 =	vadd.s32 v1, v4;
	_ =	sdelay $0x1  }
0x44: {  	v3 =	vadd.s32 v1, v3;
	_ =	sdelay $0x2  }
0x45: {  	[tilespmem:s16], [sflag:$0x1] =	stream.indirect_vreg.gather [hbm4b:s3+s2], $0x80, v4, vm0, $0xb8;
	[tilespmem:$0x8080] =	vst v63  }
0x46: {  	_ = 	snop  }
0x47: {  	[tilespmem:s17], [sflag:$0x1] =	stream.indirect_vreg.gather [hbm4b:s3+s2], $0x80, v3, vm0, $0xb8;
	[tilespmem:$0x8080] =	vst v63  }
0x48: {  	v3 =	vld [tilespmem:$0x50];
	_ =	sdelay $0x4  }
0x49: {  	v61 =	vshll.u32 v3, $0x1  }
0x4a: {  	v3 =	vand.u32 $0x7, v3;
	v4 =	vand.u32 $0xFFFFFFF0, v61  }
0x4b: {  	v3 =	vor.u32 v3, v4  }
0x4c: {  	v4 =	vperm.xlane v3, v0;
	_ =	sdelay $0x1  }
0x4d: {  	v3 =	vperm.xlane v3, v2;
	v4 =	vadd.s32 v1, v4;
	_ =	sdelay $0x1  }
0x4e: {  	v3 =	vadd.s32 v1, v3;
	_ =	sdelay $0x2  }
0x4f: {  	[tilespmem:s18], [sflag:$0x1] =	stream.indirect_vreg.gather [hbm4b:s3+s2], $0x80, v4, vm0, $0xb8;
	[tilespmem:$0x8080] =	vst v63  }
0x50: {  	_ = 	snop  }
0x51: {  	[tilespmem:s19], [sflag:$0x1] =	stream.indirect_vreg.gather [hbm4b:s3+s2], $0x80, v3, vm0, $0xb8;
	[tilespmem:$0x8080] =	vst v63  }
0x52: {  	v3 =	vld [tilespmem:$0x60];
	_ =	sdelay $0x4  }
0x53: {  	v62 =	vshll.u32 v3, $0x1  }
0x54: {  	v3 =	vand.u32 $0x7, v3;
	v4 =	vand.u32 $0xFFFFFFF0, v62  }
0x55: {  	v3 =	vor.u32 v3, v4  }
0x56: {  	v4 =	vperm.xlane v3, v0;
	_ =	sdelay $0x1  }
0x57: {  	v3 =	vperm.xlane v3, v2;
	v4 =	vadd.s32 v1, v4;
	_ =	sdelay $0x1  }
0x58: {  	v3 =	vadd.s32 v1, v3;
	_ =	sdelay $0x2  }
0x59: {  	[tilespmem:s20], [sflag:$0x1] =	stream.indirect_vreg.gather [hbm4b:s3+s2], $0x80, v4, vm0, $0xb8;
	[tilespmem:$0x8080] =	vst v63  }
0x5a: {  	_ = 	snop  }
0x5b: {  	[tilespmem:s21], [sflag:$0x1] =	stream.indirect_vreg.gather [hbm4b:s3+s2], $0x80, v3, vm0, $0xb8;
	[tilespmem:$0x8080] =	vst v63  }
0x5c: {  	v3 =	vld [tilespmem:$0x70];
	_ =	sdelay $0x4  }
0x5d: {  	v63 =	vshll.u32 v3, $0x1  }
0x5e: {  	v3 =	vand.u32 $0x7, v3;
	v4 =	vand.u32 $0xFFFFFFF0, v63  }
0x5f: {  	v3 =	vor.u32 v3, v4  }
0x60: {  	v4 =	vperm.xlane v3, v0;
	_ =	sdelay $0x1  }
0x61: {  	v3 =	vperm.xlane v3, v2;
	v4 =	vadd.s32 v1, v4;
	_ =	sdelay $0x1  }
0x62: {  	v3 =	vadd.s32 v1, v3;
	_ =	sdelay $0x2  }
0x63: {  	[tilespmem:s22], [sflag:$0x1] =	stream.indirect_vreg.gather [hbm4b:s3+s2], $0x80, v4, vm0, $0xb8;
	[tilespmem:$0x8080] =	vst v63  }
0x64: {  	_ = 	snop  }
0x65: {  	[tilespmem:s23], [sflag:$0x1] =	stream.indirect_vreg.gather [hbm4b:s3+s2], $0x80, v3, vm0, $0xb8;
	[tilespmem:$0x8080] =	vst v63  }
0x66: {  	_ =	swait.ge [sflag:s24], $0x8000  }
0x67: {  	p0 =	sne.s32 s28, $0x270;
	[sflag:s24] =	ssyncset.done $0x0  }
.Ltmp0:
0x68: {  	[sflag:s24] =	ssyncadd.s32 $0xFFFF8000;
	(pc) =	sbr.rel @p0 .LBB2_2-.Ltmp0, $4  }
0x69: {  	[hbm4b:s26+s2] =	stream.linear.scatter [tilespmem:s8], [sflag:$0x2], $0x8000, $0x38;
	[tilespmem:$0x8080] =	vst v63  }
0x6a: {  	_ =	swait.ge [sflag:s7], $0x8000  }
0x6b: {  	[sflag:s7] =	ssyncset.done $0x0  }
0x6c: {  	s28 =	sadd.s32 $0x10, s28;
	s26 =	sadd.s32 $0x1000, s26;
	[sflag:s7] =	ssyncadd.s32 $0xFFFF8000  }
0x6d: {  	s25 =	sadd.s32 $0x1, s25  }
0x6e: {  	p0 =	sne.s32 s25, s4  }
.Ltmp1:
0x6f: {  	_ = 	snop;
	(pc) =	sbr.rel @p0 .LBB2_1-.Ltmp1, $1  }
0x70: {  	_ =	sdelay $0x3  }
0x71: {  	_ =	sfence.sel $0x180000  }
0x72: {  	[bflag:$0x0] =	sbarrier.arrive $0xFFFF  }
0x73: {  	p0 =	sne.s32 s1, $0x0;
	_ =	strace $0x90000050  }
0x74: {  	s0 =	sadd.s32 @!p0 $0x100000, s0;
	[bflag:$0x2] =	sbarrier.arrive $0xFFFF  }
0x75: {  	[sflag:s0] =	ssyncadd.tile.s32 @!p0 $0x1;
	_ =	shalt  }
.Lfunc_end2:
_tile_overlayer_lowered:
.L_overlay_start_2:
0x76: {  	(tag) =	ssettag $0x2  }
0x77: {  	s0 =	rddreg [dreg:$0x0];
	s2 =	stileid.u32  }
0x78: {  	s1 =	rddreg [dreg:$0x1];
	p0 =	sne.s32 s2, $0x0  }
0x79: {  	s3 =	rddreg [dreg:$0x2];
	[bflag:$0x3] =	sbarrier.arrive $0xFFFF;
	s2 =	simm.s32 @!p0 $0x1C02  }
0x7a: {  	[timem:s3], [sflag:s2] =	dma.local @!p0 [hbm:s0], s1  }
0x7b: {  	s0 =	simm.s32 @!p0 $0x2  }
0x7c: {  	_ =	swait.ge @!p0 [sflag:s0], s1  }
0x7d: {  	s1 =	ssub.s32 @!p0 $0x0, s1;
	[sflag:s0] =	ssyncset.done @!p0 $0x0  }
0x7e: {  	[sflag:s0] =	ssyncadd.s32 @!p0 s1  }
0x7f: {  	[bflag:$0x3] =	sbarrier.arrive $0xFFFF  }
0x80: {  	_ =	shalt  }

</sc_bundles>
